<compile_context>
chip_gen: v7x
topology: tpu7x:2x2x1
jax: 0.10.2.dev20260603
libtpu: 0.0.44.dev20260713+nightly
codegen_flags: <defaults>
</compile_context>

<pallas_src>
import functools

import jax
import jax.numpy as jnp
from jax import lax
from jax.experimental import pallas as pl
from jax.experimental.pallas import tpu as pltpu
from jax.experimental.pallas import tpu_sc as plsc

NN = 100000
NE = 3200000
ROW = 128
NROWS = 25600
NE_PAD = NROWS * ROW
NC, NS, NW = 2, 16, 32
RPW = NROWS // NW
RFIRE_G = 4
RFIRE_S = 8
NN_ACC = 100096
SLICE = NN_ACC // NS
EP = NE_PAD // 8
NP = NN_ACC // 8
EFR = NE_PAD // 32
BLK_E = 4096
BLK_EF = 512
BLK_N = 736


def _leaky(x):
    return jnp.where(x > 0, x, 0.01 * x)


def _dot_acc(x, m):
    hi = x.astype(jnp.bfloat16).astype(jnp.float32)
    lo = x - hi
    return (jnp.dot(hi, m, preferred_element_type=jnp.float32) +
            jnp.dot(lo, m, preferred_element_type=jnp.float32))



def _mlp_packed(xs, blks, w1s, b1, w2, b2, w3, b3, g, b, mavg, out_rows,
                out_cols, out_blk, residual=None, psum_idx=None,
                mid_split=1):
    n_x = len(xs)
    grid = (out_rows // out_blk,)

    def body(*refs):
        x_refs = refs[:n_x]
        o_ref = refs[-1]
        it = iter(refs[n_x:-1])
        streams = []
        for i, xr in enumerate(x_refs):
            if i == psum_idx:
                streams.append(xr[0] + xr[1])
            else:
                streams.append(xr[...])
        z = None
        for xv in streams:
            w1r = next(it)
            t = jnp.dot(xv, w1r[...], preferred_element_type=jnp.float32)
            z = t if z is None else z + t
        b1r = next(it)
        z = z + b1r[...]
        if mid_split > 1:
            r0, c0 = z.shape
            z = z.reshape(r0 * mid_split, c0 // mid_split)
        z = _leaky(z)
        w2r, b2r = next(it), next(it)
        z = _leaky(jnp.dot(z, w2r[...], preferred_element_type=jnp.float32)
                   + b2r[...])
        w3r, b3r = next(it), next(it)
        f = jnp.dot(z, w3r[...], preferred_element_type=jnp.float32) + b3r[...]
        if g is not None:
            gr, br, mr = next(it), next(it), next(it)
            mu = _dot_acc(f, mr[...])
            var = _dot_acc((f - mu) * (f - mu), mr[...])
            f = (f - mu) * lax.rsqrt(var + 1e-5) * gr[...] + br[...]
        if residual is not None:
            f = f + streams[residual]
        o_ref[...] = f

    in_specs = []
    operands = []
    for i, x in enumerate(xs):
        if i == psum_idx:
            in_specs.append(pl.BlockSpec((2, blks[i], 128),
                                         lambda i: (0, i, 0)))
        else:
            in_specs.append(pl.BlockSpec((blks[i], x.shape[1]),
                                         lambda i: (i, 0)))
        operands.append(x)
    wlist = list(w1s) + [b1, w2, b2, w3, b3]
    if g is not None:
        wlist += [g, b, mavg]
    for w in wlist:
        in_specs.append(pl.BlockSpec(w.shape, lambda i, _r=len(w.shape): (0,) * _r))
        operands.append(w)
    return pl.pallas_call(
        body,
        grid=grid,
        in_specs=in_specs,
        out_specs=pl.BlockSpec((out_blk, out_cols), lambda i: (i, 0)),
        out_shape=jax.ShapeDtypeStruct((out_rows, out_cols), jnp.float32),
    )(*operands)


def _prep_packed(p, n_split, kin, kout=8):
    wi = p['Wi']
    h = wi.shape[0]
    w1s = []
    off = 0
    for f, k in zip(n_split, kin):
        blk = jnp.transpose(wi[:, off:off + f])
        w1s.append(jnp.kron(jnp.eye(k, dtype=jnp.float32), blk))
        off += f
    k0 = kin[0]
    b1 = jnp.tile(p['bi'].reshape(1, -1), (1, k0))
    wh, bh = p['hidden'][0]
    w2 = jnp.kron(jnp.eye(kout, dtype=jnp.float32), jnp.transpose(wh))
    b2 = jnp.tile(bh.reshape(1, -1), (1, kout))
    w3 = jnp.kron(jnp.eye(kout, dtype=jnp.float32), jnp.transpose(p['Wo']))
    b3 = jnp.tile(p['bo'].reshape(1, -1), (1, kout))
    out_f = p['Wo'].shape[0]
    if 'g' in p:
        g = jnp.tile(p['g'].reshape(1, -1), (1, kout))
        b = jnp.tile(p['b'].reshape(1, -1), (1, kout))
        mavg = jnp.kron(jnp.eye(kout, dtype=jnp.float32),
                        jnp.full((out_f, out_f), 1.0 / out_f, jnp.float32))
    else:
        g = b = mavg = None
    return w1s, b1, w2, b2, w3, b3, g, b, mavg



def _sc_gather(n_tbl, src2d, dst2d):
    mesh = plsc.VectorSubcoreMesh(core_axis_name="c", subcore_axis_name="s")

    @functools.partial(
        pl.kernel,
        mesh=mesh,
        compiler_params=pltpu.CompilerParams(use_tc_tiling_on_sc=False),
        out_type=(
            jax.ShapeDtypeStruct((NE_PAD, 16), jnp.float32),
            jax.ShapeDtypeStruct((NE_PAD, 16), jnp.float32),
        ),
        scratch_types=[
            pltpu.VMEM_SHARED((NN_ACC, 16), jnp.float32),
            pltpu.VMEM((RFIRE_G, ROW), jnp.int32),
            pltpu.VMEM((RFIRE_G, ROW), jnp.int32),
            pltpu.VMEM((RFIRE_G * ROW, 16), jnp.float32),
            pltpu.VMEM((RFIRE_G * ROW, 16), jnp.float32),
            pltpu.SemaphoreType.DMA,
            pltpu.SemaphoreType.DMA,
        ],
    )
    def k(tbl_hbm, src_hbm, dst_hbm, ns_hbm, nd_hbm,
          tbl_sh, idx_s, idx_d, rows_s, rows_d, sem_s, sem_d):
        c = lax.axis_index("c")
        s = lax.axis_index("s")
        wid = s * NC + c
        pltpu.sync_copy(tbl_hbm.at[pl.ds(s * SLICE, SLICE)],
                        tbl_sh.at[pl.ds(s * SLICE, SLICE)])
        plsc.subcore_barrier()
        base_row = wid * RPW

        def outer(t, _):
            r0 = base_row + t * RFIRE_G
            pltpu.sync_copy(src_hbm.at[pl.ds(r0, RFIRE_G)], idx_s)
            pltpu.sync_copy(dst_hbm.at[pl.ds(r0, RFIRE_G)], idx_d)
            cps = [pltpu.async_copy(tbl_sh.at[idx_s.at[j]],
                                    rows_s.at[pl.ds(j * ROW, ROW)], sem_s)
                   for j in range(RFIRE_G)]
            cpd = [pltpu.async_copy(tbl_sh.at[idx_d.at[j]],
                                    rows_d.at[pl.ds(j * ROW, ROW)], sem_d)
                   for j in range(RFIRE_G)]
            for cp in cps:
                cp.wait()
            for cp in cpd:
                cp.wait()
            pltpu.sync_copy(rows_s, ns_hbm.at[pl.ds(r0 * ROW, RFIRE_G * ROW)])
            pltpu.sync_copy(rows_d, nd_hbm.at[pl.ds(r0 * ROW, RFIRE_G * ROW)])
            return 0

        lax.fori_loop(0, RPW // RFIRE_G, outer, 0)

    return k(n_tbl, src2d, dst2d)



def _sc_scatter(e_pad, dst2d_acc, zeros_slice):
    mesh = plsc.VectorSubcoreMesh(core_axis_name="c", subcore_axis_name="s")

    @functools.partial(
        pl.kernel,
        mesh=mesh,
        compiler_params=pltpu.CompilerParams(use_tc_tiling_on_sc=False),
        out_type=jax.ShapeDtypeStruct((2, NN_ACC, 16), jnp.float32),
        scratch_types=[
            pltpu.VMEM_SHARED((NN_ACC, 16), jnp.float32),
            pltpu.VMEM((RFIRE_S * ROW, 16), jnp.float32),
            pltpu.VMEM((RFIRE_S, ROW), jnp.int32),
            pltpu.SemaphoreType.DMA,
        ],
    )
    def k(e_hbm, dst_hbm, z_hbm, out_hbm, acc_sh, e_v, idx_v, sem):
        c = lax.axis_index("c")
        s = lax.axis_index("s")
        pltpu.sync_copy(z_hbm, acc_sh.at[pl.ds(s * SLICE, SLICE)])
        plsc.subcore_barrier()
        base_row = (c * NS + s) * RPW

        def outer(t, _):
            r0 = base_row + t * RFIRE_S
            pltpu.sync_copy(e_hbm.at[pl.ds(r0 * ROW, RFIRE_S * ROW)], e_v)
            pltpu.sync_copy(dst_hbm.at[pl.ds(r0, RFIRE_S)], idx_v)
            cps = [pltpu.async_copy(e_v.at[pl.ds(j * ROW, ROW)],
                                    acc_sh.at[idx_v.at[j]], sem, add=True)
                   for j in range(RFIRE_S)]
            for cp in cps:
                cp.wait()
            return 0

        lax.fori_loop(0, RPW // RFIRE_S, outer, 0)
        plsc.subcore_barrier()
        pltpu.sync_copy(acc_sh.at[pl.ds(s * SLICE, SLICE)],
                        out_hbm.at[c].at[pl.ds(s * SLICE, SLICE)])

    return k(e_pad, dst2d_acc, zeros_slice)



def kernel(nfeatures, efeatures, params, edge_index):
    src = edge_index[0].astype(jnp.int32)
    dst = edge_index[1].astype(jnp.int32)
    pad = NE_PAD - NE
    fill = (jnp.arange(pad, dtype=jnp.int32) % NN)
    src2d = jnp.concatenate([src, fill]).reshape(NROWS, ROW)
    dst2d = jnp.concatenate([dst, fill]).reshape(NROWS, ROW)
    fill_acc = NN + (jnp.arange(pad, dtype=jnp.int32) % (NN_ACC - NN))
    dst2d_acc = jnp.concatenate([dst, fill_acc]).reshape(NROWS, ROW)
    zeros_slice = jnp.zeros((SLICE, 16), jnp.float32)

    ef_cols = [
        jnp.pad(efeatures[:, k].reshape(NE // 32, 32),
                ((0, EFR - NE // 32), (0, 0)))
        for k in range(4)
    ]
    nf128 = jnp.pad(nfeatures.reshape(NN // 8, 128),
                    ((0, NP - NN // 8), (0, 0)))

    pn = _prep_packed(params['enc_n'], [16], [8])
    n_p = _mlp_packed([nf128], [BLK_N], *pn, out_rows=NP, out_cols=128,
                      out_blk=BLK_N)
    pe = _prep_packed(params['enc_e'], [1, 1, 1, 1], [32, 32, 32, 32])
    e_p = _mlp_packed(ef_cols, [BLK_EF] * 4, *pe, out_rows=EP, out_cols=128,
                      out_blk=BLK_EF * 4, mid_split=4)

    for i in range(2):
        ns, nd = _sc_gather(n_p.reshape(NN_ACC, 16), src2d, dst2d)
        ns_p = ns.reshape(EP, 128)
        nd_p = nd.reshape(EP, 128)
        pp = _prep_packed(params['proc_e'][i], [16, 16, 16], [8, 8, 8])
        e_p = _mlp_packed([e_p, ns_p, nd_p], [BLK_E] * 3, *pp, out_rows=EP,
                          out_cols=128, out_blk=BLK_E, residual=0)
        psum = _sc_scatter(e_p.reshape(NE_PAD, 16), dst2d_acc, zeros_slice)
        psum_p = psum.reshape(2, NP, 128)
        pq = _prep_packed(params['proc_n'][i], [16, 16], [8, 8])
        n_p = _mlp_packed([n_p, psum_p], [BLK_N, BLK_N], *pq, out_rows=NP,
                          out_cols=128, out_blk=BLK_N, residual=0,
                          psum_idx=1)

    pd = _prep_packed(params['dec'], [16], [8])
    out_p = _mlp_packed([n_p], [BLK_N], *pd, out_rows=NP, out_cols=16,
                        out_blk=BLK_N)
    return out_p[:NN // 8].reshape(NN, 2)

# --- scband reference (transcript-rebuilt; emitter-appended) ---
"""Pipeline reference for scband-mesh-graph-net-34162169872713 (READ-ONLY COPY).

The authoritative reference and input builder live on the scoring server;
editing this copy changes nothing except your own understanding.
"""

import jax, jax.numpy as jnp
import numpy as np

N_NODES = 100000
N_EDGES = 3200000
INFEAT_N = 16
INFEAT_E = 4
LATENT = 16
MLP_LATENT = 32
N_HIDDEN = 1
ITERS = 2
OUT = 2


def _linear_params(key, in_f, out_f):
    k1, k2 = jax.random.split(key)
    bound = 1.0 / np.sqrt(in_f)
    W = jax.random.uniform(k1, (out_f, in_f), minval=-bound, maxval=bound, dtype=jnp.float32)
    b = jax.random.uniform(k2, (out_f,), minval=-bound, maxval=bound, dtype=jnp.float32)
    return W, b


def _mlp_params(key, in_f, out_f, latent, n_h, normalize):
    keys = jax.random.split(key, n_h + 2)
    p = {}
    p['Wi'], p['bi'] = _linear_params(keys[0], in_f, latent)
    p['hidden'] = [list(_linear_params(keys[1 + i], latent, latent)) for i in range(n_h)]
    p['Wo'], p['bo'] = _linear_params(keys[n_h + 1], latent, out_f)
    if normalize:
        p['g'] = jnp.ones((out_f,), jnp.float32)
        p['b'] = jnp.zeros((out_f,), jnp.float32)
    return p


def _mlp(p, x):
    f = x @ p['Wi'].T + p['bi']
    f = jax.nn.leaky_relu(f, 0.01)
    for Wh, bh in p['hidden']:
        f = f @ Wh.T + bh
        f = jax.nn.leaky_relu(f, 0.01)
    f = f @ p['Wo'].T + p['bo']
    if 'g' in p:
        mu = jnp.mean(f, axis=-1, keepdims=True)
        var = jnp.var(f, axis=-1, keepdims=True)
        f = (f - mu) / jnp.sqrt(var + 1e-5) * p['g'] + p['b']
    return f


def setup_inputs(seed: int = 0):
    key = jax.random.key(seed)
    ks = jax.random.split(key, 8)
    nfeatures = jax.random.normal(ks[0], (N_NODES, INFEAT_N), dtype=jnp.float32)
    efeatures = jax.random.normal(ks[1], (N_EDGES, INFEAT_E), dtype=jnp.float32)
    edge_index = jax.random.randint(ks[2], (2, N_EDGES), 0, N_NODES, dtype=jnp.int32)
    params = {
        'enc_n': _mlp_params(ks[3], INFEAT_N, LATENT, MLP_LATENT, N_HIDDEN, True),
        'enc_e': _mlp_params(ks[4], INFEAT_E, LATENT, MLP_LATENT, N_HIDDEN, True),
        'proc_e': [_mlp_params(jax.random.fold_in(ks[5], i), 3 * LATENT, LATENT, MLP_LATENT, N_HIDDEN, True) for i in range(ITERS)],
        'proc_n': [_mlp_params(jax.random.fold_in(ks[6], i), 2 * LATENT, LATENT, MLP_LATENT, N_HIDDEN, True) for i in range(ITERS)],
        'dec': _mlp_params(ks[7], LATENT, OUT, MLP_LATENT, N_HIDDEN, False),
    }
    return {'nfeatures': nfeatures, 'efeatures': efeatures, 'params': params, 'edge_index': edge_index}


def reference(nfeatures, efeatures, params, edge_index):
    src = edge_index[0]
    dst = edge_index[1]
    n = _mlp(params['enc_n'], nfeatures)
    e = _mlp(params['enc_e'], efeatures)
    for i in range(ITERS):
        ecat = jnp.concatenate([e, n[src], n[dst]], axis=1)
        e = _mlp(params['proc_e'][i], ecat) + e
        pe_sum = jax.ops.segment_sum(e, dst, num_segments=N_NODES)
        ncat = jnp.concatenate([n, pe_sum], axis=1)
        n = _mlp(params['proc_n'][i], ncat) + n
    return _mlp(params['dec'], n)

if __name__ == "__main__":
    import jax
    _d = setup_inputs()
    print(jax.jit(kernel)(*tuple(_d.values())))

</pallas_src>

<mosaic_0001>
#map = affine_map<(d0, d1) -> (0, 0)>
module attributes {stable_mosaic.version = 14 : i64} {
  func.func @k(%arg0: i32, %arg1: i32, %arg2: memref<100096x16xf32, #tpu.memory_space<hbm>>, %arg3: memref<25600x128xi32, #tpu.memory_space<hbm>>, %arg4: memref<25600x128xi32, #tpu.memory_space<hbm>>, %arg5: memref<3276800x16xf32, #tpu.memory_space<hbm>>, %arg6: memref<3276800x16xf32, #tpu.memory_space<hbm>>, %arg7: memref<100096x16xf32, #tpu.memory_space<vmem_shared>>, %arg8: memref<4x128xi32, #tpu.memory_space<vmem>>, %arg9: memref<4x128xi32, #tpu.memory_space<vmem>>, %arg10: memref<512x16xf32, #tpu.memory_space<vmem>>, %arg11: memref<512x16xf32, #tpu.memory_space<vmem>>, %arg12: memref<!tpu.dma_semaphore, #tpu.memory_space<semaphore_mem>>, %arg13: memref<!tpu.dma_semaphore, #tpu.memory_space<semaphore_mem>>) attributes {dimension_semantics = [#tpu.dimension_semantics<core_parallel>, #tpu.dimension_semantics<subcore_parallel>], iteration_bounds = array<i64: 2, 16>, scalar_prefetch = 0 : i64, scratch_operands = 7 : i64, tpu.core_type = #tpu.core_type<sc_vector_subcore>, window_params = [{transform_indices = #map}, {transform_indices = #map}, {transform_indices = #map}, {transform_indices = #map}, {transform_indices = #map}]} {
    %mul3A = arith.constant 2 : i32
    %mul3A_0 = arith.muli %arg1, %mul3A : i32
    %add3A = arith.addi %mul3A_0, %arg0 : i32
    %mul3A_1 = arith.constant 6256 : i32
    %mul3A_2 = arith.muli %arg1, %mul3A_1 : i32
    %mul3A_3 = arith.constant 6256 : i32
    %mul3A_4 = arith.muli %arg1, %mul3A_3 : i32
    "tpu.region"() ({
      %run_scoped3A = tpu.sem_alloc : memref<!tpu.dma_semaphore, #tpu.memory_space<semaphore_mem>>
      %dma_start3A = arith.constant 0 : i32
      %dma_start3A_13 = tpu.memref_slice %arg7[%mul3A_4, %dma_start3A] : memref<100096x16xf32, #tpu.memory_space<vmem_shared>> -> memref<6256x16xf32, #tpu.memory_space<vmem_shared>>
      %dma_start3A_14 = arith.constant 0 : i32
      %dma_start3A_15 = tpu.memref_slice %arg2[%mul3A_2, %dma_start3A_14] : memref<100096x16xf32, #tpu.memory_space<hbm>> -> memref<6256x16xf32, #tpu.memory_space<hbm>>
      tpu.enqueue_dma source(%dma_start3A_15 : memref<6256x16xf32, #tpu.memory_space<hbm>>) target(%dma_start3A_13 : memref<6256x16xf32, #tpu.memory_space<vmem_shared>>) target_semaphore(%run_scoped3A : memref<!tpu.dma_semaphore, #tpu.memory_space<semaphore_mem>>)
      %dma_wait3A = arith.constant 0 : i32
      %dma_wait3A_16 = tpu.memref_slice %arg7[%mul3A_4, %dma_wait3A] : memref<100096x16xf32, #tpu.memory_space<vmem_shared>> -> memref<6256x16xf32, #tpu.memory_space<vmem_shared>>
      %dma_wait3A_17 = arith.constant 0 : i32
      %dma_wait3A_18 = tpu.memref_slice %arg2[%mul3A_2, %dma_wait3A_17] : memref<100096x16xf32, #tpu.memory_space<hbm>> -> memref<6256x16xf32, #tpu.memory_space<hbm>>
      tpu.wait_dma2 semaphore(%run_scoped3A : memref<!tpu.dma_semaphore, #tpu.memory_space<semaphore_mem>>) src(%dma_wait3A_18 : memref<6256x16xf32, #tpu.memory_space<hbm>>) dst(%dma_wait3A_16 : memref<6256x16xf32, #tpu.memory_space<vmem_shared>>)
      tpu.yield
    }) : () -> ()
    %barrier3A = arith.constant 0 : index
    tpu.barrier barrier_id(%barrier3A)
    %mul3A_5 = arith.constant 800 : i32
    %mul3A_6 = arith.muli %add3A, %mul3A_5 : i32
    %scan3A = arith.constant 0 : i32
    %scan3A_7 = arith.constant 0 : i32
    %scan3A_8 = arith.constant 200 : i32
    %scan3A_9 = arith.addi %scan3A_7, %scan3A_8 : i32
    %scan3A_10 = arith.constant 1 : i32
    %scan3A_11 = scf.for %scan3A_13 = %scan3A_7 to %scan3A_9 step %scan3A_10 iter_args(%scan3A_14 = %scan3A) -> (i32)  : i32 {
      %mul3A_15 = arith.constant 4 : i32
      %mul3A_16 = arith.muli %scan3A_13, %mul3A_15 : i32
      %add3A_17 = arith.addi %mul3A_6, %mul3A_16 : i32
      "tpu.region"() ({
        %run_scoped3A = tpu.sem_alloc : memref<!tpu.dma_semaphore, #tpu.memory_space<semaphore_mem>>
        %dma_start3A_181 = arith.constant 0 : i32
        %dma_start3A_182 = tpu.memref_slice %arg3[%add3A_17, %dma_start3A_181] : memref<25600x128xi32, #tpu.memory_space<hbm>> -> memref<4x128xi32, #tpu.memory_space<hbm>>
        %dma_start3A_183 = arith.constant 0 : i32
        %dma_start3A_184 = tpu.memref_slice %arg3[%add3A_17, %dma_start3A_183] : memref<25600x128xi32, #tpu.memory_space<hbm>> -> memref<4x128xi32, #tpu.memory_space<hbm>>
        tpu.enqueue_dma source(%dma_start3A_184 : memref<4x128xi32, #tpu.memory_space<hbm>>) target(%arg8 : memref<4x128xi32, #tpu.memory_space<vmem>>) target_semaphore(%run_scoped3A : memref<!tpu.dma_semaphore, #tpu.memory_space<semaphore_mem>>)
        %dma_wait3A_185 = arith.constant 0 : i32
        %dma_wait3A_186 = tpu.memref_slice %arg3[%add3A_17, %dma_wait3A_185] : memref<25600x128xi32, #tpu.memory_space<hbm>> -> memref<4x128xi32, #tpu.memory_space<hbm>>
        %dma_wait3A_187 = arith.constant 0 : i32
        %dma_wait3A_188 = tpu.memref_slice %arg3[%add3A_17, %dma_wait3A_187] : memref<25600x128xi32, #tpu.memory_space<hbm>> -> memref<4x128xi32, #tpu.memory_space<hbm>>
        tpu.wait_dma2 semaphore(%run_scoped3A : memref<!tpu.dma_semaphore, #tpu.memory_space<semaphore_mem>>) src(%dma_wait3A_188 : memref<4x128xi32, #tpu.memory_space<hbm>>) dst(%arg8 : memref<4x128xi32, #tpu.memory_space<vmem>>)
        tpu.yield
      }) : () -> ()
      "tpu.region"() ({
        %run_scoped3A = tpu.sem_alloc : memref<!tpu.dma_semaphore, #tpu.memory_space<semaphore_mem>>
        %dma_start3A_181 = arith.constant 0 : i32
        %dma_start3A_182 = tpu.memref_slice %arg4[%add3A_17, %dma_start3A_181] : memref<25600x128xi32, #tpu.memory_space<hbm>> -> memref<4x128xi32, #tpu.memory_space<hbm>>
        %dma_start3A_183 = arith.constant 0 : i32
        %dma_start3A_184 = tpu.memref_slice %arg4[%add3A_17, %dma_start3A_183] : memref<25600x128xi32, #tpu.memory_space<hbm>> -> memref<4x128xi32, #tpu.memory_space<hbm>>
        tpu.enqueue_dma source(%dma_start3A_184 : memref<4x128xi32, #tpu.memory_space<hbm>>) target(%arg9 : memref<4x128xi32, #tpu.memory_space<vmem>>) target_semaphore(%run_scoped3A : memref<!tpu.dma_semaphore, #tpu.memory_space<semaphore_mem>>)
        %dma_wait3A_185 = arith.constant 0 : i32
        %dma_wait3A_186 = tpu.memref_slice %arg4[%add3A_17, %dma_wait3A_185] : memref<25600x128xi32, #tpu.memory_space<hbm>> -> memref<4x128xi32, #tpu.memory_space<hbm>>
        %dma_wait3A_187 = arith.constant 0 : i32
        %dma_wait3A_188 = tpu.memref_slice %arg4[%add3A_17, %dma_wait3A_187] : memref<25600x128xi32, #tpu.memory_space<hbm>> -> memref<4x128xi32, #tpu.memory_space<hbm>>
        tpu.wait_dma2 semaphore(%run_scoped3A : memref<!tpu.dma_semaphore, #tpu.memory_space<semaphore_mem>>) src(%dma_wait3A_188 : memref<4x128xi32, #tpu.memory_space<hbm>>) dst(%arg9 : memref<4x128xi32, #tpu.memory_space<vmem>>)
        tpu.yield
      }) : () -> ()
      %dma_start3A = arith.constant 0 : i32
      %dma_start3A_18 = arith.constant 0 : i32
      %dma_start3A_19 = arith.constant 0 : i32
      %dma_start3A_20 = tpu.memref_slice %arg10[%dma_start3A_18, %dma_start3A_19] : memref<512x16xf32, #tpu.memory_space<vmem>> -> memref<128x16xf32, #tpu.memory_space<vmem>>
      %dma_start3A_21 = arith.constant 0 : i32
      %dma_start3A_22 = tpu.memref_slice %arg8[%dma_start3A, %dma_start3A_21] : memref<4x128xi32, #tpu.memory_space<vmem>> -> memref<1x128xi32, #tpu.memory_space<vmem>>
      %dma_start3A_23 = tpu.memref_squeeze %dma_start3A_22 : memref<1x128xi32, #tpu.memory_space<vmem>> -> memref<128xi32, #tpu.memory_space<vmem>>
      %dma_start3A_24 = arith.constant 0 : i32
      %dma_start3A_25 = arith.constant 0 : i32
      %dma_start3A_26 = tpu.memref_slice %arg7[%dma_start3A_24, %dma_start3A_25] : memref<100096x16xf32, #tpu.memory_space<vmem_shared>> -> memref<100096x16xf32, #tpu.memory_space<vmem_shared>>
      tpu.enqueue_indirect_dma source(%dma_start3A_26 : memref<100096x16xf32, #tpu.memory_space<vmem_shared>>) target(%dma_start3A_20 : memref<128x16xf32, #tpu.memory_space<vmem>>) offsets(%dma_start3A_23 : memref<128xi32, #tpu.memory_space<vmem>>) semaphore(%arg12 : memref<!tpu.dma_semaphore, #tpu.memory_space<semaphore_mem>>)
      %dma_start3A_27 = arith.constant 1 : i32
      %dma_start3A_28 = arith.constant 128 : i32
      %dma_start3A_29 = arith.constant 0 : i32
      %dma_start3A_30 = tpu.memref_slice %arg10[%dma_start3A_28, %dma_start3A_29] : memref<512x16xf32, #tpu.memory_space<vmem>> -> memref<128x16xf32, #tpu.memory_space<vmem>>
      %dma_start3A_31 = arith.constant 0 : i32
      %dma_start3A_32 = tpu.memref_slice %arg8[%dma_start3A_27, %dma_start3A_31] : memref<4x128xi32, #tpu.memory_space<vmem>> -> memref<1x128xi32, #tpu.memory_space<vmem>>
      %dma_start3A_33 = tpu.memref_squeeze %dma_start3A_32 : memref<1x128xi32, #tpu.memory_space<vmem>> -> memref<128xi32, #tpu.memory_space<vmem>>
      %dma_start3A_34 = arith.constant 0 : i32
      %dma_start3A_35 = arith.constant 0 : i32
      %dma_start3A_36 = tpu.memref_slice %arg7[%dma_start3A_34, %dma_start3A_35] : memref<100096x16xf32, #tpu.memory_space<vmem_shared>> -> memref<100096x16xf32, #tpu.memory_space<vmem_shared>>
      tpu.enqueue_indirect_dma source(%dma_start3A_36 : memref<100096x16xf32, #tpu.memory_space<vmem_shared>>) target(%dma_start3A_30 : memref<128x16xf32, #tpu.memory_space<vmem>>) offsets(%dma_start3A_33 : memref<128xi32, #tpu.memory_space<vmem>>) semaphore(%arg12 : memref<!tpu.dma_semaphore, #tpu.memory_space<semaphore_mem>>)
      %dma_start3A_37 = arith.constant 2 : i32
      %dma_start3A_38 = arith.constant 256 : i32
      %dma_start3A_39 = arith.constant 0 : i32
      %dma_start3A_40 = tpu.memref_slice %arg10[%dma_start3A_38, %dma_start3A_39] : memref<512x16xf32, #tpu.memory_space<vmem>> -> memref<128x16xf32, #tpu.memory_space<vmem>>
      %dma_start3A_41 = arith.constant 0 : i32
      %dma_start3A_42 = tpu.memref_slice %arg8[%dma_start3A_37, %dma_start3A_41] : memref<4x128xi32, #tpu.memory_space<vmem>> -> memref<1x128xi32, #tpu.memory_space<vmem>>
      %dma_start3A_43 = tpu.memref_squeeze %dma_start3A_42 : memref<1x128xi32, #tpu.memory_space<vmem>> -> memref<128xi32, #tpu.memory_space<vmem>>
      %dma_start3A_44 = arith.constant 0 : i32
      %dma_start3A_45 = arith.constant 0 : i32
      %dma_start3A_46 = tpu.memref_slice %arg7[%dma_start3A_44, %dma_start3A_45] : memref<100096x16xf32, #tpu.memory_space<vmem_shared>> -> memref<100096x16xf32, #tpu.memory_space<vmem_shared>>
      tpu.enqueue_indirect_dma source(%dma_start3A_46 : memref<100096x16xf32, #tpu.memory_space<vmem_shared>>) target(%dma_start3A_40 : memref<128x16xf32, #tpu.memory_space<vmem>>) offsets(%dma_start3A_43 : memref<128xi32, #tpu.memory_space<vmem>>) semaphore(%arg12 : memref<!tpu.dma_semaphore, #tpu.memory_space<semaphore_mem>>)
      %dma_start3A_47 = arith.constant 3 : i32
      %dma_start3A_48 = arith.constant 384 : i32
      %dma_start3A_49 = arith.constant 0 : i32
      %dma_start3A_50 = tpu.memref_slice %arg10[%dma_start3A_48, %dma_start3A_49] : memref<512x16xf32, #tpu.memory_space<vmem>> -> memref<128x16xf32, #tpu.memory_space<vmem>>
      %dma_start3A_51 = arith.constant 0 : i32
      %dma_start3A_52 = tpu.memref_slice %arg8[%dma_start3A_47, %dma_start3A_51] : memref<4x128xi32, #tpu.memory_space<vmem>> -> memref<1x128xi32, #tpu.memory_space<vmem>>
      %dma_start3A_53 = tpu.memref_squeeze %dma_start3A_52 : memref<1x128xi32, #tpu.memory_space<vmem>> -> memref<128xi32, #tpu.memory_space<vmem>>
      %dma_start3A_54 = arith.constant 0 : i32
      %dma_start3A_55 = arith.constant 0 : i32
      %dma_start3A_56 = tpu.memref_slice %arg7[%dma_start3A_54, %dma_start3A_55] : memref<100096x16xf32, #tpu.memory_space<vmem_shared>> -> memref<100096x16xf32, #tpu.memory_space<vmem_shared>>
      tpu.enqueue_indirect_dma source(%dma_start3A_56 : memref<100096x16xf32, #tpu.memory_space<vmem_shared>>) target(%dma_start3A_50 : memref<128x16xf32, #tpu.memory_space<vmem>>) offsets(%dma_start3A_53 : memref<128xi32, #tpu.memory_space<vmem>>) semaphore(%arg12 : memref<!tpu.dma_semaphore, #tpu.memory_space<semaphore_mem>>)
      %dma_start3A_57 = arith.constant 0 : i32
      %dma_start3A_58 = arith.constant 0 : i32
      %dma_start3A_59 = arith.constant 0 : i32
      %dma_start3A_60 = tpu.memref_slice %arg11[%dma_start3A_58, %dma_start3A_59] : memref<512x16xf32, #tpu.memory_space<vmem>> -> memref<128x16xf32, #tpu.memory_space<vmem>>
      %dma_start3A_61 = arith.constant 0 : i32
      %dma_start3A_62 = tpu.memref_slice %arg9[%dma_start3A_57, %dma_start3A_61] : memref<4x128xi32, #tpu.memory_space<vmem>> -> memref<1x128xi32, #tpu.memory_space<vmem>>
      %dma_start3A_63 = tpu.memref_squeeze %dma_start3A_62 : memref<1x128xi32, #tpu.memory_space<vmem>> -> memref<128xi32, #tpu.memory_space<vmem>>
      %dma_start3A_64 = arith.constant 0 : i32
      %dma_start3A_65 = arith.constant 0 : i32
      %dma_start3A_66 = tpu.memref_slice %arg7[%dma_start3A_64, %dma_start3A_65] : memref<100096x16xf32, #tpu.memory_space<vmem_shared>> -> memref<100096x16xf32, #tpu.memory_space<vmem_shared>>
      tpu.enqueue_indirect_dma source(%dma_start3A_66 : memref<100096x16xf32, #tpu.memory_space<vmem_shared>>) target(%dma_start3A_60 : memref<128x16xf32, #tpu.memory_space<vmem>>) offsets(%dma_start3A_63 : memref<128xi32, #tpu.memory_space<vmem>>) semaphore(%arg13 : memref<!tpu.dma_semaphore, #tpu.memory_space<semaphore_mem>>)
      %dma_start3A_67 = arith.constant 1 : i32
      %dma_start3A_68 = arith.constant 128 : i32
      %dma_start3A_69 = arith.constant 0 : i32
      %dma_start3A_70 = tpu.memref_slice %arg11[%dma_start3A_68, %dma_start3A_69] : memref<512x16xf32, #tpu.memory_space<vmem>> -> memref<128x16xf32, #tpu.memory_space<vmem>>
      %dma_start3A_71 = arith.constant 0 : i32
      %dma_start3A_72 = tpu.memref_slice %arg9[%dma_start3A_67, %dma_start3A_71] : memref<4x128xi32, #tpu.memory_space<vmem>> -> memref<1x128xi32, #tpu.memory_space<vmem>>
      %dma_start3A_73 = tpu.memref_squeeze %dma_start3A_72 : memref<1x128xi32, #tpu.memory_space<vmem>> -> memref<128xi32, #tpu.memory_space<vmem>>
      %dma_start3A_74 = arith.constant 0 : i32
      %dma_start3A_75 = arith.constant 0 : i32
      %dma_start3A_76 = tpu.memref_slice %arg7[%dma_start3A_74, %dma_start3A_75] : memref<100096x16xf32, #tpu.memory_space<vmem_shared>> -> memref<100096x16xf32, #tpu.memory_space<vmem_shared>>
      tpu.enqueue_indirect_dma source(%dma_start3A_76 : memref<100096x16xf32, #tpu.memory_space<vmem_shared>>) target(%dma_start3A_70 : memref<128x16xf32, #tpu.memory_space<vmem>>) offsets(%dma_start3A_73 : memref<128xi32, #tpu.memory_space<vmem>>) semaphore(%arg13 : memref<!tpu.dma_semaphore, #tpu.memory_space<semaphore_mem>>)
      %dma_start3A_77 = arith.constant 2 : i32
      %dma_start3A_78 = arith.constant 256 : i32
      %dma_start3A_79 = arith.constant 0 : i32
      %dma_start3A_80 = tpu.memref_slice %arg11[%dma_start3A_78, %dma_start3A_79] : memref<512x16xf32, #tpu.memory_space<vmem>> -> memref<128x16xf32, #tpu.memory_space<vmem>>
      %dma_start3A_81 = arith.constant 0 : i32
      %dma_start3A_82 = tpu.memref_slice %arg9[%dma_start3A_77, %dma_start3A_81] : memref<4x128xi32, #tpu.memory_space<vmem>> -> memref<1x128xi32, #tpu.memory_space<vmem>>
      %dma_start3A_83 = tpu.memref_squeeze %dma_start3A_82 : memref<1x128xi32, #tpu.memory_space<vmem>> -> memref<128xi32, #tpu.memory_space<vmem>>
      %dma_start3A_84 = arith.constant 0 : i32
      %dma_start3A_85 = arith.constant 0 : i32
      %dma_start3A_86 = tpu.memref_slice %arg7[%dma_start3A_84, %dma_start3A_85] : memref<100096x16xf32, #tpu.memory_space<vmem_shared>> -> memref<100096x16xf32, #tpu.memory_space<vmem_shared>>
      tpu.enqueue_indirect_dma source(%dma_start3A_86 : memref<100096x16xf32, #tpu.memory_space<vmem_shared>>) target(%dma_start3A_80 : memref<128x16xf32, #tpu.memory_space<vmem>>) offsets(%dma_start3A_83 : memref<128xi32, #tpu.memory_space<vmem>>) semaphore(%arg13 : memref<!tpu.dma_semaphore, #tpu.memory_space<semaphore_mem>>)
      %dma_start3A_87 = arith.constant 3 : i32
      %dma_start3A_88 = arith.constant 384 : i32
      %dma_start3A_89 = arith.constant 0 : i32
      %dma_start3A_90 = tpu.memref_slice %arg11[%dma_start3A_88, %dma_start3A_89] : memref<512x16xf32, #tpu.memory_space<vmem>> -> memref<128x16xf32, #tpu.memory_space<vmem>>
      %dma_start3A_91 = arith.constant 0 : i32
      %dma_start3A_92 = tpu.memref_slice %arg9[%dma_start3A_87, %dma_start3A_91] : memref<4x128xi32, #tpu.memory_space<vmem>> -> memref<1x128xi32, #tpu.memory_space<vmem>>
      %dma_start3A_93 = tpu.memref_squeeze %dma_start3A_92 : memref<1x128xi32, #tpu.memory_space<vmem>> -> memref<128xi32, #tpu.memory_space<vmem>>
      %dma_start3A_94 = arith.constant 0 : i32
      %dma_start3A_95 = arith.constant 0 : i32
      %dma_start3A_96 = tpu.memref_slice %arg7[%dma_start3A_94, %dma_start3A_95] : memref<100096x16xf32, #tpu.memory_space<vmem_shared>> -> memref<100096x16xf32, #tpu.memory_space<vmem_shared>>
      tpu.enqueue_indirect_dma source(%dma_start3A_96 : memref<100096x16xf32, #tpu.memory_space<vmem_shared>>) target(%dma_start3A_90 : memref<128x16xf32, #tpu.memory_space<vmem>>) offsets(%dma_start3A_93 : memref<128xi32, #tpu.memory_space<vmem>>) semaphore(%arg13 : memref<!tpu.dma_semaphore, #tpu.memory_space<semaphore_mem>>)
      %dma_wait3A = arith.constant 0 : i32
      %dma_wait3A_97 = arith.constant 0 : i32
      %dma_wait3A_98 = arith.constant 0 : i32
      %dma_wait3A_99 = tpu.memref_slice %arg10[%dma_wait3A_97, %dma_wait3A_98] : memref<512x16xf32, #tpu.memory_space<vmem>> -> memref<128x16xf32, #tpu.memory_space<vmem>>
      %dma_wait3A_100 = arith.constant 0 : i32
      %dma_wait3A_101 = tpu.memref_slice %arg8[%dma_wait3A, %dma_wait3A_100] : memref<4x128xi32, #tpu.memory_space<vmem>> -> memref<1x128xi32, #tpu.memory_space<vmem>>
      %dma_wait3A_102 = tpu.memref_squeeze %dma_wait3A_101 : memref<1x128xi32, #tpu.memory_space<vmem>> -> memref<128xi32, #tpu.memory_space<vmem>>
      %dma_wait3A_103 = arith.constant 0 : i32
      %dma_wait3A_104 = arith.constant 0 : i32
      %dma_wait3A_105 = tpu.memref_slice %arg7[%dma_wait3A_103, %dma_wait3A_104] : memref<100096x16xf32, #tpu.memory_space<vmem_shared>> -> memref<100096x16xf32, #tpu.memory_space<vmem_shared>>
      tpu.wait_indirect_dma semaphore(%arg12 : memref<!tpu.dma_semaphore, #tpu.memory_space<semaphore_mem>>) src(%dma_wait3A_105 : memref<100096x16xf32, #tpu.memory_space<vmem_shared>>) dst(%dma_wait3A_99 : memref<128x16xf32, #tpu.memory_space<vmem>>)
      %dma_wait3A_106 = arith.constant 1 : i32
      %dma_wait3A_107 = arith.constant 128 : i32
      %dma_wait3A_108 = arith.constant 0 : i32
      %dma_wait3A_109 = tpu.memref_slice %arg10[%dma_wait3A_107, %dma_wait3A_108] : memref<512x16xf32, #tpu.memory_space<vmem>> -> memref<128x16xf32, #tpu.memory_space<vmem>>
      %dma_wait3A_110 = arith.constant 0 : i32
      %dma_wait3A_111 = tpu.memref_slice %arg8[%dma_wait3A_106, %dma_wait3A_110] : memref<4x128xi32, #tpu.memory_space<vmem>> -> memref<1x128xi32, #tpu.memory_space<vmem>>
      %dma_wait3A_112 = tpu.memref_squeeze %dma_wait3A_111 : memref<1x128xi32, #tpu.memory_space<vmem>> -> memref<128xi32, #tpu.memory_space<vmem>>
      %dma_wait3A_113 = arith.constant 0 : i32
      %dma_wait3A_114 = arith.constant 0 : i32
      %dma_wait3A_115 = tpu.memref_slice %arg7[%dma_wait3A_113, %dma_wait3A_114] : memref<100096x16xf32, #tpu.memory_space<vmem_shared>> -> memref<100096x16xf32, #tpu.memory_space<vmem_shared>>
      tpu.wait_indirect_dma semaphore(%arg12 : memref<!tpu.dma_semaphore, #tpu.memory_space<semaphore_mem>>) src(%dma_wait3A_115 : memref<100096x16xf32, #tpu.memory_space<vmem_shared>>) dst(%dma_wait3A_109 : memref<128x16xf32, #tpu.memory_space<vmem>>)
      %dma_wait3A_116 = arith.constant 2 : i32
      %dma_wait3A_117 = arith.constant 256 : i32
      %dma_wait3A_118 = arith.constant 0 : i32
      %dma_wait3A_119 = tpu.memref_slice %arg10[%dma_wait3A_117, %dma_wait3A_118] : memref<512x16xf32, #tpu.memory_space<vmem>> -> memref<128x16xf32, #tpu.memory_space<vmem>>
      %dma_wait3A_120 = arith.constant 0 : i32
      %dma_wait3A_121 = tpu.memref_slice %arg8[%dma_wait3A_116, %dma_wait3A_120] : memref<4x128xi32, #tpu.memory_space<vmem>> -> memref<1x128xi32, #tpu.memory_space<vmem>>
      %dma_wait3A_122 = tpu.memref_squeeze %dma_wait3A_121 : memref<1x128xi32, #tpu.memory_space<vmem>> -> memref<128xi32, #tpu.memory_space<vmem>>
      %dma_wait3A_123 = arith.constant 0 : i32
      %dma_wait3A_124 = arith.constant 0 : i32
      %dma_wait3A_125 = tpu.memref_slice %arg7[%dma_wait3A_123, %dma_wait3A_124] : memref<100096x16xf32, #tpu.memory_space<vmem_shared>> -> memref<100096x16xf32, #tpu.memory_space<vmem_shared>>
      tpu.wait_indirect_dma semaphore(%arg12 : memref<!tpu.dma_semaphore, #tpu.memory_space<semaphore_mem>>) src(%dma_wait3A_125 : memref<100096x16xf32, #tpu.memory_space<vmem_shared>>) dst(%dma_wait3A_119 : memref<128x16xf32, #tpu.memory_space<vmem>>)
      %dma_wait3A_126 = arith.constant 3 : i32
      %dma_wait3A_127 = arith.constant 384 : i32
      %dma_wait3A_128 = arith.constant 0 : i32
      %dma_wait3A_129 = tpu.memref_slice %arg10[%dma_wait3A_127, %dma_wait3A_128] : memref<512x16xf32, #tpu.memory_space<vmem>> -> memref<128x16xf32, #tpu.memory_space<vmem>>
      %dma_wait3A_130 = arith.constant 0 : i32
      %dma_wait3A_131 = tpu.memref_slice %arg8[%dma_wait3A_126, %dma_wait3A_130] : memref<4x128xi32, #tpu.memory_space<vmem>> -> memref<1x128xi32, #tpu.memory_space<vmem>>
      %dma_wait3A_132 = tpu.memref_squeeze %dma_wait3A_131 : memref<1x128xi32, #tpu.memory_space<vmem>> -> memref<128xi32, #tpu.memory_space<vmem>>
      %dma_wait3A_133 = arith.constant 0 : i32
      %dma_wait3A_134 = arith.constant 0 : i32
      %dma_wait3A_135 = tpu.memref_slice %arg7[%dma_wait3A_133, %dma_wait3A_134] : memref<100096x16xf32, #tpu.memory_space<vmem_shared>> -> memref<100096x16xf32, #tpu.memory_space<vmem_shared>>
      tpu.wait_indirect_dma semaphore(%arg12 : memref<!tpu.dma_semaphore, #tpu.memory_space<semaphore_mem>>) src(%dma_wait3A_135 : memref<100096x16xf32, #tpu.memory_space<vmem_shared>>) dst(%dma_wait3A_129 : memref<128x16xf32, #tpu.memory_space<vmem>>)
      %dma_wait3A_136 = arith.constant 0 : i32
      %dma_wait3A_137 = arith.constant 0 : i32
      %dma_wait3A_138 = arith.constant 0 : i32
      %dma_wait3A_139 = tpu.memref_slice %arg11[%dma_wait3A_137, %dma_wait3A_138] : memref<512x16xf32, #tpu.memory_space<vmem>> -> memref<128x16xf32, #tpu.memory_space<vmem>>
      %dma_wait3A_140 = arith.constant 0 : i32
      %dma_wait3A_141 = tpu.memref_slice %arg9[%dma_wait3A_136, %dma_wait3A_140] : memref<4x128xi32, #tpu.memory_space<vmem>> -> memref<1x128xi32, #tpu.memory_space<vmem>>
      %dma_wait3A_142 = tpu.memref_squeeze %dma_wait3A_141 : memref<1x128xi32, #tpu.memory_space<vmem>> -> memref<128xi32, #tpu.memory_space<vmem>>
      %dma_wait3A_143 = arith.constant 0 : i32
      %dma_wait3A_144 = arith.constant 0 : i32
      %dma_wait3A_145 = tpu.memref_slice %arg7[%dma_wait3A_143, %dma_wait3A_144] : memref<100096x16xf32, #tpu.memory_space<vmem_shared>> -> memref<100096x16xf32, #tpu.memory_space<vmem_shared>>
      tpu.wait_indirect_dma semaphore(%arg13 : memref<!tpu.dma_semaphore, #tpu.memory_space<semaphore_mem>>) src(%dma_wait3A_145 : memref<100096x16xf32, #tpu.memory_space<vmem_shared>>) dst(%dma_wait3A_139 : memref<128x16xf32, #tpu.memory_space<vmem>>)
      %dma_wait3A_146 = arith.constant 1 : i32
      %dma_wait3A_147 = arith.constant 128 : i32
      %dma_wait3A_148 = arith.constant 0 : i32
      %dma_wait3A_149 = tpu.memref_slice %arg11[%dma_wait3A_147, %dma_wait3A_148] : memref<512x16xf32, #tpu.memory_space<vmem>> -> memref<128x16xf32, #tpu.memory_space<vmem>>
      %dma_wait3A_150 = arith.constant 0 : i32
      %dma_wait3A_151 = tpu.memref_slice %arg9[%dma_wait3A_146, %dma_wait3A_150] : memref<4x128xi32, #tpu.memory_space<vmem>> -> memref<1x128xi32, #tpu.memory_space<vmem>>
      %dma_wait3A_152 = tpu.memref_squeeze %dma_wait3A_151 : memref<1x128xi32, #tpu.memory_space<vmem>> -> memref<128xi32, #tpu.memory_space<vmem>>
      %dma_wait3A_153 = arith.constant 0 : i32
      %dma_wait3A_154 = arith.constant 0 : i32
      %dma_wait3A_155 = tpu.memref_slice %arg7[%dma_wait3A_153, %dma_wait3A_154] : memref<100096x16xf32, #tpu.memory_space<vmem_shared>> -> memref<100096x16xf32, #tpu.memory_space<vmem_shared>>
      tpu.wait_indirect_dma semaphore(%arg13 : memref<!tpu.dma_semaphore, #tpu.memory_space<semaphore_mem>>) src(%dma_wait3A_155 : memref<100096x16xf32, #tpu.memory_space<vmem_shared>>) dst(%dma_wait3A_149 : memref<128x16xf32, #tpu.memory_space<vmem>>)
      %dma_wait3A_156 = arith.constant 2 : i32
      %dma_wait3A_157 = arith.constant 256 : i32
      %dma_wait3A_158 = arith.constant 0 : i32
      %dma_wait3A_159 = tpu.memref_slice %arg11[%dma_wait3A_157, %dma_wait3A_158] : memref<512x16xf32, #tpu.memory_space<vmem>> -> memref<128x16xf32, #tpu.memory_space<vmem>>
      %dma_wait3A_160 = arith.constant 0 : i32
      %dma_wait3A_161 = tpu.memref_slice %arg9[%dma_wait3A_156, %dma_wait3A_160] : memref<4x128xi32, #tpu.memory_space<vmem>> -> memref<1x128xi32, #tpu.memory_space<vmem>>
      %dma_wait3A_162 = tpu.memref_squeeze %dma_wait3A_161 : memref<1x128xi32, #tpu.memory_space<vmem>> -> memref<128xi32, #tpu.memory_space<vmem>>
      %dma_wait3A_163 = arith.constant 0 : i32
      %dma_wait3A_164 = arith.constant 0 : i32
      %dma_wait3A_165 = tpu.memref_slice %arg7[%dma_wait3A_163, %dma_wait3A_164] : memref<100096x16xf32, #tpu.memory_space<vmem_shared>> -> memref<100096x16xf32, #tpu.memory_space<vmem_shared>>
      tpu.wait_indirect_dma semaphore(%arg13 : memref<!tpu.dma_semaphore, #tpu.memory_space<semaphore_mem>>) src(%dma_wait3A_165 : memref<100096x16xf32, #tpu.memory_space<vmem_shared>>) dst(%dma_wait3A_159 : memref<128x16xf32, #tpu.memory_space<vmem>>)
      %dma_wait3A_166 = arith.constant 3 : i32
      %dma_wait3A_167 = arith.constant 384 : i32
      %dma_wait3A_168 = arith.constant 0 : i32
      %dma_wait3A_169 = tpu.memref_slice %arg11[%dma_wait3A_167, %dma_wait3A_168] : memref<512x16xf32, #tpu.memory_space<vmem>> -> memref<128x16xf32, #tpu.memory_space<vmem>>
      %dma_wait3A_170 = arith.constant 0 : i32
      %dma_wait3A_171 = tpu.memref_slice %arg9[%dma_wait3A_166, %dma_wait3A_170] : memref<4x128xi32, #tpu.memory_space<vmem>> -> memref<1x128xi32, #tpu.memory_space<vmem>>
      %dma_wait3A_172 = tpu.memref_squeeze %dma_wait3A_171 : memref<1x128xi32, #tpu.memory_space<vmem>> -> memref<128xi32, #tpu.memory_space<vmem>>
      %dma_wait3A_173 = arith.constant 0 : i32
      %dma_wait3A_174 = arith.constant 0 : i32
      %dma_wait3A_175 = tpu.memref_slice %arg7[%dma_wait3A_173, %dma_wait3A_174] : memref<100096x16xf32, #tpu.memory_space<vmem_shared>> -> memref<100096x16xf32, #tpu.memory_space<vmem_shared>>
      tpu.wait_indirect_dma semaphore(%arg13 : memref<!tpu.dma_semaphore, #tpu.memory_space<semaphore_mem>>) src(%dma_wait3A_175 : memref<100096x16xf32, #tpu.memory_space<vmem_shared>>) dst(%dma_wait3A_169 : memref<128x16xf32, #tpu.memory_space<vmem>>)
      %mul3A_176 = arith.constant 128 : i32
      %mul3A_177 = arith.muli %add3A_17, %mul3A_176 : i32
      "tpu.region"() ({
        %run_scoped3A = tpu.sem_alloc : memref<!tpu.dma_semaphore, #tpu.memory_space<semaphore_mem>>
        %dma_start3A_181 = arith.constant 0 : i32
        %dma_start3A_182 = tpu.memref_slice %arg5[%mul3A_177, %dma_start3A_181] : memref<3276800x16xf32, #tpu.memory_space<hbm>> -> memref<512x16xf32, #tpu.memory_space<hbm>>
        %dma_start3A_183 = arith.constant 0 : i32
        %dma_start3A_184 = tpu.memref_slice %arg5[%mul3A_177, %dma_start3A_183] : memref<3276800x16xf32, #tpu.memory_space<hbm>> -> memref<512x16xf32, #tpu.memory_space<hbm>>
        tpu.enqueue_dma source(%arg10 : memref<512x16xf32, #tpu.memory_space<vmem>>) target(%dma_start3A_184 : memref<512x16xf32, #tpu.memory_space<hbm>>) target_semaphore(%run_scoped3A : memref<!tpu.dma_semaphore, #tpu.memory_space<semaphore_mem>>)
        %dma_wait3A_185 = arith.constant 0 : i32
        %dma_wait3A_186 = tpu.memref_slice %arg5[%mul3A_177, %dma_wait3A_185] : memref<3276800x16xf32, #tpu.memory_space<hbm>> -> memref<512x16xf32, #tpu.memory_space<hbm>>
        %dma_wait3A_187 = arith.constant 0 : i32
        %dma_wait3A_188 = tpu.memref_slice %arg5[%mul3A_177, %dma_wait3A_187] : memref<3276800x16xf32, #tpu.memory_space<hbm>> -> memref<512x16xf32, #tpu.memory_space<hbm>>
        tpu.wait_dma2 semaphore(%run_scoped3A : memref<!tpu.dma_semaphore, #tpu.memory_space<semaphore_mem>>) src(%arg10 : memref<512x16xf32, #tpu.memory_space<vmem>>) dst(%dma_wait3A_188 : memref<512x16xf32, #tpu.memory_space<hbm>>)
        tpu.yield
      }) : () -> ()
      %mul3A_178 = arith.constant 128 : i32
      %mul3A_179 = arith.muli %add3A_17, %mul3A_178 : i32
      "tpu.region"() ({
        %run_scoped3A = tpu.sem_alloc : memref<!tpu.dma_semaphore, #tpu.memory_space<semaphore_mem>>
        %dma_start3A_181 = arith.constant 0 : i32
        %dma_start3A_182 = tpu.memref_slice %arg6[%mul3A_179, %dma_start3A_181] : memref<3276800x16xf32, #tpu.memory_space<hbm>> -> memref<512x16xf32, #tpu.memory_space<hbm>>
        %dma_start3A_183 = arith.constant 0 : i32
        %dma_start3A_184 = tpu.memref_slice %arg6[%mul3A_179, %dma_start3A_183] : memref<3276800x16xf32, #tpu.memory_space<hbm>> -> memref<512x16xf32, #tpu.memory_space<hbm>>
        tpu.enqueue_dma source(%arg11 : memref<512x16xf32, #tpu.memory_space<vmem>>) target(%dma_start3A_184 : memref<512x16xf32, #tpu.memory_space<hbm>>) target_semaphore(%run_scoped3A : memref<!tpu.dma_semaphore, #tpu.memory_space<semaphore_mem>>)
        %dma_wait3A_185 = arith.constant 0 : i32
        %dma_wait3A_186 = tpu.memref_slice %arg6[%mul3A_179, %dma_wait3A_185] : memref<3276800x16xf32, #tpu.memory_space<hbm>> -> memref<512x16xf32, #tpu.memory_space<hbm>>
        %dma_wait3A_187 = arith.constant 0 : i32
        %dma_wait3A_188 = tpu.memref_slice %arg6[%mul3A_179, %dma_wait3A_187] : memref<3276800x16xf32, #tpu.memory_space<hbm>> -> memref<512x16xf32, #tpu.memory_space<hbm>>
        tpu.wait_dma2 semaphore(%run_scoped3A : memref<!tpu.dma_semaphore, #tpu.memory_space<semaphore_mem>>) src(%arg11 : memref<512x16xf32, #tpu.memory_space<vmem>>) dst(%dma_wait3A_188 : memref<512x16xf32, #tpu.memory_space<hbm>>)
        tpu.yield
      }) : () -> ()
      %scan3A_180 = arith.constant 0 : i32
      scf.yield %scan3A_180 : i32
    }
    %scan3A_12 = arith.constant 200 : i32
    return
  }
}

#map = affine_map<(d0, d1) -> (0, 0)>
#map1 = affine_map<(d0, d1) -> (0, 0, 0)>
module attributes {stable_mosaic.version = 14 : i64} {
  func.func @k(%arg0: i32, %arg1: i32, %arg2: memref<3276800x16xf32, #tpu.memory_space<hbm>>, %arg3: memref<25600x128xi32, #tpu.memory_space<hbm>>, %arg4: memref<6256x16xf32, #tpu.memory_space<hbm>>, %arg5: memref<2x100096x16xf32, #tpu.memory_space<hbm>>, %arg6: memref<100096x16xf32, #tpu.memory_space<vmem_shared>>, %arg7: memref<1024x16xf32, #tpu.memory_space<vmem>>, %arg8: memref<8x128xi32, #tpu.memory_space<vmem>>, %arg9: memref<!tpu.dma_semaphore, #tpu.memory_space<semaphore_mem>>) attributes {dimension_semantics = [#tpu.dimension_semantics<core_parallel>, #tpu.dimension_semantics<subcore_parallel>], iteration_bounds = array<i64: 2, 16>, scalar_prefetch = 0 : i64, scratch_operands = 4 : i64, tpu.core_type = #tpu.core_type<sc_vector_subcore>, window_params = [{transform_indices = #map}, {transform_indices = #map}, {transform_indices = #map}, {transform_indices = #map1}]} {
    %mul3A = arith.constant 6256 : i32
    %mul3A_0 = arith.muli %arg1, %mul3A : i32
    "tpu.region"() ({
      %run_scoped3A = tpu.sem_alloc : memref<!tpu.dma_semaphore, #tpu.memory_space<semaphore_mem>>
      %dma_start3A = arith.constant 0 : i32
      %dma_start3A_16 = tpu.memref_slice %arg6[%mul3A_0, %dma_start3A] : memref<100096x16xf32, #tpu.memory_space<vmem_shared>> -> memref<6256x16xf32, #tpu.memory_space<vmem_shared>>
      tpu.enqueue_dma source(%arg4 : memref<6256x16xf32, #tpu.memory_space<hbm>>) target(%dma_start3A_16 : memref<6256x16xf32, #tpu.memory_space<vmem_shared>>) target_semaphore(%run_scoped3A : memref<!tpu.dma_semaphore, #tpu.memory_space<semaphore_mem>>)
      %dma_wait3A = arith.constant 0 : i32
      %dma_wait3A_17 = tpu.memref_slice %arg6[%mul3A_0, %dma_wait3A] : memref<100096x16xf32, #tpu.memory_space<vmem_shared>> -> memref<6256x16xf32, #tpu.memory_space<vmem_shared>>
      tpu.wait_dma2 semaphore(%run_scoped3A : memref<!tpu.dma_semaphore, #tpu.memory_space<semaphore_mem>>) src(%arg4 : memref<6256x16xf32, #tpu.memory_space<hbm>>) dst(%dma_wait3A_17 : memref<6256x16xf32, #tpu.memory_space<vmem_shared>>)
      tpu.yield
    }) : () -> ()
    %barrier3A = arith.constant 0 : index
    tpu.barrier barrier_id(%barrier3A)
    %mul3A_1 = arith.constant 16 : i32
    %mul3A_2 = arith.muli %arg0, %mul3A_1 : i32
    %add3A = arith.addi %mul3A_2, %arg1 : i32
    %mul3A_3 = arith.constant 800 : i32
    %mul3A_4 = arith.muli %add3A, %mul3A_3 : i32
    %scan3A = arith.constant 0 : i32
    %scan3A_5 = arith.constant 0 : i32
    %scan3A_6 = arith.constant 100 : i32
    %scan3A_7 = arith.addi %scan3A_5, %scan3A_6 : i32
    %scan3A_8 = arith.constant 1 : i32
    %scan3A_9 = scf.for %scan3A_16 = %scan3A_5 to %scan3A_7 step %scan3A_8 iter_args(%scan3A_17 = %scan3A) -> (i32)  : i32 {
      %mul3A_18 = arith.constant 8 : i32
      %mul3A_19 = arith.muli %scan3A_16, %mul3A_18 : i32
      %add3A_20 = arith.addi %mul3A_4, %mul3A_19 : i32
      %mul3A_21 = arith.constant 128 : i32
      %mul3A_22 = arith.muli %add3A_20, %mul3A_21 : i32
      "tpu.region"() ({
        %run_scoped3A = tpu.sem_alloc : memref<!tpu.dma_semaphore, #tpu.memory_space<semaphore_mem>>
        %dma_start3A_182 = arith.constant 0 : i32
        %dma_start3A_183 = tpu.memref_slice %arg2[%mul3A_22, %dma_start3A_182] : memref<3276800x16xf32, #tpu.memory_space<hbm>> -> memref<1024x16xf32, #tpu.memory_space<hbm>>
        %dma_start3A_184 = arith.constant 0 : i32
        %dma_start3A_185 = tpu.memref_slice %arg2[%mul3A_22, %dma_start3A_184] : memref<3276800x16xf32, #tpu.memory_space<hbm>> -> memref<1024x16xf32, #tpu.memory_space<hbm>>
        tpu.enqueue_dma source(%dma_start3A_185 : memref<1024x16xf32, #tpu.memory_space<hbm>>) target(%arg7 : memref<1024x16xf32, #tpu.memory_space<vmem>>) target_semaphore(%run_scoped3A : memref<!tpu.dma_semaphore, #tpu.memory_space<semaphore_mem>>)
        %dma_wait3A_186 = arith.constant 0 : i32
        %dma_wait3A_187 = tpu.memref_slice %arg2[%mul3A_22, %dma_wait3A_186] : memref<3276800x16xf32, #tpu.memory_space<hbm>> -> memref<1024x16xf32, #tpu.memory_space<hbm>>
        %dma_wait3A_188 = arith.constant 0 : i32
        %dma_wait3A_189 = tpu.memref_slice %arg2[%mul3A_22, %dma_wait3A_188] : memref<3276800x16xf32, #tpu.memory_space<hbm>> -> memref<1024x16xf32, #tpu.memory_space<hbm>>
        tpu.wait_dma2 semaphore(%run_scoped3A : memref<!tpu.dma_semaphore, #tpu.memory_space<semaphore_mem>>) src(%dma_wait3A_189 : memref<1024x16xf32, #tpu.memory_space<hbm>>) dst(%arg7 : memref<1024x16xf32, #tpu.memory_space<vmem>>)
        tpu.yield
      }) : () -> ()
      "tpu.region"() ({
        %run_scoped3A = tpu.sem_alloc : memref<!tpu.dma_semaphore, #tpu.memory_space<semaphore_mem>>
        %dma_start3A_182 = arith.constant 0 : i32
        %dma_start3A_183 = tpu.memref_slice %arg3[%add3A_20, %dma_start3A_182] : memref<25600x128xi32, #tpu.memory_space<hbm>> -> memref<8x128xi32, #tpu.memory_space<hbm>>
        %dma_start3A_184 = arith.constant 0 : i32
        %dma_start3A_185 = tpu.memref_slice %arg3[%add3A_20, %dma_start3A_184] : memref<25600x128xi32, #tpu.memory_space<hbm>> -> memref<8x128xi32, #tpu.memory_space<hbm>>
        tpu.enqueue_dma source(%dma_start3A_185 : memref<8x128xi32, #tpu.memory_space<hbm>>) target(%arg8 : memref<8x128xi32, #tpu.memory_space<vmem>>) target_semaphore(%run_scoped3A : memref<!tpu.dma_semaphore, #tpu.memory_space<semaphore_mem>>)
        %dma_wait3A_186 = arith.constant 0 : i32
        %dma_wait3A_187 = tpu.memref_slice %arg3[%add3A_20, %dma_wait3A_186] : memref<25600x128xi32, #tpu.memory_space<hbm>> -> memref<8x128xi32, #tpu.memory_space<hbm>>
        %dma_wait3A_188 = arith.constant 0 : i32
        %dma_wait3A_189 = tpu.memref_slice %arg3[%add3A_20, %dma_wait3A_188] : memref<25600x128xi32, #tpu.memory_space<hbm>> -> memref<8x128xi32, #tpu.memory_space<hbm>>
        tpu.wait_dma2 semaphore(%run_scoped3A : memref<!tpu.dma_semaphore, #tpu.memory_space<semaphore_mem>>) src(%dma_wait3A_189 : memref<8x128xi32, #tpu.memory_space<hbm>>) dst(%arg8 : memref<8x128xi32, #tpu.memory_space<vmem>>)
        tpu.yield
      }) : () -> ()
      %dma_start3A = arith.constant 0 : i32
      %dma_start3A_23 = arith.constant 0 : i32
      %dma_start3A_24 = arith.constant 0 : i32
      %dma_start3A_25 = tpu.memref_slice %arg7[%dma_start3A_23, %dma_start3A_24] : memref<1024x16xf32, #tpu.memory_space<vmem>> -> memref<128x16xf32, #tpu.memory_space<vmem>>
      %dma_start3A_26 = arith.constant 0 : i32
      %dma_start3A_27 = tpu.memref_slice %arg8[%dma_start3A, %dma_start3A_26] : memref<8x128xi32, #tpu.memory_space<vmem>> -> memref<1x128xi32, #tpu.memory_space<vmem>>
      %dma_start3A_28 = tpu.memref_squeeze %dma_start3A_27 : memref<1x128xi32, #tpu.memory_space<vmem>> -> memref<128xi32, #tpu.memory_space<vmem>>
      %dma_start3A_29 = arith.constant 0 : i32
      %dma_start3A_30 = arith.constant 0 : i32
      %dma_start3A_31 = tpu.memref_slice %arg6[%dma_start3A_29, %dma_start3A_30] : memref<100096x16xf32, #tpu.memory_space<vmem_shared>> -> memref<100096x16xf32, #tpu.memory_space<vmem_shared>>
      tpu.enqueue_indirect_dma source(%dma_start3A_25 : memref<128x16xf32, #tpu.memory_space<vmem>>) target(%dma_start3A_31 : memref<100096x16xf32, #tpu.memory_space<vmem_shared>>) offsets(%dma_start3A_28 : memref<128xi32, #tpu.memory_space<vmem>>) semaphore(%arg9 : memref<!tpu.dma_semaphore, #tpu.memory_space<semaphore_mem>>) {add = true}
      %dma_start3A_32 = arith.constant 1 : i32
      %dma_start3A_33 = arith.constant 128 : i32
      %dma_start3A_34 = arith.constant 0 : i32
      %dma_start3A_35 = tpu.memref_slice %arg7[%dma_start3A_33, %dma_start3A_34] : memref<1024x16xf32, #tpu.memory_space<vmem>> -> memref<128x16xf32, #tpu.memory_space<vmem>>
      %dma_start3A_36 = arith.constant 0 : i32
      %dma_start3A_37 = tpu.memref_slice %arg8[%dma_start3A_32, %dma_start3A_36] : memref<8x128xi32, #tpu.memory_space<vmem>> -> memref<1x128xi32, #tpu.memory_space<vmem>>
      %dma_start3A_38 = tpu.memref_squeeze %dma_start3A_37 : memref<1x128xi32, #tpu.memory_space<vmem>> -> memref<128xi32, #tpu.memory_space<vmem>>
      %dma_start3A_39 = arith.constant 0 : i32
      %dma_start3A_40 = arith.constant 0 : i32
      %dma_start3A_41 = tpu.memref_slice %arg6[%dma_start3A_39, %dma_start3A_40] : memref<100096x16xf32, #tpu.memory_space<vmem_shared>> -> memref<100096x16xf32, #tpu.memory_space<vmem_shared>>
      tpu.enqueue_indirect_dma source(%dma_start3A_35 : memref<128x16xf32, #tpu.memory_space<vmem>>) target(%dma_start3A_41 : memref<100096x16xf32, #tpu.memory_space<vmem_shared>>) offsets(%dma_start3A_38 : memref<128xi32, #tpu.memory_space<vmem>>) semaphore(%arg9 : memref<!tpu.dma_semaphore, #tpu.memory_space<semaphore_mem>>) {add = true}
      %dma_start3A_42 = arith.constant 2 : i32
      %dma_start3A_43 = arith.constant 256 : i32
      %dma_start3A_44 = arith.constant 0 : i32
      %dma_start3A_45 = tpu.memref_slice %arg7[%dma_start3A_43, %dma_start3A_44] : memref<1024x16xf32, #tpu.memory_space<vmem>> -> memref<128x16xf32, #tpu.memory_space<vmem>>
      %dma_start3A_46 = arith.constant 0 : i32
      %dma_start3A_47 = tpu.memref_slice %arg8[%dma_start3A_42, %dma_start3A_46] : memref<8x128xi32, #tpu.memory_space<vmem>> -> memref<1x128xi32, #tpu.memory_space<vmem>>
      %dma_start3A_48 = tpu.memref_squeeze %dma_start3A_47 : memref<1x128xi32, #tpu.memory_space<vmem>> -> memref<128xi32, #tpu.memory_space<vmem>>
      %dma_start3A_49 = arith.constant 0 : i32
      %dma_start3A_50 = arith.constant 0 : i32
      %dma_start3A_51 = tpu.memref_slice %arg6[%dma_start3A_49, %dma_start3A_50] : memref<100096x16xf32, #tpu.memory_space<vmem_shared>> -> memref<100096x16xf32, #tpu.memory_space<vmem_shared>>
      tpu.enqueue_indirect_dma source(%dma_start3A_45 : memref<128x16xf32, #tpu.memory_space<vmem>>) target(%dma_start3A_51 : memref<100096x16xf32, #tpu.memory_space<vmem_shared>>) offsets(%dma_start3A_48 : memref<128xi32, #tpu.memory_space<vmem>>) semaphore(%arg9 : memref<!tpu.dma_semaphore, #tpu.memory_space<semaphore_mem>>) {add = true}
      %dma_start3A_52 = arith.constant 3 : i32
      %dma_start3A_53 = arith.constant 384 : i32
      %dma_start3A_54 = arith.constant 0 : i32
      %dma_start3A_55 = tpu.memref_slice %arg7[%dma_start3A_53, %dma_start3A_54] : memref<1024x16xf32, #tpu.memory_space<vmem>> -> memref<128x16xf32, #tpu.memory_space<vmem>>
      %dma_start3A_56 = arith.constant 0 : i32
      %dma_start3A_57 = tpu.memref_slice %arg8[%dma_start3A_52, %dma_start3A_56] : memref<8x128xi32, #tpu.memory_space<vmem>> -> memref<1x128xi32, #tpu.memory_space<vmem>>
      %dma_start3A_58 = tpu.memref_squeeze %dma_start3A_57 : memref<1x128xi32, #tpu.memory_space<vmem>> -> memref<128xi32, #tpu.memory_space<vmem>>
      %dma_start3A_59 = arith.constant 0 : i32
      %dma_start3A_60 = arith.constant 0 : i32
      %dma_start3A_61 = tpu.memref_slice %arg6[%dma_start3A_59, %dma_start3A_60] : memref<100096x16xf32, #tpu.memory_space<vmem_shared>> -> memref<100096x16xf32, #tpu.memory_space<vmem_shared>>
      tpu.enqueue_indirect_dma source(%dma_start3A_55 : memref<128x16xf32, #tpu.memory_space<vmem>>) target(%dma_start3A_61 : memref<100096x16xf32, #tpu.memory_space<vmem_shared>>) offsets(%dma_start3A_58 : memref<128xi32, #tpu.memory_space<vmem>>) semaphore(%arg9 : memref<!tpu.dma_semaphore, #tpu.memory_space<semaphore_mem>>) {add = true}
      %dma_start3A_62 = arith.constant 4 : i32
      %dma_start3A_63 = arith.constant 512 : i32
      %dma_start3A_64 = arith.constant 0 : i32
      %dma_start3A_65 = tpu.memref_slice %arg7[%dma_start3A_63, %dma_start3A_64] : memref<1024x16xf32, #tpu.memory_space<vmem>> -> memref<128x16xf32, #tpu.memory_space<vmem>>
      %dma_start3A_66 = arith.constant 0 : i32
      %dma_start3A_67 = tpu.memref_slice %arg8[%dma_start3A_62, %dma_start3A_66] : memref<8x128xi32, #tpu.memory_space<vmem>> -> memref<1x128xi32, #tpu.memory_space<vmem>>
      %dma_start3A_68 = tpu.memref_squeeze %dma_start3A_67 : memref<1x128xi32, #tpu.memory_space<vmem>> -> memref<128xi32, #tpu.memory_space<vmem>>
      %dma_start3A_69 = arith.constant 0 : i32
      %dma_start3A_70 = arith.constant 0 : i32
      %dma_start3A_71 = tpu.memref_slice %arg6[%dma_start3A_69, %dma_start3A_70] : memref<100096x16xf32, #tpu.memory_space<vmem_shared>> -> memref<100096x16xf32, #tpu.memory_space<vmem_shared>>
      tpu.enqueue_indirect_dma source(%dma_start3A_65 : memref<128x16xf32, #tpu.memory_space<vmem>>) target(%dma_start3A_71 : memref<100096x16xf32, #tpu.memory_space<vmem_shared>>) offsets(%dma_start3A_68 : memref<128xi32, #tpu.memory_space<vmem>>) semaphore(%arg9 : memref<!tpu.dma_semaphore, #tpu.memory_space<semaphore_mem>>) {add = true}
      %dma_start3A_72 = arith.constant 5 : i32
      %dma_start3A_73 = arith.constant 640 : i32
      %dma_start3A_74 = arith.constant 0 : i32
      %dma_start3A_75 = tpu.memref_slice %arg7[%dma_start3A_73, %dma_start3A_74] : memref<1024x16xf32, #tpu.memory_space<vmem>> -> memref<128x16xf32, #tpu.memory_space<vmem>>
      %dma_start3A_76 = arith.constant 0 : i32
      %dma_start3A_77 = tpu.memref_slice %arg8[%dma_start3A_72, %dma_start3A_76] : memref<8x128xi32, #tpu.memory_space<vmem>> -> memref<1x128xi32, #tpu.memory_space<vmem>>
      %dma_start3A_78 = tpu.memref_squeeze %dma_start3A_77 : memref<1x128xi32, #tpu.memory_space<vmem>> -> memref<128xi32, #tpu.memory_space<vmem>>
      %dma_start3A_79 = arith.constant 0 : i32
      %dma_start3A_80 = arith.constant 0 : i32
      %dma_start3A_81 = tpu.memref_slice %arg6[%dma_start3A_79, %dma_start3A_80] : memref<100096x16xf32, #tpu.memory_space<vmem_shared>> -> memref<100096x16xf32, #tpu.memory_space<vmem_shared>>
      tpu.enqueue_indirect_dma source(%dma_start3A_75 : memref<128x16xf32, #tpu.memory_space<vmem>>) target(%dma_start3A_81 : memref<100096x16xf32, #tpu.memory_space<vmem_shared>>) offsets(%dma_start3A_78 : memref<128xi32, #tpu.memory_space<vmem>>) semaphore(%arg9 : memref<!tpu.dma_semaphore, #tpu.memory_space<semaphore_mem>>) {add = true}
      %dma_start3A_82 = arith.constant 6 : i32
      %dma_start3A_83 = arith.constant 768 : i32
      %dma_start3A_84 = arith.constant 0 : i32
      %dma_start3A_85 = tpu.memref_slice %arg7[%dma_start3A_83, %dma_start3A_84] : memref<1024x16xf32, #tpu.memory_space<vmem>> -> memref<128x16xf32, #tpu.memory_space<vmem>>
      %dma_start3A_86 = arith.constant 0 : i32
      %dma_start3A_87 = tpu.memref_slice %arg8[%dma_start3A_82, %dma_start3A_86] : memref<8x128xi32, #tpu.memory_space<vmem>> -> memref<1x128xi32, #tpu.memory_space<vmem>>
      %dma_start3A_88 = tpu.memref_squeeze %dma_start3A_87 : memref<1x128xi32, #tpu.memory_space<vmem>> -> memref<128xi32, #tpu.memory_space<vmem>>
      %dma_start3A_89 = arith.constant 0 : i32
      %dma_start3A_90 = arith.constant 0 : i32
      %dma_start3A_91 = tpu.memref_slice %arg6[%dma_start3A_89, %dma_start3A_90] : memref<100096x16xf32, #tpu.memory_space<vmem_shared>> -> memref<100096x16xf32, #tpu.memory_space<vmem_shared>>
      tpu.enqueue_indirect_dma source(%dma_start3A_85 : memref<128x16xf32, #tpu.memory_space<vmem>>) target(%dma_start3A_91 : memref<100096x16xf32, #tpu.memory_space<vmem_shared>>) offsets(%dma_start3A_88 : memref<128xi32, #tpu.memory_space<vmem>>) semaphore(%arg9 : memref<!tpu.dma_semaphore, #tpu.memory_space<semaphore_mem>>) {add = true}
      %dma_start3A_92 = arith.constant 7 : i32
      %dma_start3A_93 = arith.constant 896 : i32
      %dma_start3A_94 = arith.constant 0 : i32
      %dma_start3A_95 = tpu.memref_slice %arg7[%dma_start3A_93, %dma_start3A_94] : memref<1024x16xf32, #tpu.memory_space<vmem>> -> memref<128x16xf32, #tpu.memory_space<vmem>>
      %dma_start3A_96 = arith.constant 0 : i32
      %dma_start3A_97 = tpu.memref_slice %arg8[%dma_start3A_92, %dma_start3A_96] : memref<8x128xi32, #tpu.memory_space<vmem>> -> memref<1x128xi32, #tpu.memory_space<vmem>>
      %dma_start3A_98 = tpu.memref_squeeze %dma_start3A_97 : memref<1x128xi32, #tpu.memory_space<vmem>> -> memref<128xi32, #tpu.memory_space<vmem>>
      %dma_start3A_99 = arith.constant 0 : i32
      %dma_start3A_100 = arith.constant 0 : i32
      %dma_start3A_101 = tpu.memref_slice %arg6[%dma_start3A_99, %dma_start3A_100] : memref<100096x16xf32, #tpu.memory_space<vmem_shared>> -> memref<100096x16xf32, #tpu.memory_space<vmem_shared>>
      tpu.enqueue_indirect_dma source(%dma_start3A_95 : memref<128x16xf32, #tpu.memory_space<vmem>>) target(%dma_start3A_101 : memref<100096x16xf32, #tpu.memory_space<vmem_shared>>) offsets(%dma_start3A_98 : memref<128xi32, #tpu.memory_space<vmem>>) semaphore(%arg9 : memref<!tpu.dma_semaphore, #tpu.memory_space<semaphore_mem>>) {add = true}
      %dma_wait3A = arith.constant 0 : i32
      %dma_wait3A_102 = arith.constant 0 : i32
      %dma_wait3A_103 = arith.constant 0 : i32
      %dma_wait3A_104 = tpu.memref_slice %arg7[%dma_wait3A_102, %dma_wait3A_103] : memref<1024x16xf32, #tpu.memory_space<vmem>> -> memref<128x16xf32, #tpu.memory_space<vmem>>
      %dma_wait3A_105 = arith.constant 0 : i32
      %dma_wait3A_106 = tpu.memref_slice %arg8[%dma_wait3A, %dma_wait3A_105] : memref<8x128xi32, #tpu.memory_space<vmem>> -> memref<1x128xi32, #tpu.memory_space<vmem>>
      %dma_wait3A_107 = tpu.memref_squeeze %dma_wait3A_106 : memref<1x128xi32, #tpu.memory_space<vmem>> -> memref<128xi32, #tpu.memory_space<vmem>>
      %dma_wait3A_108 = arith.constant 0 : i32
      %dma_wait3A_109 = arith.constant 0 : i32
      %dma_wait3A_110 = tpu.memref_slice %arg6[%dma_wait3A_108, %dma_wait3A_109] : memref<100096x16xf32, #tpu.memory_space<vmem_shared>> -> memref<100096x16xf32, #tpu.memory_space<vmem_shared>>
      tpu.wait_indirect_dma semaphore(%arg9 : memref<!tpu.dma_semaphore, #tpu.memory_space<semaphore_mem>>) src(%dma_wait3A_104 : memref<128x16xf32, #tpu.memory_space<vmem>>) dst(%dma_wait3A_110 : memref<100096x16xf32, #tpu.memory_space<vmem_shared>>)
      %dma_wait3A_111 = arith.constant 1 : i32
      %dma_wait3A_112 = arith.constant 128 : i32
      %dma_wait3A_113 = arith.constant 0 : i32
      %dma_wait3A_114 = tpu.memref_slice %arg7[%dma_wait3A_112, %dma_wait3A_113] : memref<1024x16xf32, #tpu.memory_space<vmem>> -> memref<128x16xf32, #tpu.memory_space<vmem>>
      %dma_wait3A_115 = arith.constant 0 : i32
      %dma_wait3A_116 = tpu.memref_slice %arg8[%dma_wait3A_111, %dma_wait3A_115] : memref<8x128xi32, #tpu.memory_space<vmem>> -> memref<1x128xi32, #tpu.memory_space<vmem>>
      %dma_wait3A_117 = tpu.memref_squeeze %dma_wait3A_116 : memref<1x128xi32, #tpu.memory_space<vmem>> -> memref<128xi32, #tpu.memory_space<vmem>>
      %dma_wait3A_118 = arith.constant 0 : i32
      %dma_wait3A_119 = arith.constant 0 : i32
      %dma_wait3A_120 = tpu.memref_slice %arg6[%dma_wait3A_118, %dma_wait3A_119] : memref<100096x16xf32, #tpu.memory_space<vmem_shared>> -> memref<100096x16xf32, #tpu.memory_space<vmem_shared>>
      tpu.wait_indirect_dma semaphore(%arg9 : memref<!tpu.dma_semaphore, #tpu.memory_space<semaphore_mem>>) src(%dma_wait3A_114 : memref<128x16xf32, #tpu.memory_space<vmem>>) dst(%dma_wait3A_120 : memref<100096x16xf32, #tpu.memory_space<vmem_shared>>)
      %dma_wait3A_121 = arith.constant 2 : i32
      %dma_wait3A_122 = arith.constant 256 : i32
      %dma_wait3A_123 = arith.constant 0 : i32
      %dma_wait3A_124 = tpu.memref_slice %arg7[%dma_wait3A_122, %dma_wait3A_123] : memref<1024x16xf32, #tpu.memory_space<vmem>> -> memref<128x16xf32, #tpu.memory_space<vmem>>
      %dma_wait3A_125 = arith.constant 0 : i32
      %dma_wait3A_126 = tpu.memref_slice %arg8[%dma_wait3A_121, %dma_wait3A_125] : memref<8x128xi32, #tpu.memory_space<vmem>> -> memref<1x128xi32, #tpu.memory_space<vmem>>
      %dma_wait3A_127 = tpu.memref_squeeze %dma_wait3A_126 : memref<1x128xi32, #tpu.memory_space<vmem>> -> memref<128xi32, #tpu.memory_space<vmem>>
      %dma_wait3A_128 = arith.constant 0 : i32
      %dma_wait3A_129 = arith.constant 0 : i32
      %dma_wait3A_130 = tpu.memref_slice %arg6[%dma_wait3A_128, %dma_wait3A_129] : memref<100096x16xf32, #tpu.memory_space<vmem_shared>> -> memref<100096x16xf32, #tpu.memory_space<vmem_shared>>
      tpu.wait_indirect_dma semaphore(%arg9 : memref<!tpu.dma_semaphore, #tpu.memory_space<semaphore_mem>>) src(%dma_wait3A_124 : memref<128x16xf32, #tpu.memory_space<vmem>>) dst(%dma_wait3A_130 : memref<100096x16xf32, #tpu.memory_space<vmem_shared>>)
      %dma_wait3A_131 = arith.constant 3 : i32
      %dma_wait3A_132 = arith.constant 384 : i32
      %dma_wait3A_133 = arith.constant 0 : i32
      %dma_wait3A_134 = tpu.memref_slice %arg7[%dma_wait3A_132, %dma_wait3A_133] : memref<1024x16xf32, #tpu.memory_space<vmem>> -> memref<128x16xf32, #tpu.memory_space<vmem>>
      %dma_wait3A_135 = arith.constant 0 : i32
      %dma_wait3A_136 = tpu.memref_slice %arg8[%dma_wait3A_131, %dma_wait3A_135] : memref<8x128xi32, #tpu.memory_space<vmem>> -> memref<1x128xi32, #tpu.memory_space<vmem>>
      %dma_wait3A_137 = tpu.memref_squeeze %dma_wait3A_136 : memref<1x128xi32, #tpu.memory_space<vmem>> -> memref<128xi32, #tpu.memory_space<vmem>>
      %dma_wait3A_138 = arith.constant 0 : i32
      %dma_wait3A_139 = arith.constant 0 : i32
      %dma_wait3A_140 = tpu.memref_slice %arg6[%dma_wait3A_138, %dma_wait3A_139] : memref<100096x16xf32, #tpu.memory_space<vmem_shared>> -> memref<100096x16xf32, #tpu.memory_space<vmem_shared>>
      tpu.wait_indirect_dma semaphore(%arg9 : memref<!tpu.dma_semaphore, #tpu.memory_space<semaphore_mem>>) src(%dma_wait3A_134 : memref<128x16xf32, #tpu.memory_space<vmem>>) dst(%dma_wait3A_140 : memref<100096x16xf32, #tpu.memory_space<vmem_shared>>)
      %dma_wait3A_141 = arith.constant 4 : i32
      %dma_wait3A_142 = arith.constant 512 : i32
      %dma_wait3A_143 = arith.constant 0 : i32
      %dma_wait3A_144 = tpu.memref_slice %arg7[%dma_wait3A_142, %dma_wait3A_143] : memref<1024x16xf32, #tpu.memory_space<vmem>> -> memref<128x16xf32, #tpu.memory_space<vmem>>
      %dma_wait3A_145 = arith.constant 0 : i32
      %dma_wait3A_146 = tpu.memref_slice %arg8[%dma_wait3A_141, %dma_wait3A_145] : memref<8x128xi32, #tpu.memory_space<vmem>> -> memref<1x128xi32, #tpu.memory_space<vmem>>
      %dma_wait3A_147 = tpu.memref_squeeze %dma_wait3A_146 : memref<1x128xi32, #tpu.memory_space<vmem>> -> memref<128xi32, #tpu.memory_space<vmem>>
      %dma_wait3A_148 = arith.constant 0 : i32
      %dma_wait3A_149 = arith.constant 0 : i32
      %dma_wait3A_150 = tpu.memref_slice %arg6[%dma_wait3A_148, %dma_wait3A_149] : memref<100096x16xf32, #tpu.memory_space<vmem_shared>> -> memref<100096x16xf32, #tpu.memory_space<vmem_shared>>
      tpu.wait_indirect_dma semaphore(%arg9 : memref<!tpu.dma_semaphore, #tpu.memory_space<semaphore_mem>>) src(%dma_wait3A_144 : memref<128x16xf32, #tpu.memory_space<vmem>>) dst(%dma_wait3A_150 : memref<100096x16xf32, #tpu.memory_space<vmem_shared>>)
      %dma_wait3A_151 = arith.constant 5 : i32
      %dma_wait3A_152 = arith.constant 640 : i32
      %dma_wait3A_153 = arith.constant 0 : i32
      %dma_wait3A_154 = tpu.memref_slice %arg7[%dma_wait3A_152, %dma_wait3A_153] : memref<1024x16xf32, #tpu.memory_space<vmem>> -> memref<128x16xf32, #tpu.memory_space<vmem>>
      %dma_wait3A_155 = arith.constant 0 : i32
      %dma_wait3A_156 = tpu.memref_slice %arg8[%dma_wait3A_151, %dma_wait3A_155] : memref<8x128xi32, #tpu.memory_space<vmem>> -> memref<1x128xi32, #tpu.memory_space<vmem>>
      %dma_wait3A_157 = tpu.memref_squeeze %dma_wait3A_156 : memref<1x128xi32, #tpu.memory_space<vmem>> -> memref<128xi32, #tpu.memory_space<vmem>>
      %dma_wait3A_158 = arith.constant 0 : i32
      %dma_wait3A_159 = arith.constant 0 : i32
      %dma_wait3A_160 = tpu.memref_slice %arg6[%dma_wait3A_158, %dma_wait3A_159] : memref<100096x16xf32, #tpu.memory_space<vmem_shared>> -> memref<100096x16xf32, #tpu.memory_space<vmem_shared>>
      tpu.wait_indirect_dma semaphore(%arg9 : memref<!tpu.dma_semaphore, #tpu.memory_space<semaphore_mem>>) src(%dma_wait3A_154 : memref<128x16xf32, #tpu.memory_space<vmem>>) dst(%dma_wait3A_160 : memref<100096x16xf32, #tpu.memory_space<vmem_shared>>)
      %dma_wait3A_161 = arith.constant 6 : i32
      %dma_wait3A_162 = arith.constant 768 : i32
      %dma_wait3A_163 = arith.constant 0 : i32
      %dma_wait3A_164 = tpu.memref_slice %arg7[%dma_wait3A_162, %dma_wait3A_163] : memref<1024x16xf32, #tpu.memory_space<vmem>> -> memref<128x16xf32, #tpu.memory_space<vmem>>
      %dma_wait3A_165 = arith.constant 0 : i32
      %dma_wait3A_166 = tpu.memref_slice %arg8[%dma_wait3A_161, %dma_wait3A_165] : memref<8x128xi32, #tpu.memory_space<vmem>> -> memref<1x128xi32, #tpu.memory_space<vmem>>
      %dma_wait3A_167 = tpu.memref_squeeze %dma_wait3A_166 : memref<1x128xi32, #tpu.memory_space<vmem>> -> memref<128xi32, #tpu.memory_space<vmem>>
      %dma_wait3A_168 = arith.constant 0 : i32
      %dma_wait3A_169 = arith.constant 0 : i32
      %dma_wait3A_170 = tpu.memref_slice %arg6[%dma_wait3A_168, %dma_wait3A_169] : memref<100096x16xf32, #tpu.memory_space<vmem_shared>> -> memref<100096x16xf32, #tpu.memory_space<vmem_shared>>
      tpu.wait_indirect_dma semaphore(%arg9 : memref<!tpu.dma_semaphore, #tpu.memory_space<semaphore_mem>>) src(%dma_wait3A_164 : memref<128x16xf32, #tpu.memory_space<vmem>>) dst(%dma_wait3A_170 : memref<100096x16xf32, #tpu.memory_space<vmem_shared>>)
      %dma_wait3A_171 = arith.constant 7 : i32
      %dma_wait3A_172 = arith.constant 896 : i32
      %dma_wait3A_173 = arith.constant 0 : i32
      %dma_wait3A_174 = tpu.memref_slice %arg7[%dma_wait3A_172, %dma_wait3A_173] : memref<1024x16xf32, #tpu.memory_space<vmem>> -> memref<128x16xf32, #tpu.memory_space<vmem>>
      %dma_wait3A_175 = arith.constant 0 : i32
      %dma_wait3A_176 = tpu.memref_slice %arg8[%dma_wait3A_171, %dma_wait3A_175] : memref<8x128xi32, #tpu.memory_space<vmem>> -> memref<1x128xi32, #tpu.memory_space<vmem>>
      %dma_wait3A_177 = tpu.memref_squeeze %dma_wait3A_176 : memref<1x128xi32, #tpu.memory_space<vmem>> -> memref<128xi32, #tpu.memory_space<vmem>>
      %dma_wait3A_178 = arith.constant 0 : i32
      %dma_wait3A_179 = arith.constant 0 : i32
      %dma_wait3A_180 = tpu.memref_slice %arg6[%dma_wait3A_178, %dma_wait3A_179] : memref<100096x16xf32, #tpu.memory_space<vmem_shared>> -> memref<100096x16xf32, #tpu.memory_space<vmem_shared>>
      tpu.wait_indirect_dma semaphore(%arg9 : memref<!tpu.dma_semaphore, #tpu.memory_space<semaphore_mem>>) src(%dma_wait3A_174 : memref<128x16xf32, #tpu.memory_space<vmem>>) dst(%dma_wait3A_180 : memref<100096x16xf32, #tpu.memory_space<vmem_shared>>)
      %scan3A_181 = arith.constant 0 : i32
      scf.yield %scan3A_181 : i32
    }
    %scan3A_10 = arith.constant 100 : i32
    %barrier3A_11 = arith.constant 0 : index
    tpu.barrier barrier_id(%barrier3A_11)
    %mul3A_12 = arith.constant 6256 : i32
    %mul3A_13 = arith.muli %arg1, %mul3A_12 : i32
    %mul3A_14 = arith.constant 6256 : i32
    %mul3A_15 = arith.muli %arg1, %mul3A_14 : i32
    "tpu.region"() ({
      %run_scoped3A = tpu.sem_alloc : memref<!tpu.dma_semaphore, #tpu.memory_space<semaphore_mem>>
      %dma_start3A = arith.constant 0 : i32
      %dma_start3A_16 = arith.constant 0 : i32
      %dma_start3A_17 = tpu.memref_slice %arg5[%arg0, %dma_start3A, %dma_start3A_16] : memref<2x100096x16xf32, #tpu.memory_space<hbm>> -> memref<1x100096x16xf32, #tpu.memory_space<hbm>>
      %dma_start3A_18 = tpu.memref_squeeze %dma_start3A_17 : memref<1x100096x16xf32, #tpu.memory_space<hbm>> -> memref<100096x16xf32, #tpu.memory_space<hbm>>
      %dma_start3A_19 = arith.constant 0 : i32
      %dma_start3A_20 = tpu.memref_slice %dma_start3A_18[%mul3A_15, %dma_start3A_19] : memref<100096x16xf32, #tpu.memory_space<hbm>> -> memref<6256x16xf32, #tpu.memory_space<hbm>>
      %dma_start3A_21 = arith.constant 0 : i32
      %dma_start3A_22 = tpu.memref_slice %arg6[%mul3A_13, %dma_start3A_21] : memref<100096x16xf32, #tpu.memory_space<vmem_shared>> -> memref<6256x16xf32, #tpu.memory_space<vmem_shared>>
      tpu.enqueue_dma source(%dma_start3A_22 : memref<6256x16xf32, #tpu.memory_space<vmem_shared>>) target(%dma_start3A_20 : memref<6256x16xf32, #tpu.memory_space<hbm>>) target_semaphore(%run_scoped3A : memref<!tpu.dma_semaphore, #tpu.memory_space<semaphore_mem>>)
      %dma_wait3A = arith.constant 0 : i32
      %dma_wait3A_23 = arith.constant 0 : i32
      %dma_wait3A_24 = tpu.memref_slice %arg5[%arg0, %dma_wait3A, %dma_wait3A_23] : memref<2x100096x16xf32, #tpu.memory_space<hbm>> -> memref<1x100096x16xf32, #tpu.memory_space<hbm>>
      %dma_wait3A_25 = tpu.memref_squeeze %dma_wait3A_24 : memref<1x100096x16xf32, #tpu.memory_space<hbm>> -> memref<100096x16xf32, #tpu.memory_space<hbm>>
      %dma_wait3A_26 = arith.constant 0 : i32
      %dma_wait3A_27 = tpu.memref_slice %dma_wait3A_25[%mul3A_15, %dma_wait3A_26] : memref<100096x16xf32, #tpu.memory_space<hbm>> -> memref<6256x16xf32, #tpu.memory_space<hbm>>
      %dma_wait3A_28 = arith.constant 0 : i32
      %dma_wait3A_29 = tpu.memref_slice %arg6[%mul3A_13, %dma_wait3A_28] : memref<100096x16xf32, #tpu.memory_space<vmem_shared>> -> memref<6256x16xf32, #tpu.memory_space<vmem_shared>>
      tpu.wait_dma2 semaphore(%run_scoped3A : memref<!tpu.dma_semaphore, #tpu.memory_space<semaphore_mem>>) src(%dma_wait3A_29 : memref<6256x16xf32, #tpu.memory_space<vmem_shared>>) dst(%dma_wait3A_27 : memref<6256x16xf32, #tpu.memory_space<hbm>>)
      tpu.yield
    }) : () -> ()
    return
  }
}

#map = affine_map<(d0, d1) -> (0, 0)>
module attributes {stable_mosaic.version = 14 : i64} {
  func.func @k(%arg0: i32, %arg1: i32, %arg2: memref<100096x16xf32, #tpu.memory_space<hbm>>, %arg3: memref<25600x128xi32, #tpu.memory_space<hbm>>, %arg4: memref<25600x128xi32, #tpu.memory_space<hbm>>, %arg5: memref<3276800x16xf32, #tpu.memory_space<hbm>>, %arg6: memref<3276800x16xf32, #tpu.memory_space<hbm>>, %arg7: memref<100096x16xf32, #tpu.memory_space<vmem_shared>>, %arg8: memref<4x128xi32, #tpu.memory_space<vmem>>, %arg9: memref<4x128xi32, #tpu.memory_space<vmem>>, %arg10: memref<512x16xf32, #tpu.memory_space<vmem>>, %arg11: memref<512x16xf32, #tpu.memory_space<vmem>>, %arg12: memref<!tpu.dma_semaphore, #tpu.memory_space<semaphore_mem>>, %arg13: memref<!tpu.dma_semaphore, #tpu.memory_space<semaphore_mem>>) attributes {dimension_semantics = [#tpu.dimension_semantics<core_parallel>, #tpu.dimension_semantics<subcore_parallel>], iteration_bounds = array<i64: 2, 16>, scalar_prefetch = 0 : i64, scratch_operands = 7 : i64, tpu.core_type = #tpu.core_type<sc_vector_subcore>, window_params = [{transform_indices = #map}, {transform_indices = #map}, {transform_indices = #map}, {transform_indices = #map}, {transform_indices = #map}]} {
    %mul3A = arith.constant 2 : i32
    %mul3A_0 = arith.muli %arg1, %mul3A : i32
    %add3A = arith.addi %mul3A_0, %arg0 : i32
    %mul3A_1 = arith.constant 6256 : i32
    %mul3A_2 = arith.muli %arg1, %mul3A_1 : i32
    %mul3A_3 = arith.constant 6256 : i32
    %mul3A_4 = arith.muli %arg1, %mul3A_3 : i32
    "tpu.region"() ({
      %run_scoped3A = tpu.sem_alloc : memref<!tpu.dma_semaphore, #tpu.memory_space<semaphore_mem>>
      %dma_start3A = arith.constant 0 : i32
      %dma_start3A_13 = tpu.memref_slice %arg7[%mul3A_4, %dma_start3A] : memref<100096x16xf32, #tpu.memory_space<vmem_shared>> -> memref<6256x16xf32, #tpu.memory_space<vmem_shared>>
      %dma_start3A_14 = arith.constant 0 : i32
      %dma_start3A_15 = tpu.memref_slice %arg2[%mul3A_2, %dma_start3A_14] : memref<100096x16xf32, #tpu.memory_space<hbm>> -> memref<6256x16xf32, #tpu.memory_space<hbm>>
      tpu.enqueue_dma source(%dma_start3A_15 : memref<6256x16xf32, #tpu.memory_space<hbm>>) target(%dma_start3A_13 : memref<6256x16xf32, #tpu.memory_space<vmem_shared>>) target_semaphore(%run_scoped3A : memref<!tpu.dma_semaphore, #tpu.memory_space<semaphore_mem>>)
      %dma_wait3A = arith.constant 0 : i32
      %dma_wait3A_16 = tpu.memref_slice %arg7[%mul3A_4, %dma_wait3A] : memref<100096x16xf32, #tpu.memory_space<vmem_shared>> -> memref<6256x16xf32, #tpu.memory_space<vmem_shared>>
      %dma_wait3A_17 = arith.constant 0 : i32
      %dma_wait3A_18 = tpu.memref_slice %arg2[%mul3A_2, %dma_wait3A_17] : memref<100096x16xf32, #tpu.memory_space<hbm>> -> memref<6256x16xf32, #tpu.memory_space<hbm>>
      tpu.wait_dma2 semaphore(%run_scoped3A : memref<!tpu.dma_semaphore, #tpu.memory_space<semaphore_mem>>) src(%dma_wait3A_18 : memref<6256x16xf32, #tpu.memory_space<hbm>>) dst(%dma_wait3A_16 : memref<6256x16xf32, #tpu.memory_space<vmem_shared>>)
      tpu.yield
    }) : () -> ()
    %barrier3A = arith.constant 0 : index
    tpu.barrier barrier_id(%barrier3A)
    %mul3A_5 = arith.constant 800 : i32
    %mul3A_6 = arith.muli %add3A, %mul3A_5 : i32
    %scan3A = arith.constant 0 : i32
    %scan3A_7 = arith.constant 0 : i32
    %scan3A_8 = arith.constant 200 : i32
    %scan3A_9 = arith.addi %scan3A_7, %scan3A_8 : i32
    %scan3A_10 = arith.constant 1 : i32
    %scan3A_11 = scf.for %scan3A_13 = %scan3A_7 to %scan3A_9 step %scan3A_10 iter_args(%scan3A_14 = %scan3A) -> (i32)  : i32 {
      %mul3A_15 = arith.constant 4 : i32
      %mul3A_16 = arith.muli %scan3A_13, %mul3A_15 : i32
      %add3A_17 = arith.addi %mul3A_6, %mul3A_16 : i32
      "tpu.region"() ({
        %run_scoped3A = tpu.sem_alloc : memref<!tpu.dma_semaphore, #tpu.memory_space<semaphore_mem>>
        %dma_start3A_181 = arith.constant 0 : i32
        %dma_start3A_182 = tpu.memref_slice %arg3[%add3A_17, %dma_start3A_181] : memref<25600x128xi32, #tpu.memory_space<hbm>> -> memref<4x128xi32, #tpu.memory_space<hbm>>
        %dma_start3A_183 = arith.constant 0 : i32
        %dma_start3A_184 = tpu.memref_slice %arg3[%add3A_17, %dma_start3A_183] : memref<25600x128xi32, #tpu.memory_space<hbm>> -> memref<4x128xi32, #tpu.memory_space<hbm>>
        tpu.enqueue_dma source(%dma_start3A_184 : memref<4x128xi32, #tpu.memory_space<hbm>>) target(%arg8 : memref<4x128xi32, #tpu.memory_space<vmem>>) target_semaphore(%run_scoped3A : memref<!tpu.dma_semaphore, #tpu.memory_space<semaphore_mem>>)
        %dma_wait3A_185 = arith.constant 0 : i32
        %dma_wait3A_186 = tpu.memref_slice %arg3[%add3A_17, %dma_wait3A_185] : memref<25600x128xi32, #tpu.memory_space<hbm>> -> memref<4x128xi32, #tpu.memory_space<hbm>>
        %dma_wait3A_187 = arith.constant 0 : i32
        %dma_wait3A_188 = tpu.memref_slice %arg3[%add3A_17, %dma_wait3A_187] : memref<25600x128xi32, #tpu.memory_space<hbm>> -> memref<4x128xi32, #tpu.memory_space<hbm>>
        tpu.wait_dma2 semaphore(%run_scoped3A : memref<!tpu.dma_semaphore, #tpu.memory_space<semaphore_mem>>) src(%dma_wait3A_188 : memref<4x128xi32, #tpu.memory_space<hbm>>) dst(%arg8 : memref<4x128xi32, #tpu.memory_space<vmem>>)
        tpu.yield
      }) : () -> ()
      "tpu.region"() ({
        %run_scoped3A = tpu.sem_alloc : memref<!tpu.dma_semaphore, #tpu.memory_space<semaphore_mem>>
        %dma_start3A_181 = arith.constant 0 : i32
        %dma_start3A_182 = tpu.memref_slice %arg4[%add3A_17, %dma_start3A_181] : memref<25600x128xi32, #tpu.memory_space<hbm>> -> memref<4x128xi32, #tpu.memory_space<hbm>>
        %dma_start3A_183 = arith.constant 0 : i32
        %dma_start3A_184 = tpu.memref_slice %arg4[%add3A_17, %dma_start3A_183] : memref<25600x128xi32, #tpu.memory_space<hbm>> -> memref<4x128xi32, #tpu.memory_space<hbm>>
        tpu.enqueue_dma source(%dma_start3A_184 : memref<4x128xi32, #tpu.memory_space<hbm>>) target(%arg9 : memref<4x128xi32, #tpu.memory_space<vmem>>) target_semaphore(%run_scoped3A : memref<!tpu.dma_semaphore, #tpu.memory_space<semaphore_mem>>)
        %dma_wait3A_185 = arith.constant 0 : i32
        %dma_wait3A_186 = tpu.memref_slice %arg4[%add3A_17, %dma_wait3A_185] : memref<25600x128xi32, #tpu.memory_space<hbm>> -> memref<4x128xi32, #tpu.memory_space<hbm>>
        %dma_wait3A_187 = arith.constant 0 : i32
        %dma_wait3A_188 = tpu.memref_slice %arg4[%add3A_17, %dma_wait3A_187] : memref<25600x128xi32, #tpu.memory_space<hbm>> -> memref<4x128xi32, #tpu.memory_space<hbm>>
        tpu.wait_dma2 semaphore(%run_scoped3A : memref<!tpu.dma_semaphore, #tpu.memory_space<semaphore_mem>>) src(%dma_wait3A_188 : memref<4x128xi32, #tpu.memory_space<hbm>>) dst(%arg9 : memref<4x128xi32, #tpu.memory_space<vmem>>)
        tpu.yield
      }) : () -> ()
      %dma_start3A = arith.constant 0 : i32
      %dma_start3A_18 = arith.constant 0 : i32
      %dma_start3A_19 = arith.constant 0 : i32
      %dma_start3A_20 = tpu.memref_slice %arg10[%dma_start3A_18, %dma_start3A_19] : memref<512x16xf32, #tpu.memory_space<vmem>> -> memref<128x16xf32, #tpu.memory_space<vmem>>
      %dma_start3A_21 = arith.constant 0 : i32
      %dma_start3A_22 = tpu.memref_slice %arg8[%dma_start3A, %dma_start3A_21] : memref<4x128xi32, #tpu.memory_space<vmem>> -> memref<1x128xi32, #tpu.memory_space<vmem>>
      %dma_start3A_23 = tpu.memref_squeeze %dma_start3A_22 : memref<1x128xi32, #tpu.memory_space<vmem>> -> memref<128xi32, #tpu.memory_space<vmem>>
      %dma_start3A_24 = arith.constant 0 : i32
      %dma_start3A_25 = arith.constant 0 : i32
      %dma_start3A_26 = tpu.memref_slice %arg7[%dma_start3A_24, %dma_start3A_25] : memref<100096x16xf32, #tpu.memory_space<vmem_shared>> -> memref<100096x16xf32, #tpu.memory_space<vmem_shared>>
      tpu.enqueue_indirect_dma source(%dma_start3A_26 : memref<100096x16xf32, #tpu.memory_space<vmem_shared>>) target(%dma_start3A_20 : memref<128x16xf32, #tpu.memory_space<vmem>>) offsets(%dma_start3A_23 : memref<128xi32, #tpu.memory_space<vmem>>) semaphore(%arg12 : memref<!tpu.dma_semaphore, #tpu.memory_space<semaphore_mem>>)
      %dma_start3A_27 = arith.constant 1 : i32
      %dma_start3A_28 = arith.constant 128 : i32
      %dma_start3A_29 = arith.constant 0 : i32
      %dma_start3A_30 = tpu.memref_slice %arg10[%dma_start3A_28, %dma_start3A_29] : memref<512x16xf32, #tpu.memory_space<vmem>> -> memref<128x16xf32, #tpu.memory_space<vmem>>
      %dma_start3A_31 = arith.constant 0 : i32
      %dma_start3A_32 = tpu.memref_slice %arg8[%dma_start3A_27, %dma_start3A_31] : memref<4x128xi32, #tpu.memory_space<vmem>> -> memref<1x128xi32, #tpu.memory_space<vmem>>
      %dma_start3A_33 = tpu.memref_squeeze %dma_start3A_32 : memref<1x128xi32, #tpu.memory_space<vmem>> -> memref<128xi32, #tpu.memory_space<vmem>>
      %dma_start3A_34 = arith.constant 0 : i32
      %dma_start3A_35 = arith.constant 0 : i32
      %dma_start3A_36 = tpu.memref_slice %arg7[%dma_start3A_34, %dma_start3A_35] : memref<100096x16xf32, #tpu.memory_space<vmem_shared>> -> memref<100096x16xf32, #tpu.memory_space<vmem_shared>>
      tpu.enqueue_indirect_dma source(%dma_start3A_36 : memref<100096x16xf32, #tpu.memory_space<vmem_shared>>) target(%dma_start3A_30 : memref<128x16xf32, #tpu.memory_space<vmem>>) offsets(%dma_start3A_33 : memref<128xi32, #tpu.memory_space<vmem>>) semaphore(%arg12 : memref<!tpu.dma_semaphore, #tpu.memory_space<semaphore_mem>>)
      %dma_start3A_37 = arith.constant 2 : i32
      %dma_start3A_38 = arith.constant 256 : i32
      %dma_start3A_39 = arith.constant 0 : i32
      %dma_start3A_40 = tpu.memref_slice %arg10[%dma_start3A_38, %dma_start3A_39] : memref<512x16xf32, #tpu.memory_space<vmem>> -> memref<128x16xf32, #tpu.memory_space<vmem>>
      %dma_start3A_41 = arith.constant 0 : i32
      %dma_start3A_42 = tpu.memref_slice %arg8[%dma_start3A_37, %dma_start3A_41] : memref<4x128xi32, #tpu.memory_space<vmem>> -> memref<1x128xi32, #tpu.memory_space<vmem>>
      %dma_start3A_43 = tpu.memref_squeeze %dma_start3A_42 : memref<1x128xi32, #tpu.memory_space<vmem>> -> memref<128xi32, #tpu.memory_space<vmem>>
      %dma_start3A_44 = arith.constant 0 : i32
      %dma_start3A_45 = arith.constant 0 : i32
      %dma_start3A_46 = tpu.memref_slice %arg7[%dma_start3A_44, %dma_start3A_45] : memref<100096x16xf32, #tpu.memory_space<vmem_shared>> -> memref<100096x16xf32, #tpu.memory_space<vmem_shared>>
      tpu.enqueue_indirect_dma source(%dma_start3A_46 : memref<100096x16xf32, #tpu.memory_space<vmem_shared>>) target(%dma_start3A_40 : memref<128x16xf32, #tpu.memory_space<vmem>>) offsets(%dma_start3A_43 : memref<128xi32, #tpu.memory_space<vmem>>) semaphore(%arg12 : memref<!tpu.dma_semaphore, #tpu.memory_space<semaphore_mem>>)
      %dma_start3A_47 = arith.constant 3 : i32
      %dma_start3A_48 = arith.constant 384 : i32
      %dma_start3A_49 = arith.constant 0 : i32
      %dma_start3A_50 = tpu.memref_slice %arg10[%dma_start3A_48, %dma_start3A_49] : memref<512x16xf32, #tpu.memory_space<vmem>> -> memref<128x16xf32, #tpu.memory_space<vmem>>
      %dma_start3A_51 = arith.constant 0 : i32
      %dma_start3A_52 = tpu.memref_slice %arg8[%dma_start3A_47, %dma_start3A_51] : memref<4x128xi32, #tpu.memory_space<vmem>> -> memref<1x128xi32, #tpu.memory_space<vmem>>
      %dma_start3A_53 = tpu.memref_squeeze %dma_start3A_52 : memref<1x128xi32, #tpu.memory_space<vmem>> -> memref<128xi32, #tpu.memory_space<vmem>>
      %dma_start3A_54 = arith.constant 0 : i32
      %dma_start3A_55 = arith.constant 0 : i32
      %dma_start3A_56 = tpu.memref_slice %arg7[%dma_start3A_54, %dma_start3A_55] : memref<100096x16xf32, #tpu.memory_space<vmem_shared>> -> memref<100096x16xf32, #tpu.memory_space<vmem_shared>>
      tpu.enqueue_indirect_dma source(%dma_start3A_56 : memref<100096x16xf32, #tpu.memory_space<vmem_shared>>) target(%dma_start3A_50 : memref<128x16xf32, #tpu.memory_space<vmem>>) offsets(%dma_start3A_53 : memref<128xi32, #tpu.memory_space<vmem>>) semaphore(%arg12 : memref<!tpu.dma_semaphore, #tpu.memory_space<semaphore_mem>>)
      %dma_start3A_57 = arith.constant 0 : i32
      %dma_start3A_58 = arith.constant 0 : i32
      %dma_start3A_59 = arith.constant 0 : i32
      %dma_start3A_60 = tpu.memref_slice %arg11[%dma_start3A_58, %dma_start3A_59] : memref<512x16xf32, #tpu.memory_space<vmem>> -> memref<128x16xf32, #tpu.memory_space<vmem>>
      %dma_start3A_61 = arith.constant 0 : i32
      %dma_start3A_62 = tpu.memref_slice %arg9[%dma_start3A_57, %dma_start3A_61] : memref<4x128xi32, #tpu.memory_space<vmem>> -> memref<1x128xi32, #tpu.memory_space<vmem>>
      %dma_start3A_63 = tpu.memref_squeeze %dma_start3A_62 : memref<1x128xi32, #tpu.memory_space<vmem>> -> memref<128xi32, #tpu.memory_space<vmem>>
      %dma_start3A_64 = arith.constant 0 : i32
      %dma_start3A_65 = arith.constant 0 : i32
      %dma_start3A_66 = tpu.memref_slice %arg7[%dma_start3A_64, %dma_start3A_65] : memref<100096x16xf32, #tpu.memory_space<vmem_shared>> -> memref<100096x16xf32, #tpu.memory_space<vmem_shared>>
      tpu.enqueue_indirect_dma source(%dma_start3A_66 : memref<100096x16xf32, #tpu.memory_space<vmem_shared>>) target(%dma_start3A_60 : memref<128x16xf32, #tpu.memory_space<vmem>>) offsets(%dma_start3A_63 : memref<128xi32, #tpu.memory_space<vmem>>) semaphore(%arg13 : memref<!tpu.dma_semaphore, #tpu.memory_space<semaphore_mem>>)
      %dma_start3A_67 = arith.constant 1 : i32
      %dma_start3A_68 = arith.constant 128 : i32
      %dma_start3A_69 = arith.constant 0 : i32
      %dma_start3A_70 = tpu.memref_slice %arg11[%dma_start3A_68, %dma_start3A_69] : memref<512x16xf32, #tpu.memory_space<vmem>> -> memref<128x16xf32, #tpu.memory_space<vmem>>
      %dma_start3A_71 = arith.constant 0 : i32
      %dma_start3A_72 = tpu.memref_slice %arg9[%dma_start3A_67, %dma_start3A_71] : memref<4x128xi32, #tpu.memory_space<vmem>> -> memref<1x128xi32, #tpu.memory_space<vmem>>
      %dma_start3A_73 = tpu.memref_squeeze %dma_start3A_72 : memref<1x128xi32, #tpu.memory_space<vmem>> -> memref<128xi32, #tpu.memory_space<vmem>>
      %dma_start3A_74 = arith.constant 0 : i32
      %dma_start3A_75 = arith.constant 0 : i32
      %dma_start3A_76 = tpu.memref_slice %arg7[%dma_start3A_74, %dma_start3A_75] : memref<100096x16xf32, #tpu.memory_space<vmem_shared>> -> memref<100096x16xf32, #tpu.memory_space<vmem_shared>>
      tpu.enqueue_indirect_dma source(%dma_start3A_76 : memref<100096x16xf32, #tpu.memory_space<vmem_shared>>) target(%dma_start3A_70 : memref<128x16xf32, #tpu.memory_space<vmem>>) offsets(%dma_start3A_73 : memref<128xi32, #tpu.memory_space<vmem>>) semaphore(%arg13 : memref<!tpu.dma_semaphore, #tpu.memory_space<semaphore_mem>>)
      %dma_start3A_77 = arith.constant 2 : i32
      %dma_start3A_78 = arith.constant 256 : i32
      %dma_start3A_79 = arith.constant 0 : i32
      %dma_start3A_80 = tpu.memref_slice %arg11[%dma_start3A_78, %dma_start3A_79] : memref<512x16xf32, #tpu.memory_space<vmem>> -> memref<128x16xf32, #tpu.memory_space<vmem>>
      %dma_start3A_81 = arith.constant 0 : i32
      %dma_start3A_82 = tpu.memref_slice %arg9[%dma_start3A_77, %dma_start3A_81] : memref<4x128xi32, #tpu.memory_space<vmem>> -> memref<1x128xi32, #tpu.memory_space<vmem>>
      %dma_start3A_83 = tpu.memref_squeeze %dma_start3A_82 : memref<1x128xi32, #tpu.memory_space<vmem>> -> memref<128xi32, #tpu.memory_space<vmem>>
      %dma_start3A_84 = arith.constant 0 : i32
      %dma_start3A_85 = arith.constant 0 : i32
      %dma_start3A_86 = tpu.memref_slice %arg7[%dma_start3A_84, %dma_start3A_85] : memref<100096x16xf32, #tpu.memory_space<vmem_shared>> -> memref<100096x16xf32, #tpu.memory_space<vmem_shared>>
      tpu.enqueue_indirect_dma source(%dma_start3A_86 : memref<100096x16xf32, #tpu.memory_space<vmem_shared>>) target(%dma_start3A_80 : memref<128x16xf32, #tpu.memory_space<vmem>>) offsets(%dma_start3A_83 : memref<128xi32, #tpu.memory_space<vmem>>) semaphore(%arg13 : memref<!tpu.dma_semaphore, #tpu.memory_space<semaphore_mem>>)
      %dma_start3A_87 = arith.constant 3 : i32
      %dma_start3A_88 = arith.constant 384 : i32
      %dma_start3A_89 = arith.constant 0 : i32
      %dma_start3A_90 = tpu.memref_slice %arg11[%dma_start3A_88, %dma_start3A_89] : memref<512x16xf32, #tpu.memory_space<vmem>> -> memref<128x16xf32, #tpu.memory_space<vmem>>
      %dma_start3A_91 = arith.constant 0 : i32
      %dma_start3A_92 = tpu.memref_slice %arg9[%dma_start3A_87, %dma_start3A_91] : memref<4x128xi32, #tpu.memory_space<vmem>> -> memref<1x128xi32, #tpu.memory_space<vmem>>
      %dma_start3A_93 = tpu.memref_squeeze %dma_start3A_92 : memref<1x128xi32, #tpu.memory_space<vmem>> -> memref<128xi32, #tpu.memory_space<vmem>>
      %dma_start3A_94 = arith.constant 0 : i32
      %dma_start3A_95 = arith.constant 0 : i32
      %dma_start3A_96 = tpu.memref_slice %arg7[%dma_start3A_94, %dma_start3A_95] : memref<100096x16xf32, #tpu.memory_space<vmem_shared>> -> memref<100096x16xf32, #tpu.memory_space<vmem_shared>>
      tpu.enqueue_indirect_dma source(%dma_start3A_96 : memref<100096x16xf32, #tpu.memory_space<vmem_shared>>) target(%dma_start3A_90 : memref<128x16xf32, #tpu.memory_space<vmem>>) offsets(%dma_start3A_93 : memref<128xi32, #tpu.memory_space<vmem>>) semaphore(%arg13 : memref<!tpu.dma_semaphore, #tpu.memory_space<semaphore_mem>>)
      %dma_wait3A = arith.constant 0 : i32
      %dma_wait3A_97 = arith.constant 0 : i32
      %dma_wait3A_98 = arith.constant 0 : i32
      %dma_wait3A_99 = tpu.memref_slice %arg10[%dma_wait3A_97, %dma_wait3A_98] : memref<512x16xf32, #tpu.memory_space<vmem>> -> memref<128x16xf32, #tpu.memory_space<vmem>>
      %dma_wait3A_100 = arith.constant 0 : i32
      %dma_wait3A_101 = tpu.memref_slice %arg8[%dma_wait3A, %dma_wait3A_100] : memref<4x128xi32, #tpu.memory_space<vmem>> -> memref<1x128xi32, #tpu.memory_space<vmem>>
      %dma_wait3A_102 = tpu.memref_squeeze %dma_wait3A_101 : memref<1x128xi32, #tpu.memory_space<vmem>> -> memref<128xi32, #tpu.memory_space<vmem>>
      %dma_wait3A_103 = arith.constant 0 : i32
      %dma_wait3A_104 = arith.constant 0 : i32
      %dma_wait3A_105 = tpu.memref_slice %arg7[%dma_wait3A_103, %dma_wait3A_104] : memref<100096x16xf32, #tpu.memory_space<vmem_shared>> -> memref<100096x16xf32, #tpu.memory_space<vmem_shared>>
      tpu.wait_indirect_dma semaphore(%arg12 : memref<!tpu.dma_semaphore, #tpu.memory_space<semaphore_mem>>) src(%dma_wait3A_105 : memref<100096x16xf32, #tpu.memory_space<vmem_shared>>) dst(%dma_wait3A_99 : memref<128x16xf32, #tpu.memory_space<vmem>>)
      %dma_wait3A_106 = arith.constant 1 : i32
      %dma_wait3A_107 = arith.constant 128 : i32
      %dma_wait3A_108 = arith.constant 0 : i32
      %dma_wait3A_109 = tpu.memref_slice %arg10[%dma_wait3A_107, %dma_wait3A_108] : memref<512x16xf32, #tpu.memory_space<vmem>> -> memref<128x16xf32, #tpu.memory_space<vmem>>
      %dma_wait3A_110 = arith.constant 0 : i32
      %dma_wait3A_111 = tpu.memref_slice %arg8[%dma_wait3A_106, %dma_wait3A_110] : memref<4x128xi32, #tpu.memory_space<vmem>> -> memref<1x128xi32, #tpu.memory_space<vmem>>
      %dma_wait3A_112 = tpu.memref_squeeze %dma_wait3A_111 : memref<1x128xi32, #tpu.memory_space<vmem>> -> memref<128xi32, #tpu.memory_space<vmem>>
      %dma_wait3A_113 = arith.constant 0 : i32
      %dma_wait3A_114 = arith.constant 0 : i32
      %dma_wait3A_115 = tpu.memref_slice %arg7[%dma_wait3A_113, %dma_wait3A_114] : memref<100096x16xf32, #tpu.memory_space<vmem_shared>> -> memref<100096x16xf32, #tpu.memory_space<vmem_shared>>
      tpu.wait_indirect_dma semaphore(%arg12 : memref<!tpu.dma_semaphore, #tpu.memory_space<semaphore_mem>>) src(%dma_wait3A_115 : memref<100096x16xf32, #tpu.memory_space<vmem_shared>>) dst(%dma_wait3A_109 : memref<128x16xf32, #tpu.memory_space<vmem>>)
      %dma_wait3A_116 = arith.constant 2 : i32
      %dma_wait3A_117 = arith.constant 256 : i32
      %dma_wait3A_118 = arith.constant 0 : i32
      %dma_wait3A_119 = tpu.memref_slice %arg10[%dma_wait3A_117, %dma_wait3A_118] : memref<512x16xf32, #tpu.memory_space<vmem>> -> memref<128x16xf32, #tpu.memory_space<vmem>>
      %dma_wait3A_120 = arith.constant 0 : i32
      %dma_wait3A_121 = tpu.memref_slice %arg8[%dma_wait3A_116, %dma_wait3A_120] : memref<4x128xi32, #tpu.memory_space<vmem>> -> memref<1x128xi32, #tpu.memory_space<vmem>>
      %dma_wait3A_122 = tpu.memref_squeeze %dma_wait3A_121 : memref<1x128xi32, #tpu.memory_space<vmem>> -> memref<128xi32, #tpu.memory_space<vmem>>
      %dma_wait3A_123 = arith.constant 0 : i32
      %dma_wait3A_124 = arith.constant 0 : i32
      %dma_wait3A_125 = tpu.memref_slice %arg7[%dma_wait3A_123, %dma_wait3A_124] : memref<100096x16xf32, #tpu.memory_space<vmem_shared>> -> memref<100096x16xf32, #tpu.memory_space<vmem_shared>>
      tpu.wait_indirect_dma semaphore(%arg12 : memref<!tpu.dma_semaphore, #tpu.memory_space<semaphore_mem>>) src(%dma_wait3A_125 : memref<100096x16xf32, #tpu.memory_space<vmem_shared>>) dst(%dma_wait3A_119 : memref<128x16xf32, #tpu.memory_space<vmem>>)
      %dma_wait3A_126 = arith.constant 3 : i32
      %dma_wait3A_127 = arith.constant 384 : i32
      %dma_wait3A_128 = arith.constant 0 : i32
      %dma_wait3A_129 = tpu.memref_slice %arg10[%dma_wait3A_127, %dma_wait3A_128] : memref<512x16xf32, #tpu.memory_space<vmem>> -> memref<128x16xf32, #tpu.memory_space<vmem>>
      %dma_wait3A_130 = arith.constant 0 : i32
      %dma_wait3A_131 = tpu.memref_slice %arg8[%dma_wait3A_126, %dma_wait3A_130] : memref<4x128xi32, #tpu.memory_space<vmem>> -> memref<1x128xi32, #tpu.memory_space<vmem>>
      %dma_wait3A_132 = tpu.memref_squeeze %dma_wait3A_131 : memref<1x128xi32, #tpu.memory_space<vmem>> -> memref<128xi32, #tpu.memory_space<vmem>>
      %dma_wait3A_133 = arith.constant 0 : i32
      %dma_wait3A_134 = arith.constant 0 : i32
      %dma_wait3A_135 = tpu.memref_slice %arg7[%dma_wait3A_133, %dma_wait3A_134] : memref<100096x16xf32, #tpu.memory_space<vmem_shared>> -> memref<100096x16xf32, #tpu.memory_space<vmem_shared>>
      tpu.wait_indirect_dma semaphore(%arg12 : memref<!tpu.dma_semaphore, #tpu.memory_space<semaphore_mem>>) src(%dma_wait3A_135 : memref<100096x16xf32, #tpu.memory_space<vmem_shared>>) dst(%dma_wait3A_129 : memref<128x16xf32, #tpu.memory_space<vmem>>)
      %dma_wait3A_136 = arith.constant 0 : i32
      %dma_wait3A_137 = arith.constant 0 : i32
      %dma_wait3A_138 = arith.constant 0 : i32
      %dma_wait3A_139 = tpu.memref_slice %arg11[%dma_wait3A_137, %dma_wait3A_138] : memref<512x16xf32, #tpu.memory_space<vmem>> -> memref<128x16xf32, #tpu.memory_space<vmem>>
      %dma_wait3A_140 = arith.constant 0 : i32
      %dma_wait3A_141 = tpu.memref_slice %arg9[%dma_wait3A_136, %dma_wait3A_140] : memref<4x128xi32, #tpu.memory_space<vmem>> -> memref<1x128xi32, #tpu.memory_space<vmem>>
      %dma_wait3A_142 = tpu.memref_squeeze %dma_wait3A_141 : memref<1x128xi32, #tpu.memory_space<vmem>> -> memref<128xi32, #tpu.memory_space<vmem>>
      %dma_wait3A_143 = arith.constant 0 : i32
      %dma_wait3A_144 = arith.constant 0 : i32
      %dma_wait3A_145 = tpu.memref_slice %arg7[%dma_wait3A_143, %dma_wait3A_144] : memref<100096x16xf32, #tpu.memory_space<vmem_shared>> -> memref<100096x16xf32, #tpu.memory_space<vmem_shared>>
      tpu.wait_indirect_dma semaphore(%arg13 : memref<!tpu.dma_semaphore, #tpu.memory_space<semaphore_mem>>) src(%dma_wait3A_145 : memref<100096x16xf32, #tpu.memory_space<vmem_shared>>) dst(%dma_wait3A_139 : memref<128x16xf32, #tpu.memory_space<vmem>>)
      %dma_wait3A_146 = arith.constant 1 : i32
      %dma_wait3A_147 = arith.constant 128 : i32
      %dma_wait3A_148 = arith.constant 0 : i32
      %dma_wait3A_149 = tpu.memref_slice %arg11[%dma_wait3A_147, %dma_wait3A_148] : memref<512x16xf32, #tpu.memory_space<vmem>> -> memref<128x16xf32, #tpu.memory_space<vmem>>
      %dma_wait3A_150 = arith.constant 0 : i32
      %dma_wait3A_151 = tpu.memref_slice %arg9[%dma_wait3A_146, %dma_wait3A_150] : memref<4x128xi32, #tpu.memory_space<vmem>> -> memref<1x128xi32, #tpu.memory_space<vmem>>
      %dma_wait3A_152 = tpu.memref_squeeze %dma_wait3A_151 : memref<1x128xi32, #tpu.memory_space<vmem>> -> memref<128xi32, #tpu.memory_space<vmem>>
      %dma_wait3A_153 = arith.constant 0 : i32
      %dma_wait3A_154 = arith.constant 0 : i32
      %dma_wait3A_155 = tpu.memref_slice %arg7[%dma_wait3A_153, %dma_wait3A_154] : memref<100096x16xf32, #tpu.memory_space<vmem_shared>> -> memref<100096x16xf32, #tpu.memory_space<vmem_shared>>
      tpu.wait_indirect_dma semaphore(%arg13 : memref<!tpu.dma_semaphore, #tpu.memory_space<semaphore_mem>>) src(%dma_wait3A_155 : memref<100096x16xf32, #tpu.memory_space<vmem_shared>>) dst(%dma_wait3A_149 : memref<128x16xf32, #tpu.memory_space<vmem>>)
      %dma_wait3A_156 = arith.constant 2 : i32
      %dma_wait3A_157 = arith.constant 256 : i32
      %dma_wait3A_158 = arith.constant 0 : i32
      %dma_wait3A_159 = tpu.memref_slice %arg11[%dma_wait3A_157, %dma_wait3A_158] : memref<512x16xf32, #tpu.memory_space<vmem>> -> memref<128x16xf32, #tpu.memory_space<vmem>>
      %dma_wait3A_160 = arith.constant 0 : i32
      %dma_wait3A_161 = tpu.memref_slice %arg9[%dma_wait3A_156, %dma_wait3A_160] : memref<4x128xi32, #tpu.memory_space<vmem>> -> memref<1x128xi32, #tpu.memory_space<vmem>>
      %dma_wait3A_162 = tpu.memref_squeeze %dma_wait3A_161 : memref<1x128xi32, #tpu.memory_space<vmem>> -> memref<128xi32, #tpu.memory_space<vmem>>
      %dma_wait3A_163 = arith.constant 0 : i32
      %dma_wait3A_164 = arith.constant 0 : i32
      %dma_wait3A_165 = tpu.memref_slice %arg7[%dma_wait3A_163, %dma_wait3A_164] : memref<100096x16xf32, #tpu.memory_space<vmem_shared>> -> memref<100096x16xf32, #tpu.memory_space<vmem_shared>>
      tpu.wait_indirect_dma semaphore(%arg13 : memref<!tpu.dma_semaphore, #tpu.memory_space<semaphore_mem>>) src(%dma_wait3A_165 : memref<100096x16xf32, #tpu.memory_space<vmem_shared>>) dst(%dma_wait3A_159 : memref<128x16xf32, #tpu.memory_space<vmem>>)
      %dma_wait3A_166 = arith.constant 3 : i32
      %dma_wait3A_167 = arith.constant 384 : i32
      %dma_wait3A_168 = arith.constant 0 : i32
      %dma_wait3A_169 = tpu.memref_slice %arg11[%dma_wait3A_167, %dma_wait3A_168] : memref<512x16xf32, #tpu.memory_space<vmem>> -> memref<128x16xf32, #tpu.memory_space<vmem>>
      %dma_wait3A_170 = arith.constant 0 : i32
      %dma_wait3A_171 = tpu.memref_slice %arg9[%dma_wait3A_166, %dma_wait3A_170] : memref<4x128xi32, #tpu.memory_space<vmem>> -> memref<1x128xi32, #tpu.memory_space<vmem>>
      %dma_wait3A_172 = tpu.memref_squeeze %dma_wait3A_171 : memref<1x128xi32, #tpu.memory_space<vmem>> -> memref<128xi32, #tpu.memory_space<vmem>>
      %dma_wait3A_173 = arith.constant 0 : i32
      %dma_wait3A_174 = arith.constant 0 : i32
      %dma_wait3A_175 = tpu.memref_slice %arg7[%dma_wait3A_173, %dma_wait3A_174] : memref<100096x16xf32, #tpu.memory_space<vmem_shared>> -> memref<100096x16xf32, #tpu.memory_space<vmem_shared>>
      tpu.wait_indirect_dma semaphore(%arg13 : memref<!tpu.dma_semaphore, #tpu.memory_space<semaphore_mem>>) src(%dma_wait3A_175 : memref<100096x16xf32, #tpu.memory_space<vmem_shared>>) dst(%dma_wait3A_169 : memref<128x16xf32, #tpu.memory_space<vmem>>)
      %mul3A_176 = arith.constant 128 : i32
      %mul3A_177 = arith.muli %add3A_17, %mul3A_176 : i32
      "tpu.region"() ({
        %run_scoped3A = tpu.sem_alloc : memref<!tpu.dma_semaphore, #tpu.memory_space<semaphore_mem>>
        %dma_start3A_181 = arith.constant 0 : i32
        %dma_start3A_182 = tpu.memref_slice %arg5[%mul3A_177, %dma_start3A_181] : memref<3276800x16xf32, #tpu.memory_space<hbm>> -> memref<512x16xf32, #tpu.memory_space<hbm>>
        %dma_start3A_183 = arith.constant 0 : i32
        %dma_start3A_184 = tpu.memref_slice %arg5[%mul3A_177, %dma_start3A_183] : memref<3276800x16xf32, #tpu.memory_space<hbm>> -> memref<512x16xf32, #tpu.memory_space<hbm>>
        tpu.enqueue_dma source(%arg10 : memref<512x16xf32, #tpu.memory_space<vmem>>) target(%dma_start3A_184 : memref<512x16xf32, #tpu.memory_space<hbm>>) target_semaphore(%run_scoped3A : memref<!tpu.dma_semaphore, #tpu.memory_space<semaphore_mem>>)
        %dma_wait3A_185 = arith.constant 0 : i32
        %dma_wait3A_186 = tpu.memref_slice %arg5[%mul3A_177, %dma_wait3A_185] : memref<3276800x16xf32, #tpu.memory_space<hbm>> -> memref<512x16xf32, #tpu.memory_space<hbm>>
        %dma_wait3A_187 = arith.constant 0 : i32
        %dma_wait3A_188 = tpu.memref_slice %arg5[%mul3A_177, %dma_wait3A_187] : memref<3276800x16xf32, #tpu.memory_space<hbm>> -> memref<512x16xf32, #tpu.memory_space<hbm>>
        tpu.wait_dma2 semaphore(%run_scoped3A : memref<!tpu.dma_semaphore, #tpu.memory_space<semaphore_mem>>) src(%arg10 : memref<512x16xf32, #tpu.memory_space<vmem>>) dst(%dma_wait3A_188 : memref<512x16xf32, #tpu.memory_space<hbm>>)
        tpu.yield
      }) : () -> ()
      %mul3A_178 = arith.constant 128 : i32
      %mul3A_179 = arith.muli %add3A_17, %mul3A_178 : i32
      "tpu.region"() ({
        %run_scoped3A = tpu.sem_alloc : memref<!tpu.dma_semaphore, #tpu.memory_space<semaphore_mem>>
        %dma_start3A_181 = arith.constant 0 : i32
        %dma_start3A_182 = tpu.memref_slice %arg6[%mul3A_179, %dma_start3A_181] : memref<3276800x16xf32, #tpu.memory_space<hbm>> -> memref<512x16xf32, #tpu.memory_space<hbm>>
        %dma_start3A_183 = arith.constant 0 : i32
        %dma_start3A_184 = tpu.memref_slice %arg6[%mul3A_179, %dma_start3A_183] : memref<3276800x16xf32, #tpu.memory_space<hbm>> -> memref<512x16xf32, #tpu.memory_space<hbm>>
        tpu.enqueue_dma source(%arg11 : memref<512x16xf32, #tpu.memory_space<vmem>>) target(%dma_start3A_184 : memref<512x16xf32, #tpu.memory_space<hbm>>) target_semaphore(%run_scoped3A : memref<!tpu.dma_semaphore, #tpu.memory_space<semaphore_mem>>)
        %dma_wait3A_185 = arith.constant 0 : i32
        %dma_wait3A_186 = tpu.memref_slice %arg6[%mul3A_179, %dma_wait3A_185] : memref<3276800x16xf32, #tpu.memory_space<hbm>> -> memref<512x16xf32, #tpu.memory_space<hbm>>
        %dma_wait3A_187 = arith.constant 0 : i32
        %dma_wait3A_188 = tpu.memref_slice %arg6[%mul3A_179, %dma_wait3A_187] : memref<3276800x16xf32, #tpu.memory_space<hbm>> -> memref<512x16xf32, #tpu.memory_space<hbm>>
        tpu.wait_dma2 semaphore(%run_scoped3A : memref<!tpu.dma_semaphore, #tpu.memory_space<semaphore_mem>>) src(%arg11 : memref<512x16xf32, #tpu.memory_space<vmem>>) dst(%dma_wait3A_188 : memref<512x16xf32, #tpu.memory_space<hbm>>)
        tpu.yield
      }) : () -> ()
      %scan3A_180 = arith.constant 0 : i32
      scf.yield %scan3A_180 : i32
    }
    %scan3A_12 = arith.constant 200 : i32
    return
  }
}

#map = affine_map<(d0, d1) -> (0, 0)>
#map1 = affine_map<(d0, d1) -> (0, 0, 0)>
module attributes {stable_mosaic.version = 14 : i64} {
  func.func @k(%arg0: i32, %arg1: i32, %arg2: memref<3276800x16xf32, #tpu.memory_space<hbm>>, %arg3: memref<25600x128xi32, #tpu.memory_space<hbm>>, %arg4: memref<6256x16xf32, #tpu.memory_space<hbm>>, %arg5: memref<2x100096x16xf32, #tpu.memory_space<hbm>>, %arg6: memref<100096x16xf32, #tpu.memory_space<vmem_shared>>, %arg7: memref<1024x16xf32, #tpu.memory_space<vmem>>, %arg8: memref<8x128xi32, #tpu.memory_space<vmem>>, %arg9: memref<!tpu.dma_semaphore, #tpu.memory_space<semaphore_mem>>) attributes {dimension_semantics = [#tpu.dimension_semantics<core_parallel>, #tpu.dimension_semantics<subcore_parallel>], iteration_bounds = array<i64: 2, 16>, scalar_prefetch = 0 : i64, scratch_operands = 4 : i64, tpu.core_type = #tpu.core_type<sc_vector_subcore>, window_params = [{transform_indices = #map}, {transform_indices = #map}, {transform_indices = #map}, {transform_indices = #map1}]} {
    %mul3A = arith.constant 6256 : i32
    %mul3A_0 = arith.muli %arg1, %mul3A : i32
    "tpu.region"() ({
      %run_scoped3A = tpu.sem_alloc : memref<!tpu.dma_semaphore, #tpu.memory_space<semaphore_mem>>
      %dma_start3A = arith.constant 0 : i32
      %dma_start3A_16 = tpu.memref_slice %arg6[%mul3A_0, %dma_start3A] : memref<100096x16xf32, #tpu.memory_space<vmem_shared>> -> memref<6256x16xf32, #tpu.memory_space<vmem_shared>>
      tpu.enqueue_dma source(%arg4 : memref<6256x16xf32, #tpu.memory_space<hbm>>) target(%dma_start3A_16 : memref<6256x16xf32, #tpu.memory_space<vmem_shared>>) target_semaphore(%run_scoped3A : memref<!tpu.dma_semaphore, #tpu.memory_space<semaphore_mem>>)
      %dma_wait3A = arith.constant 0 : i32
      %dma_wait3A_17 = tpu.memref_slice %arg6[%mul3A_0, %dma_wait3A] : memref<100096x16xf32, #tpu.memory_space<vmem_shared>> -> memref<6256x16xf32, #tpu.memory_space<vmem_shared>>
      tpu.wait_dma2 semaphore(%run_scoped3A : memref<!tpu.dma_semaphore, #tpu.memory_space<semaphore_mem>>) src(%arg4 : memref<6256x16xf32, #tpu.memory_space<hbm>>) dst(%dma_wait3A_17 : memref<6256x16xf32, #tpu.memory_space<vmem_shared>>)
      tpu.yield
    }) : () -> ()
    %barrier3A = arith.constant 0 : index
    tpu.barrier barrier_id(%barrier3A)
    %mul3A_1 = arith.constant 16 : i32
    %mul3A_2 = arith.muli %arg0, %mul3A_1 : i32
    %add3A = arith.addi %mul3A_2, %arg1 : i32
    %mul3A_3 = arith.constant 800 : i32
    %mul3A_4 = arith.muli %add3A, %mul3A_3 : i32
    %scan3A = arith.constant 0 : i32
    %scan3A_5 = arith.constant 0 : i32
    %scan3A_6 = arith.constant 100 : i32
    %scan3A_7 = arith.addi %scan3A_5, %scan3A_6 : i32
    %scan3A_8 = arith.constant 1 : i32
    %scan3A_9 = scf.for %scan3A_16 = %scan3A_5 to %scan3A_7 step %scan3A_8 iter_args(%scan3A_17 = %scan3A) -> (i32)  : i32 {
      %mul3A_18 = arith.constant 8 : i32
      %mul3A_19 = arith.muli %scan3A_16, %mul3A_18 : i32
      %add3A_20 = arith.addi %mul3A_4, %mul3A_19 : i32
      %mul3A_21 = arith.constant 128 : i32
      %mul3A_22 = arith.muli %add3A_20, %mul3A_21 : i32
      "tpu.region"() ({
        %run_scoped3A = tpu.sem_alloc : memref<!tpu.dma_semaphore, #tpu.memory_space<semaphore_mem>>
        %dma_start3A_182 = arith.constant 0 : i32
        %dma_start3A_183 = tpu.memref_slice %arg2[%mul3A_22, %dma_start3A_182] : memref<3276800x16xf32, #tpu.memory_space<hbm>> -> memref<1024x16xf32, #tpu.memory_space<hbm>>
        %dma_start3A_184 = arith.constant 0 : i32
        %dma_start3A_185 = tpu.memref_slice %arg2[%mul3A_22, %dma_start3A_184] : memref<3276800x16xf32, #tpu.memory_space<hbm>> -> memref<1024x16xf32, #tpu.memory_space<hbm>>
        tpu.enqueue_dma source(%dma_start3A_185 : memref<1024x16xf32, #tpu.memory_space<hbm>>) target(%arg7 : memref<1024x16xf32, #tpu.memory_space<vmem>>) target_semaphore(%run_scoped3A : memref<!tpu.dma_semaphore, #tpu.memory_space<semaphore_mem>>)
        %dma_wait3A_186 = arith.constant 0 : i32
        %dma_wait3A_187 = tpu.memref_slice %arg2[%mul3A_22, %dma_wait3A_186] : memref<3276800x16xf32, #tpu.memory_space<hbm>> -> memref<1024x16xf32, #tpu.memory_space<hbm>>
        %dma_wait3A_188 = arith.constant 0 : i32
        %dma_wait3A_189 = tpu.memref_slice %arg2[%mul3A_22, %dma_wait3A_188] : memref<3276800x16xf32, #tpu.memory_space<hbm>> -> memref<1024x16xf32, #tpu.memory_space<hbm>>
        tpu.wait_dma2 semaphore(%run_scoped3A : memref<!tpu.dma_semaphore, #tpu.memory_space<semaphore_mem>>) src(%dma_wait3A_189 : memref<1024x16xf32, #tpu.memory_space<hbm>>) dst(%arg7 : memref<1024x16xf32, #tpu.memory_space<vmem>>)
        tpu.yield
      }) : () -> ()
      "tpu.region"() ({
        %run_scoped3A = tpu.sem_alloc : memref<!tpu.dma_semaphore, #tpu.memory_space<semaphore_mem>>
        %dma_start3A_182 = arith.constant 0 : i32
        %dma_start3A_183 = tpu.memref_slice %arg3[%add3A_20, %dma_start3A_182] : memref<25600x128xi32, #tpu.memory_space<hbm>> -> memref<8x128xi32, #tpu.memory_space<hbm>>
        %dma_start3A_184 = arith.constant 0 : i32
        %dma_start3A_185 = tpu.memref_slice %arg3[%add3A_20, %dma_start3A_184] : memref<25600x128xi32, #tpu.memory_space<hbm>> -> memref<8x128xi32, #tpu.memory_space<hbm>>
        tpu.enqueue_dma source(%dma_start3A_185 : memref<8x128xi32, #tpu.memory_space<hbm>>) target(%arg8 : memref<8x128xi32, #tpu.memory_space<vmem>>) target_semaphore(%run_scoped3A : memref<!tpu.dma_semaphore, #tpu.memory_space<semaphore_mem>>)
        %dma_wait3A_186 = arith.constant 0 : i32
        %dma_wait3A_187 = tpu.memref_slice %arg3[%add3A_20, %dma_wait3A_186] : memref<25600x128xi32, #tpu.memory_space<hbm>> -> memref<8x128xi32, #tpu.memory_space<hbm>>
        %dma_wait3A_188 = arith.constant 0 : i32
        %dma_wait3A_189 = tpu.memref_slice %arg3[%add3A_20, %dma_wait3A_188] : memref<25600x128xi32, #tpu.memory_space<hbm>> -> memref<8x128xi32, #tpu.memory_space<hbm>>
        tpu.wait_dma2 semaphore(%run_scoped3A : memref<!tpu.dma_semaphore, #tpu.memory_space<semaphore_mem>>) src(%dma_wait3A_189 : memref<8x128xi32, #tpu.memory_space<hbm>>) dst(%arg8 : memref<8x128xi32, #tpu.memory_space<vmem>>)
        tpu.yield
      }) : () -> ()
      %dma_start3A = arith.constant 0 : i32
      %dma_start3A_23 = arith.constant 0 : i32
      %dma_start3A_24 = arith.constant 0 : i32
      %dma_start3A_25 = tpu.memref_slice %arg7[%dma_start3A_23, %dma_start3A_24] : memref<1024x16xf32, #tpu.memory_space<vmem>> -> memref<128x16xf32, #tpu.memory_space<vmem>>
      %dma_start3A_26 = arith.constant 0 : i32
      %dma_start3A_27 = tpu.memref_slice %arg8[%dma_start3A, %dma_start3A_26] : memref<8x128xi32, #tpu.memory_space<vmem>> -> memref<1x128xi32, #tpu.memory_space<vmem>>
      %dma_start3A_28 = tpu.memref_squeeze %dma_start3A_27 : memref<1x128xi32, #tpu.memory_space<vmem>> -> memref<128xi32, #tpu.memory_space<vmem>>
      %dma_start3A_29 = arith.constant 0 : i32
      %dma_start3A_30 = arith.constant 0 : i32
      %dma_start3A_31 = tpu.memref_slice %arg6[%dma_start3A_29, %dma_start3A_30] : memref<100096x16xf32, #tpu.memory_space<vmem_shared>> -> memref<100096x16xf32, #tpu.memory_space<vmem_shared>>
      tpu.enqueue_indirect_dma source(%dma_start3A_25 : memref<128x16xf32, #tpu.memory_space<vmem>>) target(%dma_start3A_31 : memref<100096x16xf32, #tpu.memory_space<vmem_shared>>) offsets(%dma_start3A_28 : memref<128xi32, #tpu.memory_space<vmem>>) semaphore(%arg9 : memref<!tpu.dma_semaphore, #tpu.memory_space<semaphore_mem>>) {add = true}
      %dma_start3A_32 = arith.constant 1 : i32
      %dma_start3A_33 = arith.constant 128 : i32
      %dma_start3A_34 = arith.constant 0 : i32
      %dma_start3A_35 = tpu.memref_slice %arg7[%dma_start3A_33, %dma_start3A_34] : memref<1024x16xf32, #tpu.memory_space<vmem>> -> memref<128x16xf32, #tpu.memory_space<vmem>>
      %dma_start3A_36 = arith.constant 0 : i32
      %dma_start3A_37 = tpu.memref_slice %arg8[%dma_start3A_32, %dma_start3A_36] : memref<8x128xi32, #tpu.memory_space<vmem>> -> memref<1x128xi32, #tpu.memory_space<vmem>>
      %dma_start3A_38 = tpu.memref_squeeze %dma_start3A_37 : memref<1x128xi32, #tpu.memory_space<vmem>> -> memref<128xi32, #tpu.memory_space<vmem>>
      %dma_start3A_39 = arith.constant 0 : i32
      %dma_start3A_40 = arith.constant 0 : i32
      %dma_start3A_41 = tpu.memref_slice %arg6[%dma_start3A_39, %dma_start3A_40] : memref<100096x16xf32, #tpu.memory_space<vmem_shared>> -> memref<100096x16xf32, #tpu.memory_space<vmem_shared>>
      tpu.enqueue_indirect_dma source(%dma_start3A_35 : memref<128x16xf32, #tpu.memory_space<vmem>>) target(%dma_start3A_41 : memref<100096x16xf32, #tpu.memory_space<vmem_shared>>) offsets(%dma_start3A_38 : memref<128xi32, #tpu.memory_space<vmem>>) semaphore(%arg9 : memref<!tpu.dma_semaphore, #tpu.memory_space<semaphore_mem>>) {add = true}
      %dma_start3A_42 = arith.constant 2 : i32
      %dma_start3A_43 = arith.constant 256 : i32
      %dma_start3A_44 = arith.constant 0 : i32
      %dma_start3A_45 = tpu.memref_slice %arg7[%dma_start3A_43, %dma_start3A_44] : memref<1024x16xf32, #tpu.memory_space<vmem>> -> memref<128x16xf32, #tpu.memory_space<vmem>>
      %dma_start3A_46 = arith.constant 0 : i32
      %dma_start3A_47 = tpu.memref_slice %arg8[%dma_start3A_42, %dma_start3A_46] : memref<8x128xi32, #tpu.memory_space<vmem>> -> memref<1x128xi32, #tpu.memory_space<vmem>>
      %dma_start3A_48 = tpu.memref_squeeze %dma_start3A_47 : memref<1x128xi32, #tpu.memory_space<vmem>> -> memref<128xi32, #tpu.memory_space<vmem>>
      %dma_start3A_49 = arith.constant 0 : i32
      %dma_start3A_50 = arith.constant 0 : i32
      %dma_start3A_51 = tpu.memref_slice %arg6[%dma_start3A_49, %dma_start3A_50] : memref<100096x16xf32, #tpu.memory_space<vmem_shared>> -> memref<100096x16xf32, #tpu.memory_space<vmem_shared>>
      tpu.enqueue_indirect_dma source(%dma_start3A_45 : memref<128x16xf32, #tpu.memory_space<vmem>>) target(%dma_start3A_51 : memref<100096x16xf32, #tpu.memory_space<vmem_shared>>) offsets(%dma_start3A_48 : memref<128xi32, #tpu.memory_space<vmem>>) semaphore(%arg9 : memref<!tpu.dma_semaphore, #tpu.memory_space<semaphore_mem>>) {add = true}
      %dma_start3A_52 = arith.constant 3 : i32
      %dma_start3A_53 = arith.constant 384 : i32
      %dma_start3A_54 = arith.constant 0 : i32
      %dma_start3A_55 = tpu.memref_slice %arg7[%dma_start3A_53, %dma_start3A_54] : memref<1024x16xf32, #tpu.memory_space<vmem>> -> memref<128x16xf32, #tpu.memory_space<vmem>>
      %dma_start3A_56 = arith.constant 0 : i32
      %dma_start3A_57 = tpu.memref_slice %arg8[%dma_start3A_52, %dma_start3A_56] : memref<8x128xi32, #tpu.memory_space<vmem>> -> memref<1x128xi32, #tpu.memory_space<vmem>>
      %dma_start3A_58 = tpu.memref_squeeze %dma_start3A_57 : memref<1x128xi32, #tpu.memory_space<vmem>> -> memref<128xi32, #tpu.memory_space<vmem>>
      %dma_start3A_59 = arith.constant 0 : i32
      %dma_start3A_60 = arith.constant 0 : i32
      %dma_start3A_61 = tpu.memref_slice %arg6[%dma_start3A_59, %dma_start3A_60] : memref<100096x16xf32, #tpu.memory_space<vmem_shared>> -> memref<100096x16xf32, #tpu.memory_space<vmem_shared>>
      tpu.enqueue_indirect_dma source(%dma_start3A_55 : memref<128x16xf32, #tpu.memory_space<vmem>>) target(%dma_start3A_61 : memref<100096x16xf32, #tpu.memory_space<vmem_shared>>) offsets(%dma_start3A_58 : memref<128xi32, #tpu.memory_space<vmem>>) semaphore(%arg9 : memref<!tpu.dma_semaphore, #tpu.memory_space<semaphore_mem>>) {add = true}
      %dma_start3A_62 = arith.constant 4 : i32
      %dma_start3A_63 = arith.constant 512 : i32
      %dma_start3A_64 = arith.constant 0 : i32
      %dma_start3A_65 = tpu.memref_slice %arg7[%dma_start3A_63, %dma_start3A_64] : memref<1024x16xf32, #tpu.memory_space<vmem>> -> memref<128x16xf32, #tpu.memory_space<vmem>>
      %dma_start3A_66 = arith.constant 0 : i32
      %dma_start3A_67 = tpu.memref_slice %arg8[%dma_start3A_62, %dma_start3A_66] : memref<8x128xi32, #tpu.memory_space<vmem>> -> memref<1x128xi32, #tpu.memory_space<vmem>>
      %dma_start3A_68 = tpu.memref_squeeze %dma_start3A_67 : memref<1x128xi32, #tpu.memory_space<vmem>> -> memref<128xi32, #tpu.memory_space<vmem>>
      %dma_start3A_69 = arith.constant 0 : i32
      %dma_start3A_70 = arith.constant 0 : i32
      %dma_start3A_71 = tpu.memref_slice %arg6[%dma_start3A_69, %dma_start3A_70] : memref<100096x16xf32, #tpu.memory_space<vmem_shared>> -> memref<100096x16xf32, #tpu.memory_space<vmem_shared>>
      tpu.enqueue_indirect_dma source(%dma_start3A_65 : memref<128x16xf32, #tpu.memory_space<vmem>>) target(%dma_start3A_71 : memref<100096x16xf32, #tpu.memory_space<vmem_shared>>) offsets(%dma_start3A_68 : memref<128xi32, #tpu.memory_space<vmem>>) semaphore(%arg9 : memref<!tpu.dma_semaphore, #tpu.memory_space<semaphore_mem>>) {add = true}
      %dma_start3A_72 = arith.constant 5 : i32
      %dma_start3A_73 = arith.constant 640 : i32
      %dma_start3A_74 = arith.constant 0 : i32
      %dma_start3A_75 = tpu.memref_slice %arg7[%dma_start3A_73, %dma_start3A_74] : memref<1024x16xf32, #tpu.memory_space<vmem>> -> memref<128x16xf32, #tpu.memory_space<vmem>>
      %dma_start3A_76 = arith.constant 0 : i32
      %dma_start3A_77 = tpu.memref_slice %arg8[%dma_start3A_72, %dma_start3A_76] : memref<8x128xi32, #tpu.memory_space<vmem>> -> memref<1x128xi32, #tpu.memory_space<vmem>>
      %dma_start3A_78 = tpu.memref_squeeze %dma_start3A_77 : memref<1x128xi32, #tpu.memory_space<vmem>> -> memref<128xi32, #tpu.memory_space<vmem>>
      %dma_start3A_79 = arith.constant 0 : i32
      %dma_start3A_80 = arith.constant 0 : i32
      %dma_start3A_81 = tpu.memref_slice %arg6[%dma_start3A_79, %dma_start3A_80] : memref<100096x16xf32, #tpu.memory_space<vmem_shared>> -> memref<100096x16xf32, #tpu.memory_space<vmem_shared>>
      tpu.enqueue_indirect_dma source(%dma_start3A_75 : memref<128x16xf32, #tpu.memory_space<vmem>>) target(%dma_start3A_81 : memref<100096x16xf32, #tpu.memory_space<vmem_shared>>) offsets(%dma_start3A_78 : memref<128xi32, #tpu.memory_space<vmem>>) semaphore(%arg9 : memref<!tpu.dma_semaphore, #tpu.memory_space<semaphore_mem>>) {add = true}
      %dma_start3A_82 = arith.constant 6 : i32
      %dma_start3A_83 = arith.constant 768 : i32
      %dma_start3A_84 = arith.constant 0 : i32
      %dma_start3A_85 = tpu.memref_slice %arg7[%dma_start3A_83, %dma_start3A_84] : memref<1024x16xf32, #tpu.memory_space<vmem>> -> memref<128x16xf32, #tpu.memory_space<vmem>>
      %dma_start3A_86 = arith.constant 0 : i32
      %dma_start3A_87 = tpu.memref_slice %arg8[%dma_start3A_82, %dma_start3A_86] : memref<8x128xi32, #tpu.memory_space<vmem>> -> memref<1x128xi32, #tpu.memory_space<vmem>>
      %dma_start3A_88 = tpu.memref_squeeze %dma_start3A_87 : memref<1x128xi32, #tpu.memory_space<vmem>> -> memref<128xi32, #tpu.memory_space<vmem>>
      %dma_start3A_89 = arith.constant 0 : i32
      %dma_start3A_90 = arith.constant 0 : i32
      %dma_start3A_91 = tpu.memref_slice %arg6[%dma_start3A_89, %dma_start3A_90] : memref<100096x16xf32, #tpu.memory_space<vmem_shared>> -> memref<100096x16xf32, #tpu.memory_space<vmem_shared>>
      tpu.enqueue_indirect_dma source(%dma_start3A_85 : memref<128x16xf32, #tpu.memory_space<vmem>>) target(%dma_start3A_91 : memref<100096x16xf32, #tpu.memory_space<vmem_shared>>) offsets(%dma_start3A_88 : memref<128xi32, #tpu.memory_space<vmem>>) semaphore(%arg9 : memref<!tpu.dma_semaphore, #tpu.memory_space<semaphore_mem>>) {add = true}
      %dma_start3A_92 = arith.constant 7 : i32
      %dma_start3A_93 = arith.constant 896 : i32
      %dma_start3A_94 = arith.constant 0 : i32
      %dma_start3A_95 = tpu.memref_slice %arg7[%dma_start3A_93, %dma_start3A_94] : memref<1024x16xf32, #tpu.memory_space<vmem>> -> memref<128x16xf32, #tpu.memory_space<vmem>>
      %dma_start3A_96 = arith.constant 0 : i32
      %dma_start3A_97 = tpu.memref_slice %arg8[%dma_start3A_92, %dma_start3A_96] : memref<8x128xi32, #tpu.memory_space<vmem>> -> memref<1x128xi32, #tpu.memory_space<vmem>>
      %dma_start3A_98 = tpu.memref_squeeze %dma_start3A_97 : memref<1x128xi32, #tpu.memory_space<vmem>> -> memref<128xi32, #tpu.memory_space<vmem>>
      %dma_start3A_99 = arith.constant 0 : i32
      %dma_start3A_100 = arith.constant 0 : i32
      %dma_start3A_101 = tpu.memref_slice %arg6[%dma_start3A_99, %dma_start3A_100] : memref<100096x16xf32, #tpu.memory_space<vmem_shared>> -> memref<100096x16xf32, #tpu.memory_space<vmem_shared>>
      tpu.enqueue_indirect_dma source(%dma_start3A_95 : memref<128x16xf32, #tpu.memory_space<vmem>>) target(%dma_start3A_101 : memref<100096x16xf32, #tpu.memory_space<vmem_shared>>) offsets(%dma_start3A_98 : memref<128xi32, #tpu.memory_space<vmem>>) semaphore(%arg9 : memref<!tpu.dma_semaphore, #tpu.memory_space<semaphore_mem>>) {add = true}
      %dma_wait3A = arith.constant 0 : i32
      %dma_wait3A_102 = arith.constant 0 : i32
      %dma_wait3A_103 = arith.constant 0 : i32
      %dma_wait3A_104 = tpu.memref_slice %arg7[%dma_wait3A_102, %dma_wait3A_103] : memref<1024x16xf32, #tpu.memory_space<vmem>> -> memref<128x16xf32, #tpu.memory_space<vmem>>
      %dma_wait3A_105 = arith.constant 0 : i32
      %dma_wait3A_106 = tpu.memref_slice %arg8[%dma_wait3A, %dma_wait3A_105] : memref<8x128xi32, #tpu.memory_space<vmem>> -> memref<1x128xi32, #tpu.memory_space<vmem>>
      %dma_wait3A_107 = tpu.memref_squeeze %dma_wait3A_106 : memref<1x128xi32, #tpu.memory_space<vmem>> -> memref<128xi32, #tpu.memory_space<vmem>>
      %dma_wait3A_108 = arith.constant 0 : i32
      %dma_wait3A_109 = arith.constant 0 : i32
      %dma_wait3A_110 = tpu.memref_slice %arg6[%dma_wait3A_108, %dma_wait3A_109] : memref<100096x16xf32, #tpu.memory_space<vmem_shared>> -> memref<100096x16xf32, #tpu.memory_space<vmem_shared>>
      tpu.wait_indirect_dma semaphore(%arg9 : memref<!tpu.dma_semaphore, #tpu.memory_space<semaphore_mem>>) src(%dma_wait3A_104 : memref<128x16xf32, #tpu.memory_space<vmem>>) dst(%dma_wait3A_110 : memref<100096x16xf32, #tpu.memory_space<vmem_shared>>)
      %dma_wait3A_111 = arith.constant 1 : i32
      %dma_wait3A_112 = arith.constant 128 : i32
      %dma_wait3A_113 = arith.constant 0 : i32
      %dma_wait3A_114 = tpu.memref_slice %arg7[%dma_wait3A_112, %dma_wait3A_113] : memref<1024x16xf32, #tpu.memory_space<vmem>> -> memref<128x16xf32, #tpu.memory_space<vmem>>
      %dma_wait3A_115 = arith.constant 0 : i32
      %dma_wait3A_116 = tpu.memref_slice %arg8[%dma_wait3A_111, %dma_wait3A_115] : memref<8x128xi32, #tpu.memory_space<vmem>> -> memref<1x128xi32, #tpu.memory_space<vmem>>
      %dma_wait3A_117 = tpu.memref_squeeze %dma_wait3A_116 : memref<1x128xi32, #tpu.memory_space<vmem>> -> memref<128xi32, #tpu.memory_space<vmem>>
      %dma_wait3A_118 = arith.constant 0 : i32
      %dma_wait3A_119 = arith.constant 0 : i32
      %dma_wait3A_120 = tpu.memref_slice %arg6[%dma_wait3A_118, %dma_wait3A_119] : memref<100096x16xf32, #tpu.memory_space<vmem_shared>> -> memref<100096x16xf32, #tpu.memory_space<vmem_shared>>
      tpu.wait_indirect_dma semaphore(%arg9 : memref<!tpu.dma_semaphore, #tpu.memory_space<semaphore_mem>>) src(%dma_wait3A_114 : memref<128x16xf32, #tpu.memory_space<vmem>>) dst(%dma_wait3A_120 : memref<100096x16xf32, #tpu.memory_space<vmem_shared>>)
      %dma_wait3A_121 = arith.constant 2 : i32
      %dma_wait3A_122 = arith.constant 256 : i32
      %dma_wait3A_123 = arith.constant 0 : i32
      %dma_wait3A_124 = tpu.memref_slice %arg7[%dma_wait3A_122, %dma_wait3A_123] : memref<1024x16xf32, #tpu.memory_space<vmem>> -> memref<128x16xf32, #tpu.memory_space<vmem>>
      %dma_wait3A_125 = arith.constant 0 : i32
      %dma_wait3A_126 = tpu.memref_slice %arg8[%dma_wait3A_121, %dma_wait3A_125] : memref<8x128xi32, #tpu.memory_space<vmem>> -> memref<1x128xi32, #tpu.memory_space<vmem>>
      %dma_wait3A_127 = tpu.memref_squeeze %dma_wait3A_126 : memref<1x128xi32, #tpu.memory_space<vmem>> -> memref<128xi32, #tpu.memory_space<vmem>>
      %dma_wait3A_128 = arith.constant 0 : i32
      %dma_wait3A_129 = arith.constant 0 : i32
      %dma_wait3A_130 = tpu.memref_slice %arg6[%dma_wait3A_128, %dma_wait3A_129] : memref<100096x16xf32, #tpu.memory_space<vmem_shared>> -> memref<100096x16xf32, #tpu.memory_space<vmem_shared>>
      tpu.wait_indirect_dma semaphore(%arg9 : memref<!tpu.dma_semaphore, #tpu.memory_space<semaphore_mem>>) src(%dma_wait3A_124 : memref<128x16xf32, #tpu.memory_space<vmem>>) dst(%dma_wait3A_130 : memref<100096x16xf32, #tpu.memory_space<vmem_shared>>)
      %dma_wait3A_131 = arith.constant 3 : i32
      %dma_wait3A_132 = arith.constant 384 : i32
      %dma_wait3A_133 = arith.constant 0 : i32
      %dma_wait3A_134 = tpu.memref_slice %arg7[%dma_wait3A_132, %dma_wait3A_133] : memref<1024x16xf32, #tpu.memory_space<vmem>> -> memref<128x16xf32, #tpu.memory_space<vmem>>
      %dma_wait3A_135 = arith.constant 0 : i32
      %dma_wait3A_136 = tpu.memref_slice %arg8[%dma_wait3A_131, %dma_wait3A_135] : memref<8x128xi32, #tpu.memory_space<vmem>> -> memref<1x128xi32, #tpu.memory_space<vmem>>
      %dma_wait3A_137 = tpu.memref_squeeze %dma_wait3A_136 : memref<1x128xi32, #tpu.memory_space<vmem>> -> memref<128xi32, #tpu.memory_space<vmem>>
      %dma_wait3A_138 = arith.constant 0 : i32
      %dma_wait3A_139 = arith.constant 0 : i32
      %dma_wait3A_140 = tpu.memref_slice %arg6[%dma_wait3A_138, %dma_wait3A_139] : memref<100096x16xf32, #tpu.memory_space<vmem_shared>> -> memref<100096x16xf32, #tpu.memory_space<vmem_shared>>
      tpu.wait_indirect_dma semaphore(%arg9 : memref<!tpu.dma_semaphore, #tpu.memory_space<semaphore_mem>>) src(%dma_wait3A_134 : memref<128x16xf32, #tpu.memory_space<vmem>>) dst(%dma_wait3A_140 : memref<100096x16xf32, #tpu.memory_space<vmem_shared>>)
      %dma_wait3A_141 = arith.constant 4 : i32
      %dma_wait3A_142 = arith.constant 512 : i32
      %dma_wait3A_143 = arith.constant 0 : i32
      %dma_wait3A_144 = tpu.memref_slice %arg7[%dma_wait3A_142, %dma_wait3A_143] : memref<1024x16xf32, #tpu.memory_space<vmem>> -> memref<128x16xf32, #tpu.memory_space<vmem>>
      %dma_wait3A_145 = arith.constant 0 : i32
      %dma_wait3A_146 = tpu.memref_slice %arg8[%dma_wait3A_141, %dma_wait3A_145] : memref<8x128xi32, #tpu.memory_space<vmem>> -> memref<1x128xi32, #tpu.memory_space<vmem>>
      %dma_wait3A_147 = tpu.memref_squeeze %dma_wait3A_146 : memref<1x128xi32, #tpu.memory_space<vmem>> -> memref<128xi32, #tpu.memory_space<vmem>>
      %dma_wait3A_148 = arith.constant 0 : i32
      %dma_wait3A_149 = arith.constant 0 : i32
      %dma_wait3A_150 = tpu.memref_slice %arg6[%dma_wait3A_148, %dma_wait3A_149] : memref<100096x16xf32, #tpu.memory_space<vmem_shared>> -> memref<100096x16xf32, #tpu.memory_space<vmem_shared>>
      tpu.wait_indirect_dma semaphore(%arg9 : memref<!tpu.dma_semaphore, #tpu.memory_space<semaphore_mem>>) src(%dma_wait3A_144 : memref<128x16xf32, #tpu.memory_space<vmem>>) dst(%dma_wait3A_150 : memref<100096x16xf32, #tpu.memory_space<vmem_shared>>)
      %dma_wait3A_151 = arith.constant 5 : i32
      %dma_wait3A_152 = arith.constant 640 : i32
      %dma_wait3A_153 = arith.constant 0 : i32
      %dma_wait3A_154 = tpu.memref_slice %arg7[%dma_wait3A_152, %dma_wait3A_153] : memref<1024x16xf32, #tpu.memory_space<vmem>> -> memref<128x16xf32, #tpu.memory_space<vmem>>
      %dma_wait3A_155 = arith.constant 0 : i32
      %dma_wait3A_156 = tpu.memref_slice %arg8[%dma_wait3A_151, %dma_wait3A_155] : memref<8x128xi32, #tpu.memory_space<vmem>> -> memref<1x128xi32, #tpu.memory_space<vmem>>
      %dma_wait3A_157 = tpu.memref_squeeze %dma_wait3A_156 : memref<1x128xi32, #tpu.memory_space<vmem>> -> memref<128xi32, #tpu.memory_space<vmem>>
      %dma_wait3A_158 = arith.constant 0 : i32
      %dma_wait3A_159 = arith.constant 0 : i32
      %dma_wait3A_160 = tpu.memref_slice %arg6[%dma_wait3A_158, %dma_wait3A_159] : memref<100096x16xf32, #tpu.memory_space<vmem_shared>> -> memref<100096x16xf32, #tpu.memory_space<vmem_shared>>
      tpu.wait_indirect_dma semaphore(%arg9 : memref<!tpu.dma_semaphore, #tpu.memory_space<semaphore_mem>>) src(%dma_wait3A_154 : memref<128x16xf32, #tpu.memory_space<vmem>>) dst(%dma_wait3A_160 : memref<100096x16xf32, #tpu.memory_space<vmem_shared>>)
      %dma_wait3A_161 = arith.constant 6 : i32
      %dma_wait3A_162 = arith.constant 768 : i32
      %dma_wait3A_163 = arith.constant 0 : i32
      %dma_wait3A_164 = tpu.memref_slice %arg7[%dma_wait3A_162, %dma_wait3A_163] : memref<1024x16xf32, #tpu.memory_space<vmem>> -> memref<128x16xf32, #tpu.memory_space<vmem>>
      %dma_wait3A_165 = arith.constant 0 : i32
      %dma_wait3A_166 = tpu.memref_slice %arg8[%dma_wait3A_161, %dma_wait3A_165] : memref<8x128xi32, #tpu.memory_space<vmem>> -> memref<1x128xi32, #tpu.memory_space<vmem>>
      %dma_wait3A_167 = tpu.memref_squeeze %dma_wait3A_166 : memref<1x128xi32, #tpu.memory_space<vmem>> -> memref<128xi32, #tpu.memory_space<vmem>>
      %dma_wait3A_168 = arith.constant 0 : i32
      %dma_wait3A_169 = arith.constant 0 : i32
      %dma_wait3A_170 = tpu.memref_slice %arg6[%dma_wait3A_168, %dma_wait3A_169] : memref<100096x16xf32, #tpu.memory_space<vmem_shared>> -> memref<100096x16xf32, #tpu.memory_space<vmem_shared>>
      tpu.wait_indirect_dma semaphore(%arg9 : memref<!tpu.dma_semaphore, #tpu.memory_space<semaphore_mem>>) src(%dma_wait3A_164 : memref<128x16xf32, #tpu.memory_space<vmem>>) dst(%dma_wait3A_170 : memref<100096x16xf32, #tpu.memory_space<vmem_shared>>)
      %dma_wait3A_171 = arith.constant 7 : i32
      %dma_wait3A_172 = arith.constant 896 : i32
      %dma_wait3A_173 = arith.constant 0 : i32
      %dma_wait3A_174 = tpu.memref_slice %arg7[%dma_wait3A_172, %dma_wait3A_173] : memref<1024x16xf32, #tpu.memory_space<vmem>> -> memref<128x16xf32, #tpu.memory_space<vmem>>
      %dma_wait3A_175 = arith.constant 0 : i32
      %dma_wait3A_176 = tpu.memref_slice %arg8[%dma_wait3A_171, %dma_wait3A_175] : memref<8x128xi32, #tpu.memory_space<vmem>> -> memref<1x128xi32, #tpu.memory_space<vmem>>
      %dma_wait3A_177 = tpu.memref_squeeze %dma_wait3A_176 : memref<1x128xi32, #tpu.memory_space<vmem>> -> memref<128xi32, #tpu.memory_space<vmem>>
      %dma_wait3A_178 = arith.constant 0 : i32
      %dma_wait3A_179 = arith.constant 0 : i32
      %dma_wait3A_180 = tpu.memref_slice %arg6[%dma_wait3A_178, %dma_wait3A_179] : memref<100096x16xf32, #tpu.memory_space<vmem_shared>> -> memref<100096x16xf32, #tpu.memory_space<vmem_shared>>
      tpu.wait_indirect_dma semaphore(%arg9 : memref<!tpu.dma_semaphore, #tpu.memory_space<semaphore_mem>>) src(%dma_wait3A_174 : memref<128x16xf32, #tpu.memory_space<vmem>>) dst(%dma_wait3A_180 : memref<100096x16xf32, #tpu.memory_space<vmem_shared>>)
      %scan3A_181 = arith.constant 0 : i32
      scf.yield %scan3A_181 : i32
    }
    %scan3A_10 = arith.constant 100 : i32
    %barrier3A_11 = arith.constant 0 : index
    tpu.barrier barrier_id(%barrier3A_11)
    %mul3A_12 = arith.constant 6256 : i32
    %mul3A_13 = arith.muli %arg1, %mul3A_12 : i32
    %mul3A_14 = arith.constant 6256 : i32
    %mul3A_15 = arith.muli %arg1, %mul3A_14 : i32
    "tpu.region"() ({
      %run_scoped3A = tpu.sem_alloc : memref<!tpu.dma_semaphore, #tpu.memory_space<semaphore_mem>>
      %dma_start3A = arith.constant 0 : i32
      %dma_start3A_16 = arith.constant 0 : i32
      %dma_start3A_17 = tpu.memref_slice %arg5[%arg0, %dma_start3A, %dma_start3A_16] : memref<2x100096x16xf32, #tpu.memory_space<hbm>> -> memref<1x100096x16xf32, #tpu.memory_space<hbm>>
      %dma_start3A_18 = tpu.memref_squeeze %dma_start3A_17 : memref<1x100096x16xf32, #tpu.memory_space<hbm>> -> memref<100096x16xf32, #tpu.memory_space<hbm>>
      %dma_start3A_19 = arith.constant 0 : i32
      %dma_start3A_20 = tpu.memref_slice %dma_start3A_18[%mul3A_15, %dma_start3A_19] : memref<100096x16xf32, #tpu.memory_space<hbm>> -> memref<6256x16xf32, #tpu.memory_space<hbm>>
      %dma_start3A_21 = arith.constant 0 : i32
      %dma_start3A_22 = tpu.memref_slice %arg6[%mul3A_13, %dma_start3A_21] : memref<100096x16xf32, #tpu.memory_space<vmem_shared>> -> memref<6256x16xf32, #tpu.memory_space<vmem_shared>>
      tpu.enqueue_dma source(%dma_start3A_22 : memref<6256x16xf32, #tpu.memory_space<vmem_shared>>) target(%dma_start3A_20 : memref<6256x16xf32, #tpu.memory_space<hbm>>) target_semaphore(%run_scoped3A : memref<!tpu.dma_semaphore, #tpu.memory_space<semaphore_mem>>)
      %dma_wait3A = arith.constant 0 : i32
      %dma_wait3A_23 = arith.constant 0 : i32
      %dma_wait3A_24 = tpu.memref_slice %arg5[%arg0, %dma_wait3A, %dma_wait3A_23] : memref<2x100096x16xf32, #tpu.memory_space<hbm>> -> memref<1x100096x16xf32, #tpu.memory_space<hbm>>
      %dma_wait3A_25 = tpu.memref_squeeze %dma_wait3A_24 : memref<1x100096x16xf32, #tpu.memory_space<hbm>> -> memref<100096x16xf32, #tpu.memory_space<hbm>>
      %dma_wait3A_26 = arith.constant 0 : i32
      %dma_wait3A_27 = tpu.memref_slice %dma_wait3A_25[%mul3A_15, %dma_wait3A_26] : memref<100096x16xf32, #tpu.memory_space<hbm>> -> memref<6256x16xf32, #tpu.memory_space<hbm>>
      %dma_wait3A_28 = arith.constant 0 : i32
      %dma_wait3A_29 = tpu.memref_slice %arg6[%mul3A_13, %dma_wait3A_28] : memref<100096x16xf32, #tpu.memory_space<vmem_shared>> -> memref<6256x16xf32, #tpu.memory_space<vmem_shared>>
      tpu.wait_dma2 semaphore(%run_scoped3A : memref<!tpu.dma_semaphore, #tpu.memory_space<semaphore_mem>>) src(%dma_wait3A_29 : memref<6256x16xf32, #tpu.memory_space<vmem_shared>>) dst(%dma_wait3A_27 : memref<6256x16xf32, #tpu.memory_space<hbm>>)
      tpu.yield
    }) : () -> ()
    return
  }
}

module attributes {stable_mosaic.version = 14 : i64} {
  func.func @body(%arg0: i32, %arg1: memref<736x128xf32, #tpu.memory_space<vmem>>, %arg2: memref<128x256xf32, #tpu.memory_space<vmem>>, %arg3: memref<1x256xf32, #tpu.memory_space<vmem>>, %arg4: memref<256x256xf32, #tpu.memory_space<vmem>>, %arg5: memref<1x256xf32, #tpu.memory_space<vmem>>, %arg6: memref<256x128xf32, #tpu.memory_space<vmem>>, %arg7: memref<1x128xf32, #tpu.memory_space<vmem>>, %arg8: memref<1x128xf32, #tpu.memory_space<vmem>>, %arg9: memref<1x128xf32, #tpu.memory_space<vmem>>, %arg10: memref<128x128xf32, #tpu.memory_space<vmem>>, %arg11: memref<736x128xf32, #tpu.memory_space<vmem>>) attributes {dimension_semantics = [#tpu.dimension_semantics<arbitrary>], iteration_bounds = array<i64: 17>, scalar_prefetch = 0 : i64, scratch_operands = 0 : i64, tpu.core_type = #tpu.core_type<tc>, window_params = [{transform_indices = @transform_0, window_bounds = array<i64: 736, 128>}, {pipeline_mode = #tpu.pipeline_mode<synchronous>, transform_indices = @transform_1, window_bounds = array<i64: 128, 256>}, {pipeline_mode = #tpu.pipeline_mode<synchronous>, transform_indices = @transform_2, window_bounds = array<i64: 1, 256>}, {pipeline_mode = #tpu.pipeline_mode<synchronous>, transform_indices = @transform_3, window_bounds = array<i64: 256, 256>}, {pipeline_mode = #tpu.pipeline_mode<synchronous>, transform_indices = @transform_4, window_bounds = array<i64: 1, 256>}, {pipeline_mode = #tpu.pipeline_mode<synchronous>, transform_indices = @transform_5, window_bounds = array<i64: 256, 128>}, {pipeline_mode = #tpu.pipeline_mode<synchronous>, transform_indices = @transform_6, window_bounds = array<i64: 1, 128>}, {pipeline_mode = #tpu.pipeline_mode<synchronous>, transform_indices = @transform_7, window_bounds = array<i64: 1, 128>}, {pipeline_mode = #tpu.pipeline_mode<synchronous>, transform_indices = @transform_8, window_bounds = array<i64: 1, 128>}, {pipeline_mode = #tpu.pipeline_mode<synchronous>, transform_indices = @transform_9, window_bounds = array<i64: 128, 128>}, {transform_indices = @transform_10, window_bounds = array<i64: 736, 128>}]} {
    %get3A = arith.constant 0 : index
    %get3A_0 = arith.constant 0 : index
    %get3A_1 = vector.load %arg1[%get3A, %get3A_0] : memref<736x128xf32, #tpu.memory_space<vmem>>, vector<736x128xf32>
    %get3A_2 = arith.constant 0 : index
    %get3A_3 = arith.constant 0 : index
    %get3A_4 = vector.load %arg2[%get3A_2, %get3A_3] : memref<128x256xf32, #tpu.memory_space<vmem>>, vector<128x256xf32>
    %dot_general3A = arith.constant dense<0.000000e+00> : vector<736x256xf32>
    %dot_general3A_5 = tpu.matmul %get3A_1, %get3A_4, %dot_general3A {dimension_numbers = #tpu.dot_dimension_numbers<[1], [0], [0], [1], [0, 0, 1, 1], [], []>, transpose_lhs_hint = false} : vector<736x128xf32>, vector<128x256xf32>, vector<736x256xf32> -> vector<736x256xf32>
    %get3A_6 = arith.constant 0 : index
    %get3A_7 = arith.constant 0 : index
    %get3A_8 = vector.load %arg3[%get3A_6, %get3A_7] : memref<1x256xf32, #tpu.memory_space<vmem>>, vector<1x256xf32>
    %add3A = vector.broadcast %get3A_8 : vector<1x256xf32> to vector<736x256xf32>
    %add3A_9 = arith.addf %dot_general3A_5, %add3A : vector<736x256xf32>
    %gt3A = arith.constant 0.000000e+00 : f32
    %gt3A_10 = vector.broadcast %gt3A : f32 to vector<736x256xf32>
    %gt3A_11 = arith.cmpf ogt, %add3A_9, %gt3A_10 : vector<736x256xf32>
    %mul3A = arith.constant 0.00999999977 : f32
    %mul3A_12 = vector.broadcast %mul3A : f32 to vector<736x256xf32>
    %mul3A_13 = arith.mulf %mul3A_12, %add3A_9 : vector<736x256xf32>
    %select_n3A = arith.select %gt3A_11, %add3A_9, %mul3A_13 : vector<736x256xi1>, vector<736x256xf32>
    %get3A_14 = arith.constant 0 : index
    %get3A_15 = arith.constant 0 : index
    %get3A_16 = vector.load %arg4[%get3A_14, %get3A_15] : memref<256x256xf32, #tpu.memory_space<vmem>>, vector<256x256xf32>
    %dot_general3A_17 = arith.constant dense<0.000000e+00> : vector<736x256xf32>
    %dot_general3A_18 = tpu.matmul %select_n3A, %get3A_16, %dot_general3A_17 {dimension_numbers = #tpu.dot_dimension_numbers<[1], [0], [0], [1], [0, 0, 1, 1], [], []>, transpose_lhs_hint = false} : vector<736x256xf32>, vector<256x256xf32>, vector<736x256xf32> -> vector<736x256xf32>
    %get3A_19 = arith.constant 0 : index
    %get3A_20 = arith.constant 0 : index
    %get3A_21 = vector.load %arg5[%get3A_19, %get3A_20] : memref<1x256xf32, #tpu.memory_space<vmem>>, vector<1x256xf32>
    %add3A_22 = vector.broadcast %get3A_21 : vector<1x256xf32> to vector<736x256xf32>
    %add3A_23 = arith.addf %dot_general3A_18, %add3A_22 : vector<736x256xf32>
    %gt3A_24 = arith.constant 0.000000e+00 : f32
    %gt3A_25 = vector.broadcast %gt3A_24 : f32 to vector<736x256xf32>
    %gt3A_26 = arith.cmpf ogt, %add3A_23, %gt3A_25 : vector<736x256xf32>
    %mul3A_27 = arith.constant 0.00999999977 : f32
    %mul3A_28 = vector.broadcast %mul3A_27 : f32 to vector<736x256xf32>
    %mul3A_29 = arith.mulf %mul3A_28, %add3A_23 : vector<736x256xf32>
    %select_n3A_30 = arith.select %gt3A_26, %add3A_23, %mul3A_29 : vector<736x256xi1>, vector<736x256xf32>
    %get3A_31 = arith.constant 0 : index
    %get3A_32 = arith.constant 0 : index
    %get3A_33 = vector.load %arg6[%get3A_31, %get3A_32] : memref<256x128xf32, #tpu.memory_space<vmem>>, vector<256x128xf32>
    %dot_general3A_34 = arith.constant dense<0.000000e+00> : vector<736x128xf32>
    %dot_general3A_35 = tpu.matmul %select_n3A_30, %get3A_33, %dot_general3A_34 {dimension_numbers = #tpu.dot_dimension_numbers<[1], [0], [0], [1], [0, 0, 1, 1], [], []>, transpose_lhs_hint = false} : vector<736x256xf32>, vector<256x128xf32>, vector<736x128xf32> -> vector<736x128xf32>
    %get3A_36 = arith.constant 0 : index
    %get3A_37 = arith.constant 0 : index
    %get3A_38 = vector.load %arg7[%get3A_36, %get3A_37] : memref<1x128xf32, #tpu.memory_space<vmem>>, vector<1x128xf32>
    %add3A_39 = vector.broadcast %get3A_38 : vector<1x128xf32> to vector<736x128xf32>
    %add3A_40 = arith.addf %dot_general3A_35, %add3A_39 : vector<736x128xf32>
    %get3A_41 = arith.constant 0 : index
    %get3A_42 = arith.constant 0 : index
    %get3A_43 = vector.load %arg10[%get3A_41, %get3A_42] : memref<128x128xf32, #tpu.memory_space<vmem>>, vector<128x128xf32>
    %convert_element_type3A = arith.truncf %add3A_40 : vector<736x128xf32> to vector<736x128xbf16>
    %convert_element_type3A_44 = arith.extf %convert_element_type3A : vector<736x128xbf16> to vector<736x128xf32>
    %sub3A = arith.subf %add3A_40, %convert_element_type3A_44 : vector<736x128xf32>
    %dot_general3A_45 = arith.constant dense<0.000000e+00> : vector<736x128xf32>
    %dot_general3A_46 = tpu.matmul %convert_element_type3A_44, %get3A_43, %dot_general3A_45 {dimension_numbers = #tpu.dot_dimension_numbers<[1], [0], [0], [1], [0, 0, 1, 1], [], []>, transpose_lhs_hint = false} : vector<736x128xf32>, vector<128x128xf32>, vector<736x128xf32> -> vector<736x128xf32>
    %dot_general3A_47 = arith.constant dense<0.000000e+00> : vector<736x128xf32>
    %dot_general3A_48 = tpu.matmul %sub3A, %get3A_43, %dot_general3A_47 {dimension_numbers = #tpu.dot_dimension_numbers<[1], [0], [0], [1], [0, 0, 1, 1], [], []>, transpose_lhs_hint = false} : vector<736x128xf32>, vector<128x128xf32>, vector<736x128xf32> -> vector<736x128xf32>
    %add3A_49 = arith.addf %dot_general3A_46, %dot_general3A_48 : vector<736x128xf32>
    %sub3A_50 = arith.subf %add3A_40, %add3A_49 : vector<736x128xf32>
    %sub3A_51 = arith.subf %add3A_40, %add3A_49 : vector<736x128xf32>
    %mul3A_52 = arith.mulf %sub3A_50, %sub3A_51 : vector<736x128xf32>
    %get3A_53 = arith.constant 0 : index
    %get3A_54 = arith.constant 0 : index
    %get3A_55 = vector.load %arg10[%get3A_53, %get3A_54] : memref<128x128xf32, #tpu.memory_space<vmem>>, vector<128x128xf32>
    %convert_element_type3A_56 = arith.truncf %mul3A_52 : vector<736x128xf32> to vector<736x128xbf16>
    %convert_element_type3A_57 = arith.extf %convert_element_type3A_56 : vector<736x128xbf16> to vector<736x128xf32>
    %sub3A_58 = arith.subf %mul3A_52, %convert_element_type3A_57 : vector<736x128xf32>
    %dot_general3A_59 = arith.constant dense<0.000000e+00> : vector<736x128xf32>
    %dot_general3A_60 = tpu.matmul %convert_element_type3A_57, %get3A_55, %dot_general3A_59 {dimension_numbers = #tpu.dot_dimension_numbers<[1], [0], [0], [1], [0, 0, 1, 1], [], []>, transpose_lhs_hint = false} : vector<736x128xf32>, vector<128x128xf32>, vector<736x128xf32> -> vector<736x128xf32>
    %dot_general3A_61 = arith.constant dense<0.000000e+00> : vector<736x128xf32>
    %dot_general3A_62 = tpu.matmul %sub3A_58, %get3A_55, %dot_general3A_61 {dimension_numbers = #tpu.dot_dimension_numbers<[1], [0], [0], [1], [0, 0, 1, 1], [], []>, transpose_lhs_hint = false} : vector<736x128xf32>, vector<128x128xf32>, vector<736x128xf32> -> vector<736x128xf32>
    %add3A_63 = arith.addf %dot_general3A_60, %dot_general3A_62 : vector<736x128xf32>
    %sub3A_64 = arith.subf %add3A_40, %add3A_49 : vector<736x128xf32>
    %add3A_65 = arith.constant 9.99999974E-6 : f32
    %add3A_66 = vector.broadcast %add3A_65 : f32 to vector<736x128xf32>
    %add3A_67 = arith.addf %add3A_63, %add3A_66 : vector<736x128xf32>
    %rsqrt3A = math.rsqrt %add3A_67 : vector<736x128xf32>
    %mul3A_68 = arith.mulf %sub3A_64, %rsqrt3A : vector<736x128xf32>
    %get3A_69 = arith.constant 0 : index
    %get3A_70 = arith.constant 0 : index
    %get3A_71 = vector.load %arg8[%get3A_69, %get3A_70] : memref<1x128xf32, #tpu.memory_space<vmem>>, vector<1x128xf32>
    %mul3A_72 = vector.broadcast %get3A_71 : vector<1x128xf32> to vector<736x128xf32>
    %mul3A_73 = arith.mulf %mul3A_68, %mul3A_72 : vector<736x128xf32>
    %get3A_74 = arith.constant 0 : index
    %get3A_75 = arith.constant 0 : index
    %get3A_76 = vector.load %arg9[%get3A_74, %get3A_75] : memref<1x128xf32, #tpu.memory_space<vmem>>, vector<1x128xf32>
    %add3A_77 = vector.broadcast %get3A_76 : vector<1x128xf32> to vector<736x128xf32>
    %add3A_78 = arith.addf %mul3A_73, %add3A_77 : vector<736x128xf32>
    %swap3A = arith.constant 0 : index
    %swap3A_79 = arith.constant 0 : index
    %swap3A_80 = vector.load %arg11[%swap3A, %swap3A_79] : memref<736x128xf32, #tpu.memory_space<vmem>>, vector<736x128xf32>
    tpu.vector_store %arg11[%swap3A, %swap3A_79], %add3A_78 {strides = array<i32>} : memref<736x128xf32, #tpu.memory_space<vmem>>, vector<736x128xf32>,
    return
  }
  func.func @transform_0(%arg0: i32) -> (i32, i32) {
    %c0_i32 = arith.constant 0 : i32
    %c0_i32_0 = arith.constant 0 : i32
    return %arg0, %c0_i32 : i32, i32
  }
  func.func @transform_1(%arg0: i32) -> (i32, i32) {
    %c0_i32 = arith.constant 0 : i32
    %c0_i32_0 = arith.constant 0 : i32
    %c0_i32_1 = arith.constant 0 : i32
    return %c0_i32, %c0_i32_0 : i32, i32
  }
  func.func @transform_2(%arg0: i32) -> (i32, i32) {
    %c0_i32 = arith.constant 0 : i32
    %c0_i32_0 = arith.constant 0 : i32
    %c0_i32_1 = arith.constant 0 : i32
    return %c0_i32, %c0_i32_0 : i32, i32
  }
  func.func @transform_3(%arg0: i32) -> (i32, i32) {
    %c0_i32 = arith.constant 0 : i32
    %c0_i32_0 = arith.constant 0 : i32
    %c0_i32_1 = arith.constant 0 : i32
    return %c0_i32, %c0_i32_0 : i32, i32
  }
  func.func @transform_4(%arg0: i32) -> (i32, i32) {
    %c0_i32 = arith.constant 0 : i32
    %c0_i32_0 = arith.constant 0 : i32
    %c0_i32_1 = arith.constant 0 : i32
    return %c0_i32, %c0_i32_0 : i32, i32
  }
  func.func @transform_5(%arg0: i32) -> (i32, i32) {
    %c0_i32 = arith.constant 0 : i32
    %c0_i32_0 = arith.constant 0 : i32
    %c0_i32_1 = arith.constant 0 : i32
    return %c0_i32, %c0_i32_0 : i32, i32
  }
  func.func @transform_6(%arg0: i32) -> (i32, i32) {
    %c0_i32 = arith.constant 0 : i32
    %c0_i32_0 = arith.constant 0 : i32
    %c0_i32_1 = arith.constant 0 : i32
    return %c0_i32, %c0_i32_0 : i32, i32
  }
  func.func @transform_7(%arg0: i32) -> (i32, i32) {
    %c0_i32 = arith.constant 0 : i32
    %c0_i32_0 = arith.constant 0 : i32
    %c0_i32_1 = arith.constant 0 : i32
    return %c0_i32, %c0_i32_0 : i32, i32
  }
  func.func @transform_8(%arg0: i32) -> (i32, i32) {
    %c0_i32 = arith.constant 0 : i32
    %c0_i32_0 = arith.constant 0 : i32
    %c0_i32_1 = arith.constant 0 : i32
    return %c0_i32, %c0_i32_0 : i32, i32
  }
  func.func @transform_9(%arg0: i32) -> (i32, i32) {
    %c0_i32 = arith.constant 0 : i32
    %c0_i32_0 = arith.constant 0 : i32
    %c0_i32_1 = arith.constant 0 : i32
    return %c0_i32, %c0_i32_0 : i32, i32
  }
  func.func @transform_10(%arg0: i32) -> (i32, i32) {
    %c0_i32 = arith.constant 0 : i32
    %c0_i32_0 = arith.constant 0 : i32
    return %arg0, %c0_i32 : i32, i32
  }
}

module attributes {stable_mosaic.version = 14 : i64} {
  func.func @body(%arg0: i32, %arg1: memref<512x32xf32, #tpu.memory_space<vmem>>, %arg2: memref<512x32xf32, #tpu.memory_space<vmem>>, %arg3: memref<512x32xf32, #tpu.memory_space<vmem>>, %arg4: memref<512x32xf32, #tpu.memory_space<vmem>>, %arg5: memref<32x1024xf32, #tpu.memory_space<vmem>>, %arg6: memref<32x1024xf32, #tpu.memory_space<vmem>>, %arg7: memref<32x1024xf32, #tpu.memory_space<vmem>>, %arg8: memref<32x1024xf32, #tpu.memory_space<vmem>>, %arg9: memref<1x1024xf32, #tpu.memory_space<vmem>>, %arg10: memref<256x256xf32, #tpu.memory_space<vmem>>, %arg11: memref<1x256xf32, #tpu.memory_space<vmem>>, %arg12: memref<256x128xf32, #tpu.memory_space<vmem>>, %arg13: memref<1x128xf32, #tpu.memory_space<vmem>>, %arg14: memref<1x128xf32, #tpu.memory_space<vmem>>, %arg15: memref<1x128xf32, #tpu.memory_space<vmem>>, %arg16: memref<128x128xf32, #tpu.memory_space<vmem>>, %arg17: memref<2048x128xf32, #tpu.memory_space<vmem>>) attributes {dimension_semantics = [#tpu.dimension_semantics<arbitrary>], iteration_bounds = array<i64: 200>, scalar_prefetch = 0 : i64, scratch_operands = 0 : i64, tpu.core_type = #tpu.core_type<tc>, window_params = [{transform_indices = @transform_0, window_bounds = array<i64: 512, 32>}, {transform_indices = @transform_1, window_bounds = array<i64: 512, 32>}, {transform_indices = @transform_2, window_bounds = array<i64: 512, 32>}, {transform_indices = @transform_3, window_bounds = array<i64: 512, 32>}, {pipeline_mode = #tpu.pipeline_mode<synchronous>, transform_indices = @transform_4, window_bounds = array<i64: 32, 1024>}, {pipeline_mode = #tpu.pipeline_mode<synchronous>, transform_indices = @transform_5, window_bounds = array<i64: 32, 1024>}, {pipeline_mode = #tpu.pipeline_mode<synchronous>, transform_indices = @transform_6, window_bounds = array<i64: 32, 1024>}, {pipeline_mode = #tpu.pipeline_mode<synchronous>, transform_indices = @transform_7, window_bounds = array<i64: 32, 1024>}, {pipeline_mode = #tpu.pipeline_mode<synchronous>, transform_indices = @transform_8, window_bounds = array<i64: 1, 1024>}, {pipeline_mode = #tpu.pipeline_mode<synchronous>, transform_indices = @transform_9, window_bounds = array<i64: 256, 256>}, {pipeline_mode = #tpu.pipeline_mode<synchronous>, transform_indices = @transform_10, window_bounds = array<i64: 1, 256>}, {pipeline_mode = #tpu.pipeline_mode<synchronous>, transform_indices = @transform_11, window_bounds = array<i64: 256, 128>}, {pipeline_mode = #tpu.pipeline_mode<synchronous>, transform_indices = @transform_12, window_bounds = array<i64: 1, 128>}, {pipeline_mode = #tpu.pipeline_mode<synchronous>, transform_indices = @transform_13, window_bounds = array<i64: 1, 128>}, {pipeline_mode = #tpu.pipeline_mode<synchronous>, transform_indices = @transform_14, window_bounds = array<i64: 1, 128>}, {pipeline_mode = #tpu.pipeline_mode<synchronous>, transform_indices = @transform_15, window_bounds = array<i64: 128, 128>}, {transform_indices = @transform_16, window_bounds = array<i64: 2048, 128>}]} {
    %get3A = arith.constant 0 : index
    %get3A_0 = arith.constant 0 : index
    %get3A_1 = vector.load %arg1[%get3A, %get3A_0] : memref<512x32xf32, #tpu.memory_space<vmem>>, vector<512x32xf32>
    %get3A_2 = arith.constant 0 : index
    %get3A_3 = arith.constant 0 : index
    %get3A_4 = vector.load %arg2[%get3A_2, %get3A_3] : memref<512x32xf32, #tpu.memory_space<vmem>>, vector<512x32xf32>
    %get3A_5 = arith.constant 0 : index
    %get3A_6 = arith.constant 0 : index
    %get3A_7 = vector.load %arg3[%get3A_5, %get3A_6] : memref<512x32xf32, #tpu.memory_space<vmem>>, vector<512x32xf32>
    %get3A_8 = arith.constant 0 : index
    %get3A_9 = arith.constant 0 : index
    %get3A_10 = vector.load %arg4[%get3A_8, %get3A_9] : memref<512x32xf32, #tpu.memory_space<vmem>>, vector<512x32xf32>
    %get3A_11 = arith.constant 0 : index
    %get3A_12 = arith.constant 0 : index
    %get3A_13 = vector.load %arg5[%get3A_11, %get3A_12] : memref<32x1024xf32, #tpu.memory_space<vmem>>, vector<32x1024xf32>
    %dot_general3A = arith.constant dense<0.000000e+00> : vector<512x1024xf32>
    %dot_general3A_14 = tpu.matmul %get3A_1, %get3A_13, %dot_general3A {dimension_numbers = #tpu.dot_dimension_numbers<[1], [0], [0], [1], [0, 0, 1, 1], [], []>, transpose_lhs_hint = false} : vector<512x32xf32>, vector<32x1024xf32>, vector<512x1024xf32> -> vector<512x1024xf32>
    %get3A_15 = arith.constant 0 : index
    %get3A_16 = arith.constant 0 : index
    %get3A_17 = vector.load %arg6[%get3A_15, %get3A_16] : memref<32x1024xf32, #tpu.memory_space<vmem>>, vector<32x1024xf32>
    %dot_general3A_18 = arith.constant dense<0.000000e+00> : vector<512x1024xf32>
    %dot_general3A_19 = tpu.matmul %get3A_4, %get3A_17, %dot_general3A_18 {dimension_numbers = #tpu.dot_dimension_numbers<[1], [0], [0], [1], [0, 0, 1, 1], [], []>, transpose_lhs_hint = false} : vector<512x32xf32>, vector<32x1024xf32>, vector<512x1024xf32> -> vector<512x1024xf32>
    %add3A = arith.addf %dot_general3A_14, %dot_general3A_19 : vector<512x1024xf32>
    %get3A_20 = arith.constant 0 : index
    %get3A_21 = arith.constant 0 : index
    %get3A_22 = vector.load %arg7[%get3A_20, %get3A_21] : memref<32x1024xf32, #tpu.memory_space<vmem>>, vector<32x1024xf32>
    %dot_general3A_23 = arith.constant dense<0.000000e+00> : vector<512x1024xf32>
    %dot_general3A_24 = tpu.matmul %get3A_7, %get3A_22, %dot_general3A_23 {dimension_numbers = #tpu.dot_dimension_numbers<[1], [0], [0], [1], [0, 0, 1, 1], [], []>, transpose_lhs_hint = false} : vector<512x32xf32>, vector<32x1024xf32>, vector<512x1024xf32> -> vector<512x1024xf32>
    %add3A_25 = arith.addf %add3A, %dot_general3A_24 : vector<512x1024xf32>
    %get3A_26 = arith.constant 0 : index
    %get3A_27 = arith.constant 0 : index
    %get3A_28 = vector.load %arg8[%get3A_26, %get3A_27] : memref<32x1024xf32, #tpu.memory_space<vmem>>, vector<32x1024xf32>
    %dot_general3A_29 = arith.constant dense<0.000000e+00> : vector<512x1024xf32>
    %dot_general3A_30 = tpu.matmul %get3A_10, %get3A_28, %dot_general3A_29 {dimension_numbers = #tpu.dot_dimension_numbers<[1], [0], [0], [1], [0, 0, 1, 1], [], []>, transpose_lhs_hint = false} : vector<512x32xf32>, vector<32x1024xf32>, vector<512x1024xf32> -> vector<512x1024xf32>
    %add3A_31 = arith.addf %add3A_25, %dot_general3A_30 : vector<512x1024xf32>
    %get3A_32 = arith.constant 0 : index
    %get3A_33 = arith.constant 0 : index
    %get3A_34 = vector.load %arg9[%get3A_32, %get3A_33] : memref<1x1024xf32, #tpu.memory_space<vmem>>, vector<1x1024xf32>
    %add3A_35 = vector.broadcast %get3A_34 : vector<1x1024xf32> to vector<512x1024xf32>
    %add3A_36 = arith.addf %add3A_31, %add3A_35 : vector<512x1024xf32>
    %reshape3A = vector.shape_cast %add3A_36 : vector<512x1024xf32> to vector<2048x256xf32>
    %gt3A = arith.constant 0.000000e+00 : f32
    %gt3A_37 = vector.broadcast %gt3A : f32 to vector<2048x256xf32>
    %gt3A_38 = arith.cmpf ogt, %reshape3A, %gt3A_37 : vector<2048x256xf32>
    %mul3A = arith.constant 0.00999999977 : f32
    %mul3A_39 = vector.broadcast %mul3A : f32 to vector<2048x256xf32>
    %mul3A_40 = arith.mulf %mul3A_39, %reshape3A : vector<2048x256xf32>
    %select_n3A = arith.select %gt3A_38, %reshape3A, %mul3A_40 : vector<2048x256xi1>, vector<2048x256xf32>
    %get3A_41 = arith.constant 0 : index
    %get3A_42 = arith.constant 0 : index
    %get3A_43 = vector.load %arg10[%get3A_41, %get3A_42] : memref<256x256xf32, #tpu.memory_space<vmem>>, vector<256x256xf32>
    %dot_general3A_44 = arith.constant dense<0.000000e+00> : vector<2048x256xf32>
    %dot_general3A_45 = tpu.matmul %select_n3A, %get3A_43, %dot_general3A_44 {dimension_numbers = #tpu.dot_dimension_numbers<[1], [0], [0], [1], [0, 0, 1, 1], [], []>, transpose_lhs_hint = false} : vector<2048x256xf32>, vector<256x256xf32>, vector<2048x256xf32> -> vector<2048x256xf32>
    %get3A_46 = arith.constant 0 : index
    %get3A_47 = arith.constant 0 : index
    %get3A_48 = vector.load %arg11[%get3A_46, %get3A_47] : memref<1x256xf32, #tpu.memory_space<vmem>>, vector<1x256xf32>
    %add3A_49 = vector.broadcast %get3A_48 : vector<1x256xf32> to vector<2048x256xf32>
    %add3A_50 = arith.addf %dot_general3A_45, %add3A_49 : vector<2048x256xf32>
    %gt3A_51 = arith.constant 0.000000e+00 : f32
    %gt3A_52 = vector.broadcast %gt3A_51 : f32 to vector<2048x256xf32>
    %gt3A_53 = arith.cmpf ogt, %add3A_50, %gt3A_52 : vector<2048x256xf32>
    %mul3A_54 = arith.constant 0.00999999977 : f32
    %mul3A_55 = vector.broadcast %mul3A_54 : f32 to vector<2048x256xf32>
    %mul3A_56 = arith.mulf %mul3A_55, %add3A_50 : vector<2048x256xf32>
    %select_n3A_57 = arith.select %gt3A_53, %add3A_50, %mul3A_56 : vector<2048x256xi1>, vector<2048x256xf32>
    %get3A_58 = arith.constant 0 : index
    %get3A_59 = arith.constant 0 : index
    %get3A_60 = vector.load %arg12[%get3A_58, %get3A_59] : memref<256x128xf32, #tpu.memory_space<vmem>>, vector<256x128xf32>
    %dot_general3A_61 = arith.constant dense<0.000000e+00> : vector<2048x128xf32>
    %dot_general3A_62 = tpu.matmul %select_n3A_57, %get3A_60, %dot_general3A_61 {dimension_numbers = #tpu.dot_dimension_numbers<[1], [0], [0], [1], [0, 0, 1, 1], [], []>, transpose_lhs_hint = false} : vector<2048x256xf32>, vector<256x128xf32>, vector<2048x128xf32> -> vector<2048x128xf32>
    %get3A_63 = arith.constant 0 : index
    %get3A_64 = arith.constant 0 : index
    %get3A_65 = vector.load %arg13[%get3A_63, %get3A_64] : memref<1x128xf32, #tpu.memory_space<vmem>>, vector<1x128xf32>
    %add3A_66 = vector.broadcast %get3A_65 : vector<1x128xf32> to vector<2048x128xf32>
    %add3A_67 = arith.addf %dot_general3A_62, %add3A_66 : vector<2048x128xf32>
    %get3A_68 = arith.constant 0 : index
    %get3A_69 = arith.constant 0 : index
    %get3A_70 = vector.load %arg16[%get3A_68, %get3A_69] : memref<128x128xf32, #tpu.memory_space<vmem>>, vector<128x128xf32>
    %convert_element_type3A = arith.truncf %add3A_67 : vector<2048x128xf32> to vector<2048x128xbf16>
    %convert_element_type3A_71 = arith.extf %convert_element_type3A : vector<2048x128xbf16> to vector<2048x128xf32>
    %sub3A = arith.subf %add3A_67, %convert_element_type3A_71 : vector<2048x128xf32>
    %dot_general3A_72 = arith.constant dense<0.000000e+00> : vector<2048x128xf32>
    %dot_general3A_73 = tpu.matmul %convert_element_type3A_71, %get3A_70, %dot_general3A_72 {dimension_numbers = #tpu.dot_dimension_numbers<[1], [0], [0], [1], [0, 0, 1, 1], [], []>, transpose_lhs_hint = false} : vector<2048x128xf32>, vector<128x128xf32>, vector<2048x128xf32> -> vector<2048x128xf32>
    %dot_general3A_74 = arith.constant dense<0.000000e+00> : vector<2048x128xf32>
    %dot_general3A_75 = tpu.matmul %sub3A, %get3A_70, %dot_general3A_74 {dimension_numbers = #tpu.dot_dimension_numbers<[1], [0], [0], [1], [0, 0, 1, 1], [], []>, transpose_lhs_hint = false} : vector<2048x128xf32>, vector<128x128xf32>, vector<2048x128xf32> -> vector<2048x128xf32>
    %add3A_76 = arith.addf %dot_general3A_73, %dot_general3A_75 : vector<2048x128xf32>
    %sub3A_77 = arith.subf %add3A_67, %add3A_76 : vector<2048x128xf32>
    %sub3A_78 = arith.subf %add3A_67, %add3A_76 : vector<2048x128xf32>
    %mul3A_79 = arith.mulf %sub3A_77, %sub3A_78 : vector<2048x128xf32>
    %get3A_80 = arith.constant 0 : index
    %get3A_81 = arith.constant 0 : index
    %get3A_82 = vector.load %arg16[%get3A_80, %get3A_81] : memref<128x128xf32, #tpu.memory_space<vmem>>, vector<128x128xf32>
    %convert_element_type3A_83 = arith.truncf %mul3A_79 : vector<2048x128xf32> to vector<2048x128xbf16>
    %convert_element_type3A_84 = arith.extf %convert_element_type3A_83 : vector<2048x128xbf16> to vector<2048x128xf32>
    %sub3A_85 = arith.subf %mul3A_79, %convert_element_type3A_84 : vector<2048x128xf32>
    %dot_general3A_86 = arith.constant dense<0.000000e+00> : vector<2048x128xf32>
    %dot_general3A_87 = tpu.matmul %convert_element_type3A_84, %get3A_82, %dot_general3A_86 {dimension_numbers = #tpu.dot_dimension_numbers<[1], [0], [0], [1], [0, 0, 1, 1], [], []>, transpose_lhs_hint = false} : vector<2048x128xf32>, vector<128x128xf32>, vector<2048x128xf32> -> vector<2048x128xf32>
    %dot_general3A_88 = arith.constant dense<0.000000e+00> : vector<2048x128xf32>
    %dot_general3A_89 = tpu.matmul %sub3A_85, %get3A_82, %dot_general3A_88 {dimension_numbers = #tpu.dot_dimension_numbers<[1], [0], [0], [1], [0, 0, 1, 1], [], []>, transpose_lhs_hint = false} : vector<2048x128xf32>, vector<128x128xf32>, vector<2048x128xf32> -> vector<2048x128xf32>
    %add3A_90 = arith.addf %dot_general3A_87, %dot_general3A_89 : vector<2048x128xf32>
    %sub3A_91 = arith.subf %add3A_67, %add3A_76 : vector<2048x128xf32>
    %add3A_92 = arith.constant 9.99999974E-6 : f32
    %add3A_93 = vector.broadcast %add3A_92 : f32 to vector<2048x128xf32>
    %add3A_94 = arith.addf %add3A_90, %add3A_93 : vector<2048x128xf32>
    %rsqrt3A = math.rsqrt %add3A_94 : vector<2048x128xf32>
    %mul3A_95 = arith.mulf %sub3A_91, %rsqrt3A : vector<2048x128xf32>
    %get3A_96 = arith.constant 0 : index
    %get3A_97 = arith.constant 0 : index
    %get3A_98 = vector.load %arg14[%get3A_96, %get3A_97] : memref<1x128xf32, #tpu.memory_space<vmem>>, vector<1x128xf32>
    %mul3A_99 = vector.broadcast %get3A_98 : vector<1x128xf32> to vector<2048x128xf32>
    %mul3A_100 = arith.mulf %mul3A_95, %mul3A_99 : vector<2048x128xf32>
    %get3A_101 = arith.constant 0 : index
    %get3A_102 = arith.constant 0 : index
    %get3A_103 = vector.load %arg15[%get3A_101, %get3A_102] : memref<1x128xf32, #tpu.memory_space<vmem>>, vector<1x128xf32>
    %add3A_104 = vector.broadcast %get3A_103 : vector<1x128xf32> to vector<2048x128xf32>
    %add3A_105 = arith.addf %mul3A_100, %add3A_104 : vector<2048x128xf32>
    %swap3A = arith.constant 0 : index
    %swap3A_106 = arith.constant 0 : index
    %swap3A_107 = vector.load %arg17[%swap3A, %swap3A_106] : memref<2048x128xf32, #tpu.memory_space<vmem>>, vector<2048x128xf32>
    tpu.vector_store %arg17[%swap3A, %swap3A_106], %add3A_105 {strides = array<i32>} : memref<2048x128xf32, #tpu.memory_space<vmem>>, vector<2048x128xf32>,
    return
  }
  func.func @transform_0(%arg0: i32) -> (i32, i32) {
    %c0_i32 = arith.constant 0 : i32
    %c0_i32_0 = arith.constant 0 : i32
    return %arg0, %c0_i32 : i32, i32
  }
  func.func @transform_1(%arg0: i32) -> (i32, i32) {
    %c0_i32 = arith.constant 0 : i32
    %c0_i32_0 = arith.constant 0 : i32
    return %arg0, %c0_i32 : i32, i32
  }
  func.func @transform_2(%arg0: i32) -> (i32, i32) {
    %c0_i32 = arith.constant 0 : i32
    %c0_i32_0 = arith.constant 0 : i32
    return %arg0, %c0_i32 : i32, i32
  }
  func.func @transform_3(%arg0: i32) -> (i32, i32) {
    %c0_i32 = arith.constant 0 : i32
    %c0_i32_0 = arith.constant 0 : i32
    return %arg0, %c0_i32 : i32, i32
  }
  func.func @transform_4(%arg0: i32) -> (i32, i32) {
    %c0_i32 = arith.constant 0 : i32
    %c0_i32_0 = arith.constant 0 : i32
    %c0_i32_1 = arith.constant 0 : i32
    return %c0_i32, %c0_i32_0 : i32, i32
  }
  func.func @transform_5(%arg0: i32) -> (i32, i32) {
    %c0_i32 = arith.constant 0 : i32
    %c0_i32_0 = arith.constant 0 : i32
    %c0_i32_1 = arith.constant 0 : i32
    return %c0_i32, %c0_i32_0 : i32, i32
  }
  func.func @transform_6(%arg0: i32) -> (i32, i32) {
    %c0_i32 = arith.constant 0 : i32
    %c0_i32_0 = arith.constant 0 : i32
    %c0_i32_1 = arith.constant 0 : i32
    return %c0_i32, %c0_i32_0 : i32, i32
  }
  func.func @transform_7(%arg0: i32) -> (i32, i32) {
    %c0_i32 = arith.constant 0 : i32
    %c0_i32_0 = arith.constant 0 : i32
    %c0_i32_1 = arith.constant 0 : i32
    return %c0_i32, %c0_i32_0 : i32, i32
  }
  func.func @transform_8(%arg0: i32) -> (i32, i32) {
    %c0_i32 = arith.constant 0 : i32
    %c0_i32_0 = arith.constant 0 : i32
    %c0_i32_1 = arith.constant 0 : i32
    return %c0_i32, %c0_i32_0 : i32, i32
  }
  func.func @transform_9(%arg0: i32) -> (i32, i32) {
    %c0_i32 = arith.constant 0 : i32
    %c0_i32_0 = arith.constant 0 : i32
    %c0_i32_1 = arith.constant 0 : i32
    return %c0_i32, %c0_i32_0 : i32, i32
  }
  func.func @transform_10(%arg0: i32) -> (i32, i32) {
    %c0_i32 = arith.constant 0 : i32
    %c0_i32_0 = arith.constant 0 : i32
    %c0_i32_1 = arith.constant 0 : i32
    return %c0_i32, %c0_i32_0 : i32, i32
  }
  func.func @transform_11(%arg0: i32) -> (i32, i32) {
    %c0_i32 = arith.constant 0 : i32
    %c0_i32_0 = arith.constant 0 : i32
    %c0_i32_1 = arith.constant 0 : i32
    return %c0_i32, %c0_i32_0 : i32, i32
  }
  func.func @transform_12(%arg0: i32) -> (i32, i32) {
    %c0_i32 = arith.constant 0 : i32
    %c0_i32_0 = arith.constant 0 : i32
    %c0_i32_1 = arith.constant 0 : i32
    return %c0_i32, %c0_i32_0 : i32, i32
  }
  func.func @transform_13(%arg0: i32) -> (i32, i32) {
    %c0_i32 = arith.constant 0 : i32
    %c0_i32_0 = arith.constant 0 : i32
    %c0_i32_1 = arith.constant 0 : i32
    return %c0_i32, %c0_i32_0 : i32, i32
  }
  func.func @transform_14(%arg0: i32) -> (i32, i32) {
    %c0_i32 = arith.constant 0 : i32
    %c0_i32_0 = arith.constant 0 : i32
    %c0_i32_1 = arith.constant 0 : i32
    return %c0_i32, %c0_i32_0 : i32, i32
  }
  func.func @transform_15(%arg0: i32) -> (i32, i32) {
    %c0_i32 = arith.constant 0 : i32
    %c0_i32_0 = arith.constant 0 : i32
    %c0_i32_1 = arith.constant 0 : i32
    return %c0_i32, %c0_i32_0 : i32, i32
  }
  func.func @transform_16(%arg0: i32) -> (i32, i32) {
    %c0_i32 = arith.constant 0 : i32
    %c0_i32_0 = arith.constant 0 : i32
    return %arg0, %c0_i32 : i32, i32
  }
}

module attributes {stable_mosaic.version = 14 : i64} {
  func.func @body(%arg0: i32, %arg1: memref<4096x128xf32, #tpu.memory_space<vmem>>, %arg2: memref<4096x128xf32, #tpu.memory_space<vmem>>, %arg3: memref<4096x128xf32, #tpu.memory_space<vmem>>, %arg4: memref<128x256xf32, #tpu.memory_space<vmem>>, %arg5: memref<128x256xf32, #tpu.memory_space<vmem>>, %arg6: memref<128x256xf32, #tpu.memory_space<vmem>>, %arg7: memref<1x256xf32, #tpu.memory_space<vmem>>, %arg8: memref<256x256xf32, #tpu.memory_space<vmem>>, %arg9: memref<1x256xf32, #tpu.memory_space<vmem>>, %arg10: memref<256x128xf32, #tpu.memory_space<vmem>>, %arg11: memref<1x128xf32, #tpu.memory_space<vmem>>, %arg12: memref<1x128xf32, #tpu.memory_space<vmem>>, %arg13: memref<1x128xf32, #tpu.memory_space<vmem>>, %arg14: memref<128x128xf32, #tpu.memory_space<vmem>>, %arg15: memref<4096x128xf32, #tpu.memory_space<vmem>>) attributes {dimension_semantics = [#tpu.dimension_semantics<arbitrary>], iteration_bounds = array<i64: 100>, scalar_prefetch = 0 : i64, scratch_operands = 0 : i64, tpu.core_type = #tpu.core_type<tc>, window_params = [{transform_indices = @transform_0, window_bounds = array<i64: 4096, 128>}, {transform_indices = @transform_1, window_bounds = array<i64: 4096, 128>}, {transform_indices = @transform_2, window_bounds = array<i64: 4096, 128>}, {pipeline_mode = #tpu.pipeline_mode<synchronous>, transform_indices = @transform_3, window_bounds = array<i64: 128, 256>}, {pipeline_mode = #tpu.pipeline_mode<synchronous>, transform_indices = @transform_4, window_bounds = array<i64: 128, 256>}, {pipeline_mode = #tpu.pipeline_mode<synchronous>, transform_indices = @transform_5, window_bounds = array<i64: 128, 256>}, {pipeline_mode = #tpu.pipeline_mode<synchronous>, transform_indices = @transform_6, window_bounds = array<i64: 1, 256>}, {pipeline_mode = #tpu.pipeline_mode<synchronous>, transform_indices = @transform_7, window_bounds = array<i64: 256, 256>}, {pipeline_mode = #tpu.pipeline_mode<synchronous>, transform_indices = @transform_8, window_bounds = array<i64: 1, 256>}, {pipeline_mode = #tpu.pipeline_mode<synchronous>, transform_indices = @transform_9, window_bounds = array<i64: 256, 128>}, {pipeline_mode = #tpu.pipeline_mode<synchronous>, transform_indices = @transform_10, window_bounds = array<i64: 1, 128>}, {pipeline_mode = #tpu.pipeline_mode<synchronous>, transform_indices = @transform_11, window_bounds = array<i64: 1, 128>}, {pipeline_mode = #tpu.pipeline_mode<synchronous>, transform_indices = @transform_12, window_bounds = array<i64: 1, 128>}, {pipeline_mode = #tpu.pipeline_mode<synchronous>, transform_indices = @transform_13, window_bounds = array<i64: 128, 128>}, {transform_indices = @transform_14, window_bounds = array<i64: 4096, 128>}]} {
    %get3A = arith.constant 0 : index
    %get3A_0 = arith.constant 0 : index
    %get3A_1 = vector.load %arg1[%get3A, %get3A_0] : memref<4096x128xf32, #tpu.memory_space<vmem>>, vector<4096x128xf32>
    %get3A_2 = arith.constant 0 : index
    %get3A_3 = arith.constant 0 : index
    %get3A_4 = vector.load %arg2[%get3A_2, %get3A_3] : memref<4096x128xf32, #tpu.memory_space<vmem>>, vector<4096x128xf32>
    %get3A_5 = arith.constant 0 : index
    %get3A_6 = arith.constant 0 : index
    %get3A_7 = vector.load %arg3[%get3A_5, %get3A_6] : memref<4096x128xf32, #tpu.memory_space<vmem>>, vector<4096x128xf32>
    %get3A_8 = arith.constant 0 : index
    %get3A_9 = arith.constant 0 : index
    %get3A_10 = vector.load %arg4[%get3A_8, %get3A_9] : memref<128x256xf32, #tpu.memory_space<vmem>>, vector<128x256xf32>
    %dot_general3A = arith.constant dense<0.000000e+00> : vector<4096x256xf32>
    %dot_general3A_11 = tpu.matmul %get3A_1, %get3A_10, %dot_general3A {dimension_numbers = #tpu.dot_dimension_numbers<[1], [0], [0], [1], [0, 0, 1, 1], [], []>, transpose_lhs_hint = false} : vector<4096x128xf32>, vector<128x256xf32>, vector<4096x256xf32> -> vector<4096x256xf32>
    %get3A_12 = arith.constant 0 : index
    %get3A_13 = arith.constant 0 : index
    %get3A_14 = vector.load %arg5[%get3A_12, %get3A_13] : memref<128x256xf32, #tpu.memory_space<vmem>>, vector<128x256xf32>
    %dot_general3A_15 = arith.constant dense<0.000000e+00> : vector<4096x256xf32>
    %dot_general3A_16 = tpu.matmul %get3A_4, %get3A_14, %dot_general3A_15 {dimension_numbers = #tpu.dot_dimension_numbers<[1], [0], [0], [1], [0, 0, 1, 1], [], []>, transpose_lhs_hint = false} : vector<4096x128xf32>, vector<128x256xf32>, vector<4096x256xf32> -> vector<4096x256xf32>
    %add3A = arith.addf %dot_general3A_11, %dot_general3A_16 : vector<4096x256xf32>
    %get3A_17 = arith.constant 0 : index
    %get3A_18 = arith.constant 0 : index
    %get3A_19 = vector.load %arg6[%get3A_17, %get3A_18] : memref<128x256xf32, #tpu.memory_space<vmem>>, vector<128x256xf32>
    %dot_general3A_20 = arith.constant dense<0.000000e+00> : vector<4096x256xf32>
    %dot_general3A_21 = tpu.matmul %get3A_7, %get3A_19, %dot_general3A_20 {dimension_numbers = #tpu.dot_dimension_numbers<[1], [0], [0], [1], [0, 0, 1, 1], [], []>, transpose_lhs_hint = false} : vector<4096x128xf32>, vector<128x256xf32>, vector<4096x256xf32> -> vector<4096x256xf32>
    %add3A_22 = arith.addf %add3A, %dot_general3A_21 : vector<4096x256xf32>
    %get3A_23 = arith.constant 0 : index
    %get3A_24 = arith.constant 0 : index
    %get3A_25 = vector.load %arg7[%get3A_23, %get3A_24] : memref<1x256xf32, #tpu.memory_space<vmem>>, vector<1x256xf32>
    %add3A_26 = vector.broadcast %get3A_25 : vector<1x256xf32> to vector<4096x256xf32>
    %add3A_27 = arith.addf %add3A_22, %add3A_26 : vector<4096x256xf32>
    %gt3A = arith.constant 0.000000e+00 : f32
    %gt3A_28 = vector.broadcast %gt3A : f32 to vector<4096x256xf32>
    %gt3A_29 = arith.cmpf ogt, %add3A_27, %gt3A_28 : vector<4096x256xf32>
    %mul3A = arith.constant 0.00999999977 : f32
    %mul3A_30 = vector.broadcast %mul3A : f32 to vector<4096x256xf32>
    %mul3A_31 = arith.mulf %mul3A_30, %add3A_27 : vector<4096x256xf32>
    %select_n3A = arith.select %gt3A_29, %add3A_27, %mul3A_31 : vector<4096x256xi1>, vector<4096x256xf32>
    %get3A_32 = arith.constant 0 : index
    %get3A_33 = arith.constant 0 : index
    %get3A_34 = vector.load %arg8[%get3A_32, %get3A_33] : memref<256x256xf32, #tpu.memory_space<vmem>>, vector<256x256xf32>
    %dot_general3A_35 = arith.constant dense<0.000000e+00> : vector<4096x256xf32>
    %dot_general3A_36 = tpu.matmul %select_n3A, %get3A_34, %dot_general3A_35 {dimension_numbers = #tpu.dot_dimension_numbers<[1], [0], [0], [1], [0, 0, 1, 1], [], []>, transpose_lhs_hint = false} : vector<4096x256xf32>, vector<256x256xf32>, vector<4096x256xf32> -> vector<4096x256xf32>
    %get3A_37 = arith.constant 0 : index
    %get3A_38 = arith.constant 0 : index
    %get3A_39 = vector.load %arg9[%get3A_37, %get3A_38] : memref<1x256xf32, #tpu.memory_space<vmem>>, vector<1x256xf32>
    %add3A_40 = vector.broadcast %get3A_39 : vector<1x256xf32> to vector<4096x256xf32>
    %add3A_41 = arith.addf %dot_general3A_36, %add3A_40 : vector<4096x256xf32>
    %gt3A_42 = arith.constant 0.000000e+00 : f32
    %gt3A_43 = vector.broadcast %gt3A_42 : f32 to vector<4096x256xf32>
    %gt3A_44 = arith.cmpf ogt, %add3A_41, %gt3A_43 : vector<4096x256xf32>
    %mul3A_45 = arith.constant 0.00999999977 : f32
    %mul3A_46 = vector.broadcast %mul3A_45 : f32 to vector<4096x256xf32>
    %mul3A_47 = arith.mulf %mul3A_46, %add3A_41 : vector<4096x256xf32>
    %select_n3A_48 = arith.select %gt3A_44, %add3A_41, %mul3A_47 : vector<4096x256xi1>, vector<4096x256xf32>
    %get3A_49 = arith.constant 0 : index
    %get3A_50 = arith.constant 0 : index
    %get3A_51 = vector.load %arg10[%get3A_49, %get3A_50] : memref<256x128xf32, #tpu.memory_space<vmem>>, vector<256x128xf32>
    %dot_general3A_52 = arith.constant dense<0.000000e+00> : vector<4096x128xf32>
    %dot_general3A_53 = tpu.matmul %select_n3A_48, %get3A_51, %dot_general3A_52 {dimension_numbers = #tpu.dot_dimension_numbers<[1], [0], [0], [1], [0, 0, 1, 1], [], []>, transpose_lhs_hint = false} : vector<4096x256xf32>, vector<256x128xf32>, vector<4096x128xf32> -> vector<4096x128xf32>
    %get3A_54 = arith.constant 0 : index
    %get3A_55 = arith.constant 0 : index
    %get3A_56 = vector.load %arg11[%get3A_54, %get3A_55] : memref<1x128xf32, #tpu.memory_space<vmem>>, vector<1x128xf32>
    %add3A_57 = vector.broadcast %get3A_56 : vector<1x128xf32> to vector<4096x128xf32>
    %add3A_58 = arith.addf %dot_general3A_53, %add3A_57 : vector<4096x128xf32>
    %get3A_59 = arith.constant 0 : index
    %get3A_60 = arith.constant 0 : index
    %get3A_61 = vector.load %arg14[%get3A_59, %get3A_60] : memref<128x128xf32, #tpu.memory_space<vmem>>, vector<128x128xf32>
    %convert_element_type3A = arith.truncf %add3A_58 : vector<4096x128xf32> to vector<4096x128xbf16>
    %convert_element_type3A_62 = arith.extf %convert_element_type3A : vector<4096x128xbf16> to vector<4096x128xf32>
    %sub3A = arith.subf %add3A_58, %convert_element_type3A_62 : vector<4096x128xf32>
    %dot_general3A_63 = arith.constant dense<0.000000e+00> : vector<4096x128xf32>
    %dot_general3A_64 = tpu.matmul %convert_element_type3A_62, %get3A_61, %dot_general3A_63 {dimension_numbers = #tpu.dot_dimension_numbers<[1], [0], [0], [1], [0, 0, 1, 1], [], []>, transpose_lhs_hint = false} : vector<4096x128xf32>, vector<128x128xf32>, vector<4096x128xf32> -> vector<4096x128xf32>
    %dot_general3A_65 = arith.constant dense<0.000000e+00> : vector<4096x128xf32>
    %dot_general3A_66 = tpu.matmul %sub3A, %get3A_61, %dot_general3A_65 {dimension_numbers = #tpu.dot_dimension_numbers<[1], [0], [0], [1], [0, 0, 1, 1], [], []>, transpose_lhs_hint = false} : vector<4096x128xf32>, vector<128x128xf32>, vector<4096x128xf32> -> vector<4096x128xf32>
    %add3A_67 = arith.addf %dot_general3A_64, %dot_general3A_66 : vector<4096x128xf32>
    %sub3A_68 = arith.subf %add3A_58, %add3A_67 : vector<4096x128xf32>
    %sub3A_69 = arith.subf %add3A_58, %add3A_67 : vector<4096x128xf32>
    %mul3A_70 = arith.mulf %sub3A_68, %sub3A_69 : vector<4096x128xf32>
    %get3A_71 = arith.constant 0 : index
    %get3A_72 = arith.constant 0 : index
    %get3A_73 = vector.load %arg14[%get3A_71, %get3A_72] : memref<128x128xf32, #tpu.memory_space<vmem>>, vector<128x128xf32>
    %convert_element_type3A_74 = arith.truncf %mul3A_70 : vector<4096x128xf32> to vector<4096x128xbf16>
    %convert_element_type3A_75 = arith.extf %convert_element_type3A_74 : vector<4096x128xbf16> to vector<4096x128xf32>
    %sub3A_76 = arith.subf %mul3A_70, %convert_element_type3A_75 : vector<4096x128xf32>
    %dot_general3A_77 = arith.constant dense<0.000000e+00> : vector<4096x128xf32>
    %dot_general3A_78 = tpu.matmul %convert_element_type3A_75, %get3A_73, %dot_general3A_77 {dimension_numbers = #tpu.dot_dimension_numbers<[1], [0], [0], [1], [0, 0, 1, 1], [], []>, transpose_lhs_hint = false} : vector<4096x128xf32>, vector<128x128xf32>, vector<4096x128xf32> -> vector<4096x128xf32>
    %dot_general3A_79 = arith.constant dense<0.000000e+00> : vector<4096x128xf32>
    %dot_general3A_80 = tpu.matmul %sub3A_76, %get3A_73, %dot_general3A_79 {dimension_numbers = #tpu.dot_dimension_numbers<[1], [0], [0], [1], [0, 0, 1, 1], [], []>, transpose_lhs_hint = false} : vector<4096x128xf32>, vector<128x128xf32>, vector<4096x128xf32> -> vector<4096x128xf32>
    %add3A_81 = arith.addf %dot_general3A_78, %dot_general3A_80 : vector<4096x128xf32>
    %sub3A_82 = arith.subf %add3A_58, %add3A_67 : vector<4096x128xf32>
    %add3A_83 = arith.constant 9.99999974E-6 : f32
    %add3A_84 = vector.broadcast %add3A_83 : f32 to vector<4096x128xf32>
    %add3A_85 = arith.addf %add3A_81, %add3A_84 : vector<4096x128xf32>
    %rsqrt3A = math.rsqrt %add3A_85 : vector<4096x128xf32>
    %mul3A_86 = arith.mulf %sub3A_82, %rsqrt3A : vector<4096x128xf32>
    %get3A_87 = arith.constant 0 : index
    %get3A_88 = arith.constant 0 : index
    %get3A_89 = vector.load %arg12[%get3A_87, %get3A_88] : memref<1x128xf32, #tpu.memory_space<vmem>>, vector<1x128xf32>
    %mul3A_90 = vector.broadcast %get3A_89 : vector<1x128xf32> to vector<4096x128xf32>
    %mul3A_91 = arith.mulf %mul3A_86, %mul3A_90 : vector<4096x128xf32>
    %get3A_92 = arith.constant 0 : index
    %get3A_93 = arith.constant 0 : index
    %get3A_94 = vector.load %arg13[%get3A_92, %get3A_93] : memref<1x128xf32, #tpu.memory_space<vmem>>, vector<1x128xf32>
    %add3A_95 = vector.broadcast %get3A_94 : vector<1x128xf32> to vector<4096x128xf32>
    %add3A_96 = arith.addf %mul3A_91, %add3A_95 : vector<4096x128xf32>
    %add3A_97 = arith.addf %add3A_96, %get3A_1 : vector<4096x128xf32>
    %swap3A = arith.constant 0 : index
    %swap3A_98 = arith.constant 0 : index
    %swap3A_99 = vector.load %arg15[%swap3A, %swap3A_98] : memref<4096x128xf32, #tpu.memory_space<vmem>>, vector<4096x128xf32>
    tpu.vector_store %arg15[%swap3A, %swap3A_98], %add3A_97 {strides = array<i32>} : memref<4096x128xf32, #tpu.memory_space<vmem>>, vector<4096x128xf32>,
    return
  }
  func.func @transform_0(%arg0: i32) -> (i32, i32) {
    %c0_i32 = arith.constant 0 : i32
    %c0_i32_0 = arith.constant 0 : i32
    return %arg0, %c0_i32 : i32, i32
  }
  func.func @transform_1(%arg0: i32) -> (i32, i32) {
    %c0_i32 = arith.constant 0 : i32
    %c0_i32_0 = arith.constant 0 : i32
    return %arg0, %c0_i32 : i32, i32
  }
  func.func @transform_2(%arg0: i32) -> (i32, i32) {
    %c0_i32 = arith.constant 0 : i32
    %c0_i32_0 = arith.constant 0 : i32
    return %arg0, %c0_i32 : i32, i32
  }
  func.func @transform_3(%arg0: i32) -> (i32, i32) {
    %c0_i32 = arith.constant 0 : i32
    %c0_i32_0 = arith.constant 0 : i32
    %c0_i32_1 = arith.constant 0 : i32
    return %c0_i32, %c0_i32_0 : i32, i32
  }
  func.func @transform_4(%arg0: i32) -> (i32, i32) {
    %c0_i32 = arith.constant 0 : i32
    %c0_i32_0 = arith.constant 0 : i32
    %c0_i32_1 = arith.constant 0 : i32
    return %c0_i32, %c0_i32_0 : i32, i32
  }
  func.func @transform_5(%arg0: i32) -> (i32, i32) {
    %c0_i32 = arith.constant 0 : i32
    %c0_i32_0 = arith.constant 0 : i32
    %c0_i32_1 = arith.constant 0 : i32
    return %c0_i32, %c0_i32_0 : i32, i32
  }
  func.func @transform_6(%arg0: i32) -> (i32, i32) {
    %c0_i32 = arith.constant 0 : i32
    %c0_i32_0 = arith.constant 0 : i32
    %c0_i32_1 = arith.constant 0 : i32
    return %c0_i32, %c0_i32_0 : i32, i32
  }
  func.func @transform_7(%arg0: i32) -> (i32, i32) {
    %c0_i32 = arith.constant 0 : i32
    %c0_i32_0 = arith.constant 0 : i32
    %c0_i32_1 = arith.constant 0 : i32
    return %c0_i32, %c0_i32_0 : i32, i32
  }
  func.func @transform_8(%arg0: i32) -> (i32, i32) {
    %c0_i32 = arith.constant 0 : i32
    %c0_i32_0 = arith.constant 0 : i32
    %c0_i32_1 = arith.constant 0 : i32
    return %c0_i32, %c0_i32_0 : i32, i32
  }
  func.func @transform_9(%arg0: i32) -> (i32, i32) {
    %c0_i32 = arith.constant 0 : i32
    %c0_i32_0 = arith.constant 0 : i32
    %c0_i32_1 = arith.constant 0 : i32
    return %c0_i32, %c0_i32_0 : i32, i32
  }
  func.func @transform_10(%arg0: i32) -> (i32, i32) {
    %c0_i32 = arith.constant 0 : i32
    %c0_i32_0 = arith.constant 0 : i32
    %c0_i32_1 = arith.constant 0 : i32
    return %c0_i32, %c0_i32_0 : i32, i32
  }
  func.func @transform_11(%arg0: i32) -> (i32, i32) {
    %c0_i32 = arith.constant 0 : i32
    %c0_i32_0 = arith.constant 0 : i32
    %c0_i32_1 = arith.constant 0 : i32
    return %c0_i32, %c0_i32_0 : i32, i32
  }
  func.func @transform_12(%arg0: i32) -> (i32, i32) {
    %c0_i32 = arith.constant 0 : i32
    %c0_i32_0 = arith.constant 0 : i32
    %c0_i32_1 = arith.constant 0 : i32
    return %c0_i32, %c0_i32_0 : i32, i32
  }
  func.func @transform_13(%arg0: i32) -> (i32, i32) {
    %c0_i32 = arith.constant 0 : i32
    %c0_i32_0 = arith.constant 0 : i32
    %c0_i32_1 = arith.constant 0 : i32
    return %c0_i32, %c0_i32_0 : i32, i32
  }
  func.func @transform_14(%arg0: i32) -> (i32, i32) {
    %c0_i32 = arith.constant 0 : i32
    %c0_i32_0 = arith.constant 0 : i32
    return %arg0, %c0_i32 : i32, i32
  }
}

module attributes {stable_mosaic.version = 14 : i64} {
  func.func @body(%arg0: i32, %arg1: memref<736x128xf32, #tpu.memory_space<vmem>>, %arg2: memref<2x736x128xf32, #tpu.memory_space<vmem>>, %arg3: memref<128x256xf32, #tpu.memory_space<vmem>>, %arg4: memref<128x256xf32, #tpu.memory_space<vmem>>, %arg5: memref<1x256xf32, #tpu.memory_space<vmem>>, %arg6: memref<256x256xf32, #tpu.memory_space<vmem>>, %arg7: memref<1x256xf32, #tpu.memory_space<vmem>>, %arg8: memref<256x128xf32, #tpu.memory_space<vmem>>, %arg9: memref<1x128xf32, #tpu.memory_space<vmem>>, %arg10: memref<1x128xf32, #tpu.memory_space<vmem>>, %arg11: memref<1x128xf32, #tpu.memory_space<vmem>>, %arg12: memref<128x128xf32, #tpu.memory_space<vmem>>, %arg13: memref<736x128xf32, #tpu.memory_space<vmem>>) attributes {dimension_semantics = [#tpu.dimension_semantics<arbitrary>], iteration_bounds = array<i64: 17>, scalar_prefetch = 0 : i64, scratch_operands = 0 : i64, tpu.core_type = #tpu.core_type<tc>, window_params = [{transform_indices = @transform_0, window_bounds = array<i64: 736, 128>}, {transform_indices = @transform_1, window_bounds = array<i64: 2, 736, 128>}, {pipeline_mode = #tpu.pipeline_mode<synchronous>, transform_indices = @transform_2, window_bounds = array<i64: 128, 256>}, {pipeline_mode = #tpu.pipeline_mode<synchronous>, transform_indices = @transform_3, window_bounds = array<i64: 128, 256>}, {pipeline_mode = #tpu.pipeline_mode<synchronous>, transform_indices = @transform_4, window_bounds = array<i64: 1, 256>}, {pipeline_mode = #tpu.pipeline_mode<synchronous>, transform_indices = @transform_5, window_bounds = array<i64: 256, 256>}, {pipeline_mode = #tpu.pipeline_mode<synchronous>, transform_indices = @transform_6, window_bounds = array<i64: 1, 256>}, {pipeline_mode = #tpu.pipeline_mode<synchronous>, transform_indices = @transform_7, window_bounds = array<i64: 256, 128>}, {pipeline_mode = #tpu.pipeline_mode<synchronous>, transform_indices = @transform_8, window_bounds = array<i64: 1, 128>}, {pipeline_mode = #tpu.pipeline_mode<synchronous>, transform_indices = @transform_9, window_bounds = array<i64: 1, 128>}, {pipeline_mode = #tpu.pipeline_mode<synchronous>, transform_indices = @transform_10, window_bounds = array<i64: 1, 128>}, {pipeline_mode = #tpu.pipeline_mode<synchronous>, transform_indices = @transform_11, window_bounds = array<i64: 128, 128>}, {transform_indices = @transform_12, window_bounds = array<i64: 736, 128>}]} {
    %get3A = arith.constant 0 : index
    %get3A_0 = arith.constant 0 : index
    %get3A_1 = vector.load %arg1[%get3A, %get3A_0] : memref<736x128xf32, #tpu.memory_space<vmem>>, vector<736x128xf32>
    %get3A_2 = arith.constant 0 : index
    %get3A_3 = arith.constant 0 : index
    %get3A_4 = arith.constant 0 : index
    %get3A_5 = vector.load %arg2[%get3A_2, %get3A_3, %get3A_4] : memref<2x736x128xf32, #tpu.memory_space<vmem>>, vector<1x736x128xf32>
    %get3A_6 = vector.shape_cast %get3A_5 : vector<1x736x128xf32> to vector<736x128xf32>
    %get3A_7 = arith.constant 1 : index
    %get3A_8 = arith.constant 0 : index
    %get3A_9 = arith.constant 0 : index
    %get3A_10 = vector.load %arg2[%get3A_7, %get3A_8, %get3A_9] : memref<2x736x128xf32, #tpu.memory_space<vmem>>, vector<1x736x128xf32>
    %get3A_11 = vector.shape_cast %get3A_10 : vector<1x736x128xf32> to vector<736x128xf32>
    %add3A = arith.addf %get3A_6, %get3A_11 : vector<736x128xf32>
    %get3A_12 = arith.constant 0 : index
    %get3A_13 = arith.constant 0 : index
    %get3A_14 = vector.load %arg3[%get3A_12, %get3A_13] : memref<128x256xf32, #tpu.memory_space<vmem>>, vector<128x256xf32>
    %dot_general3A = arith.constant dense<0.000000e+00> : vector<736x256xf32>
    %dot_general3A_15 = tpu.matmul %get3A_1, %get3A_14, %dot_general3A {dimension_numbers = #tpu.dot_dimension_numbers<[1], [0], [0], [1], [0, 0, 1, 1], [], []>, transpose_lhs_hint = false} : vector<736x128xf32>, vector<128x256xf32>, vector<736x256xf32> -> vector<736x256xf32>
    %get3A_16 = arith.constant 0 : index
    %get3A_17 = arith.constant 0 : index
    %get3A_18 = vector.load %arg4[%get3A_16, %get3A_17] : memref<128x256xf32, #tpu.memory_space<vmem>>, vector<128x256xf32>
    %dot_general3A_19 = arith.constant dense<0.000000e+00> : vector<736x256xf32>
    %dot_general3A_20 = tpu.matmul %add3A, %get3A_18, %dot_general3A_19 {dimension_numbers = #tpu.dot_dimension_numbers<[1], [0], [0], [1], [0, 0, 1, 1], [], []>, transpose_lhs_hint = false} : vector<736x128xf32>, vector<128x256xf32>, vector<736x256xf32> -> vector<736x256xf32>
    %add3A_21 = arith.addf %dot_general3A_15, %dot_general3A_20 : vector<736x256xf32>
    %get3A_22 = arith.constant 0 : index
    %get3A_23 = arith.constant 0 : index
    %get3A_24 = vector.load %arg5[%get3A_22, %get3A_23] : memref<1x256xf32, #tpu.memory_space<vmem>>, vector<1x256xf32>
    %add3A_25 = vector.broadcast %get3A_24 : vector<1x256xf32> to vector<736x256xf32>
    %add3A_26 = arith.addf %add3A_21, %add3A_25 : vector<736x256xf32>
    %gt3A = arith.constant 0.000000e+00 : f32
    %gt3A_27 = vector.broadcast %gt3A : f32 to vector<736x256xf32>
    %gt3A_28 = arith.cmpf ogt, %add3A_26, %gt3A_27 : vector<736x256xf32>
    %mul3A = arith.constant 0.00999999977 : f32
    %mul3A_29 = vector.broadcast %mul3A : f32 to vector<736x256xf32>
    %mul3A_30 = arith.mulf %mul3A_29, %add3A_26 : vector<736x256xf32>
    %select_n3A = arith.select %gt3A_28, %add3A_26, %mul3A_30 : vector<736x256xi1>, vector<736x256xf32>
    %get3A_31 = arith.constant 0 : index
    %get3A_32 = arith.constant 0 : index
    %get3A_33 = vector.load %arg6[%get3A_31, %get3A_32] : memref<256x256xf32, #tpu.memory_space<vmem>>, vector<256x256xf32>
    %dot_general3A_34 = arith.constant dense<0.000000e+00> : vector<736x256xf32>
    %dot_general3A_35 = tpu.matmul %select_n3A, %get3A_33, %dot_general3A_34 {dimension_numbers = #tpu.dot_dimension_numbers<[1], [0], [0], [1], [0, 0, 1, 1], [], []>, transpose_lhs_hint = false} : vector<736x256xf32>, vector<256x256xf32>, vector<736x256xf32> -> vector<736x256xf32>
    %get3A_36 = arith.constant 0 : index
    %get3A_37 = arith.constant 0 : index
    %get3A_38 = vector.load %arg7[%get3A_36, %get3A_37] : memref<1x256xf32, #tpu.memory_space<vmem>>, vector<1x256xf32>
    %add3A_39 = vector.broadcast %get3A_38 : vector<1x256xf32> to vector<736x256xf32>
    %add3A_40 = arith.addf %dot_general3A_35, %add3A_39 : vector<736x256xf32>
    %gt3A_41 = arith.constant 0.000000e+00 : f32
    %gt3A_42 = vector.broadcast %gt3A_41 : f32 to vector<736x256xf32>
    %gt3A_43 = arith.cmpf ogt, %add3A_40, %gt3A_42 : vector<736x256xf32>
    %mul3A_44 = arith.constant 0.00999999977 : f32
    %mul3A_45 = vector.broadcast %mul3A_44 : f32 to vector<736x256xf32>
    %mul3A_46 = arith.mulf %mul3A_45, %add3A_40 : vector<736x256xf32>
    %select_n3A_47 = arith.select %gt3A_43, %add3A_40, %mul3A_46 : vector<736x256xi1>, vector<736x256xf32>
    %get3A_48 = arith.constant 0 : index
    %get3A_49 = arith.constant 0 : index
    %get3A_50 = vector.load %arg8[%get3A_48, %get3A_49] : memref<256x128xf32, #tpu.memory_space<vmem>>, vector<256x128xf32>
    %dot_general3A_51 = arith.constant dense<0.000000e+00> : vector<736x128xf32>
    %dot_general3A_52 = tpu.matmul %select_n3A_47, %get3A_50, %dot_general3A_51 {dimension_numbers = #tpu.dot_dimension_numbers<[1], [0], [0], [1], [0, 0, 1, 1], [], []>, transpose_lhs_hint = false} : vector<736x256xf32>, vector<256x128xf32>, vector<736x128xf32> -> vector<736x128xf32>
    %get3A_53 = arith.constant 0 : index
    %get3A_54 = arith.constant 0 : index
    %get3A_55 = vector.load %arg9[%get3A_53, %get3A_54] : memref<1x128xf32, #tpu.memory_space<vmem>>, vector<1x128xf32>
    %add3A_56 = vector.broadcast %get3A_55 : vector<1x128xf32> to vector<736x128xf32>
    %add3A_57 = arith.addf %dot_general3A_52, %add3A_56 : vector<736x128xf32>
    %get3A_58 = arith.constant 0 : index
    %get3A_59 = arith.constant 0 : index
    %get3A_60 = vector.load %arg12[%get3A_58, %get3A_59] : memref<128x128xf32, #tpu.memory_space<vmem>>, vector<128x128xf32>
    %convert_element_type3A = arith.truncf %add3A_57 : vector<736x128xf32> to vector<736x128xbf16>
    %convert_element_type3A_61 = arith.extf %convert_element_type3A : vector<736x128xbf16> to vector<736x128xf32>
    %sub3A = arith.subf %add3A_57, %convert_element_type3A_61 : vector<736x128xf32>
    %dot_general3A_62 = arith.constant dense<0.000000e+00> : vector<736x128xf32>
    %dot_general3A_63 = tpu.matmul %convert_element_type3A_61, %get3A_60, %dot_general3A_62 {dimension_numbers = #tpu.dot_dimension_numbers<[1], [0], [0], [1], [0, 0, 1, 1], [], []>, transpose_lhs_hint = false} : vector<736x128xf32>, vector<128x128xf32>, vector<736x128xf32> -> vector<736x128xf32>
    %dot_general3A_64 = arith.constant dense<0.000000e+00> : vector<736x128xf32>
    %dot_general3A_65 = tpu.matmul %sub3A, %get3A_60, %dot_general3A_64 {dimension_numbers = #tpu.dot_dimension_numbers<[1], [0], [0], [1], [0, 0, 1, 1], [], []>, transpose_lhs_hint = false} : vector<736x128xf32>, vector<128x128xf32>, vector<736x128xf32> -> vector<736x128xf32>
    %add3A_66 = arith.addf %dot_general3A_63, %dot_general3A_65 : vector<736x128xf32>
    %sub3A_67 = arith.subf %add3A_57, %add3A_66 : vector<736x128xf32>
    %sub3A_68 = arith.subf %add3A_57, %add3A_66 : vector<736x128xf32>
    %mul3A_69 = arith.mulf %sub3A_67, %sub3A_68 : vector<736x128xf32>
    %get3A_70 = arith.constant 0 : index
    %get3A_71 = arith.constant 0 : index
    %get3A_72 = vector.load %arg12[%get3A_70, %get3A_71] : memref<128x128xf32, #tpu.memory_space<vmem>>, vector<128x128xf32>
    %convert_element_type3A_73 = arith.truncf %mul3A_69 : vector<736x128xf32> to vector<736x128xbf16>
    %convert_element_type3A_74 = arith.extf %convert_element_type3A_73 : vector<736x128xbf16> to vector<736x128xf32>
    %sub3A_75 = arith.subf %mul3A_69, %convert_element_type3A_74 : vector<736x128xf32>
    %dot_general3A_76 = arith.constant dense<0.000000e+00> : vector<736x128xf32>
    %dot_general3A_77 = tpu.matmul %convert_element_type3A_74, %get3A_72, %dot_general3A_76 {dimension_numbers = #tpu.dot_dimension_numbers<[1], [0], [0], [1], [0, 0, 1, 1], [], []>, transpose_lhs_hint = false} : vector<736x128xf32>, vector<128x128xf32>, vector<736x128xf32> -> vector<736x128xf32>
    %dot_general3A_78 = arith.constant dense<0.000000e+00> : vector<736x128xf32>
    %dot_general3A_79 = tpu.matmul %sub3A_75, %get3A_72, %dot_general3A_78 {dimension_numbers = #tpu.dot_dimension_numbers<[1], [0], [0], [1], [0, 0, 1, 1], [], []>, transpose_lhs_hint = false} : vector<736x128xf32>, vector<128x128xf32>, vector<736x128xf32> -> vector<736x128xf32>
    %add3A_80 = arith.addf %dot_general3A_77, %dot_general3A_79 : vector<736x128xf32>
    %sub3A_81 = arith.subf %add3A_57, %add3A_66 : vector<736x128xf32>
    %add3A_82 = arith.constant 9.99999974E-6 : f32
    %add3A_83 = vector.broadcast %add3A_82 : f32 to vector<736x128xf32>
    %add3A_84 = arith.addf %add3A_80, %add3A_83 : vector<736x128xf32>
    %rsqrt3A = math.rsqrt %add3A_84 : vector<736x128xf32>
    %mul3A_85 = arith.mulf %sub3A_81, %rsqrt3A : vector<736x128xf32>
    %get3A_86 = arith.constant 0 : index
    %get3A_87 = arith.constant 0 : index
    %get3A_88 = vector.load %arg10[%get3A_86, %get3A_87] : memref<1x128xf32, #tpu.memory_space<vmem>>, vector<1x128xf32>
    %mul3A_89 = vector.broadcast %get3A_88 : vector<1x128xf32> to vector<736x128xf32>
    %mul3A_90 = arith.mulf %mul3A_85, %mul3A_89 : vector<736x128xf32>
    %get3A_91 = arith.constant 0 : index
    %get3A_92 = arith.constant 0 : index
    %get3A_93 = vector.load %arg11[%get3A_91, %get3A_92] : memref<1x128xf32, #tpu.memory_space<vmem>>, vector<1x128xf32>
    %add3A_94 = vector.broadcast %get3A_93 : vector<1x128xf32> to vector<736x128xf32>
    %add3A_95 = arith.addf %mul3A_90, %add3A_94 : vector<736x128xf32>
    %add3A_96 = arith.addf %add3A_95, %get3A_1 : vector<736x128xf32>
    %swap3A = arith.constant 0 : index
    %swap3A_97 = arith.constant 0 : index
    %swap3A_98 = vector.load %arg13[%swap3A, %swap3A_97] : memref<736x128xf32, #tpu.memory_space<vmem>>, vector<736x128xf32>
    tpu.vector_store %arg13[%swap3A, %swap3A_97], %add3A_96 {strides = array<i32>} : memref<736x128xf32, #tpu.memory_space<vmem>>, vector<736x128xf32>,
    return
  }
  func.func @transform_0(%arg0: i32) -> (i32, i32) {
    %c0_i32 = arith.constant 0 : i32
    %c0_i32_0 = arith.constant 0 : i32
    return %arg0, %c0_i32 : i32, i32
  }
  func.func @transform_1(%arg0: i32) -> (i32, i32, i32) {
    %c0_i32 = arith.constant 0 : i32
    %c0_i32_0 = arith.constant 0 : i32
    %c0_i32_1 = arith.constant 0 : i32
    return %c0_i32, %arg0, %c0_i32_0 : i32, i32, i32
  }
  func.func @transform_2(%arg0: i32) -> (i32, i32) {
    %c0_i32 = arith.constant 0 : i32
    %c0_i32_0 = arith.constant 0 : i32
    %c0_i32_1 = arith.constant 0 : i32
    return %c0_i32, %c0_i32_0 : i32, i32
  }
  func.func @transform_3(%arg0: i32) -> (i32, i32) {
    %c0_i32 = arith.constant 0 : i32
    %c0_i32_0 = arith.constant 0 : i32
    %c0_i32_1 = arith.constant 0 : i32
    return %c0_i32, %c0_i32_0 : i32, i32
  }
  func.func @transform_4(%arg0: i32) -> (i32, i32) {
    %c0_i32 = arith.constant 0 : i32
    %c0_i32_0 = arith.constant 0 : i32
    %c0_i32_1 = arith.constant 0 : i32
    return %c0_i32, %c0_i32_0 : i32, i32
  }
  func.func @transform_5(%arg0: i32) -> (i32, i32) {
    %c0_i32 = arith.constant 0 : i32
    %c0_i32_0 = arith.constant 0 : i32
    %c0_i32_1 = arith.constant 0 : i32
    return %c0_i32, %c0_i32_0 : i32, i32
  }
  func.func @transform_6(%arg0: i32) -> (i32, i32) {
    %c0_i32 = arith.constant 0 : i32
    %c0_i32_0 = arith.constant 0 : i32
    %c0_i32_1 = arith.constant 0 : i32
    return %c0_i32, %c0_i32_0 : i32, i32
  }
  func.func @transform_7(%arg0: i32) -> (i32, i32) {
    %c0_i32 = arith.constant 0 : i32
    %c0_i32_0 = arith.constant 0 : i32
    %c0_i32_1 = arith.constant 0 : i32
    return %c0_i32, %c0_i32_0 : i32, i32
  }
  func.func @transform_8(%arg0: i32) -> (i32, i32) {
    %c0_i32 = arith.constant 0 : i32
    %c0_i32_0 = arith.constant 0 : i32
    %c0_i32_1 = arith.constant 0 : i32
    return %c0_i32, %c0_i32_0 : i32, i32
  }
  func.func @transform_9(%arg0: i32) -> (i32, i32) {
    %c0_i32 = arith.constant 0 : i32
    %c0_i32_0 = arith.constant 0 : i32
    %c0_i32_1 = arith.constant 0 : i32
    return %c0_i32, %c0_i32_0 : i32, i32
  }
  func.func @transform_10(%arg0: i32) -> (i32, i32) {
    %c0_i32 = arith.constant 0 : i32
    %c0_i32_0 = arith.constant 0 : i32
    %c0_i32_1 = arith.constant 0 : i32
    return %c0_i32, %c0_i32_0 : i32, i32
  }
  func.func @transform_11(%arg0: i32) -> (i32, i32) {
    %c0_i32 = arith.constant 0 : i32
    %c0_i32_0 = arith.constant 0 : i32
    %c0_i32_1 = arith.constant 0 : i32
    return %c0_i32, %c0_i32_0 : i32, i32
  }
  func.func @transform_12(%arg0: i32) -> (i32, i32) {
    %c0_i32 = arith.constant 0 : i32
    %c0_i32_0 = arith.constant 0 : i32
    return %arg0, %c0_i32 : i32, i32
  }
}

module attributes {stable_mosaic.version = 14 : i64} {
  func.func @body(%arg0: i32, %arg1: memref<736x128xf32, #tpu.memory_space<vmem>>, %arg2: memref<128x256xf32, #tpu.memory_space<vmem>>, %arg3: memref<1x256xf32, #tpu.memory_space<vmem>>, %arg4: memref<256x256xf32, #tpu.memory_space<vmem>>, %arg5: memref<1x256xf32, #tpu.memory_space<vmem>>, %arg6: memref<256x16xf32, #tpu.memory_space<vmem>>, %arg7: memref<1x16xf32, #tpu.memory_space<vmem>>, %arg8: memref<736x16xf32, #tpu.memory_space<vmem>>) attributes {dimension_semantics = [#tpu.dimension_semantics<arbitrary>], iteration_bounds = array<i64: 17>, scalar_prefetch = 0 : i64, scratch_operands = 0 : i64, tpu.core_type = #tpu.core_type<tc>, window_params = [{transform_indices = @transform_0, window_bounds = array<i64: 736, 128>}, {pipeline_mode = #tpu.pipeline_mode<synchronous>, transform_indices = @transform_1, window_bounds = array<i64: 128, 256>}, {pipeline_mode = #tpu.pipeline_mode<synchronous>, transform_indices = @transform_2, window_bounds = array<i64: 1, 256>}, {pipeline_mode = #tpu.pipeline_mode<synchronous>, transform_indices = @transform_3, window_bounds = array<i64: 256, 256>}, {pipeline_mode = #tpu.pipeline_mode<synchronous>, transform_indices = @transform_4, window_bounds = array<i64: 1, 256>}, {pipeline_mode = #tpu.pipeline_mode<synchronous>, transform_indices = @transform_5, window_bounds = array<i64: 256, 16>}, {pipeline_mode = #tpu.pipeline_mode<synchronous>, transform_indices = @transform_6, window_bounds = array<i64: 1, 16>}, {transform_indices = @transform_7, window_bounds = array<i64: 736, 16>}]} {
    %get3A = arith.constant 0 : index
    %get3A_0 = arith.constant 0 : index
    %get3A_1 = vector.load %arg1[%get3A, %get3A_0] : memref<736x128xf32, #tpu.memory_space<vmem>>, vector<736x128xf32>
    %get3A_2 = arith.constant 0 : index
    %get3A_3 = arith.constant 0 : index
    %get3A_4 = vector.load %arg2[%get3A_2, %get3A_3] : memref<128x256xf32, #tpu.memory_space<vmem>>, vector<128x256xf32>
    %dot_general3A = arith.constant dense<0.000000e+00> : vector<736x256xf32>
    %dot_general3A_5 = tpu.matmul %get3A_1, %get3A_4, %dot_general3A {dimension_numbers = #tpu.dot_dimension_numbers<[1], [0], [0], [1], [0, 0, 1, 1], [], []>, transpose_lhs_hint = false} : vector<736x128xf32>, vector<128x256xf32>, vector<736x256xf32> -> vector<736x256xf32>
    %get3A_6 = arith.constant 0 : index
    %get3A_7 = arith.constant 0 : index
    %get3A_8 = vector.load %arg3[%get3A_6, %get3A_7] : memref<1x256xf32, #tpu.memory_space<vmem>>, vector<1x256xf32>
    %add3A = vector.broadcast %get3A_8 : vector<1x256xf32> to vector<736x256xf32>
    %add3A_9 = arith.addf %dot_general3A_5, %add3A : vector<736x256xf32>
    %gt3A = arith.constant 0.000000e+00 : f32
    %gt3A_10 = vector.broadcast %gt3A : f32 to vector<736x256xf32>
    %gt3A_11 = arith.cmpf ogt, %add3A_9, %gt3A_10 : vector<736x256xf32>
    %mul3A = arith.constant 0.00999999977 : f32
    %mul3A_12 = vector.broadcast %mul3A : f32 to vector<736x256xf32>
    %mul3A_13 = arith.mulf %mul3A_12, %add3A_9 : vector<736x256xf32>
    %select_n3A = arith.select %gt3A_11, %add3A_9, %mul3A_13 : vector<736x256xi1>, vector<736x256xf32>
    %get3A_14 = arith.constant 0 : index
    %get3A_15 = arith.constant 0 : index
    %get3A_16 = vector.load %arg4[%get3A_14, %get3A_15] : memref<256x256xf32, #tpu.memory_space<vmem>>, vector<256x256xf32>
    %dot_general3A_17 = arith.constant dense<0.000000e+00> : vector<736x256xf32>
    %dot_general3A_18 = tpu.matmul %select_n3A, %get3A_16, %dot_general3A_17 {dimension_numbers = #tpu.dot_dimension_numbers<[1], [0], [0], [1], [0, 0, 1, 1], [], []>, transpose_lhs_hint = false} : vector<736x256xf32>, vector<256x256xf32>, vector<736x256xf32> -> vector<736x256xf32>
    %get3A_19 = arith.constant 0 : index
    %get3A_20 = arith.constant 0 : index
    %get3A_21 = vector.load %arg5[%get3A_19, %get3A_20] : memref<1x256xf32, #tpu.memory_space<vmem>>, vector<1x256xf32>
    %add3A_22 = vector.broadcast %get3A_21 : vector<1x256xf32> to vector<736x256xf32>
    %add3A_23 = arith.addf %dot_general3A_18, %add3A_22 : vector<736x256xf32>
    %gt3A_24 = arith.constant 0.000000e+00 : f32
    %gt3A_25 = vector.broadcast %gt3A_24 : f32 to vector<736x256xf32>
    %gt3A_26 = arith.cmpf ogt, %add3A_23, %gt3A_25 : vector<736x256xf32>
    %mul3A_27 = arith.constant 0.00999999977 : f32
    %mul3A_28 = vector.broadcast %mul3A_27 : f32 to vector<736x256xf32>
    %mul3A_29 = arith.mulf %mul3A_28, %add3A_23 : vector<736x256xf32>
    %select_n3A_30 = arith.select %gt3A_26, %add3A_23, %mul3A_29 : vector<736x256xi1>, vector<736x256xf32>
    %get3A_31 = arith.constant 0 : index
    %get3A_32 = arith.constant 0 : index
    %get3A_33 = vector.load %arg6[%get3A_31, %get3A_32] : memref<256x16xf32, #tpu.memory_space<vmem>>, vector<256x16xf32>
    %dot_general3A_34 = arith.constant dense<0.000000e+00> : vector<736x16xf32>
    %dot_general3A_35 = tpu.matmul %select_n3A_30, %get3A_33, %dot_general3A_34 {dimension_numbers = #tpu.dot_dimension_numbers<[1], [0], [0], [1], [0, 0, 1, 1], [], []>, transpose_lhs_hint = false} : vector<736x256xf32>, vector<256x16xf32>, vector<736x16xf32> -> vector<736x16xf32>
    %get3A_36 = arith.constant 0 : index
    %get3A_37 = arith.constant 0 : index
    %get3A_38 = vector.load %arg7[%get3A_36, %get3A_37] : memref<1x16xf32, #tpu.memory_space<vmem>>, vector<1x16xf32>
    %add3A_39 = vector.broadcast %get3A_38 : vector<1x16xf32> to vector<736x16xf32>
    %add3A_40 = arith.addf %dot_general3A_35, %add3A_39 : vector<736x16xf32>
    %swap3A = arith.constant 0 : index
    %swap3A_41 = arith.constant 0 : index
    %swap3A_42 = vector.load %arg8[%swap3A, %swap3A_41] : memref<736x16xf32, #tpu.memory_space<vmem>>, vector<736x16xf32>
    tpu.vector_store %arg8[%swap3A, %swap3A_41], %add3A_40 {strides = array<i32>} : memref<736x16xf32, #tpu.memory_space<vmem>>, vector<736x16xf32>,
    return
  }
  func.func @transform_0(%arg0: i32) -> (i32, i32) {
    %c0_i32 = arith.constant 0 : i32
    %c0_i32_0 = arith.constant 0 : i32
    return %arg0, %c0_i32 : i32, i32
  }
  func.func @transform_1(%arg0: i32) -> (i32, i32) {
    %c0_i32 = arith.constant 0 : i32
    %c0_i32_0 = arith.constant 0 : i32
    %c0_i32_1 = arith.constant 0 : i32
    return %c0_i32, %c0_i32_0 : i32, i32
  }
  func.func @transform_2(%arg0: i32) -> (i32, i32) {
    %c0_i32 = arith.constant 0 : i32
    %c0_i32_0 = arith.constant 0 : i32
    %c0_i32_1 = arith.constant 0 : i32
    return %c0_i32, %c0_i32_0 : i32, i32
  }
  func.func @transform_3(%arg0: i32) -> (i32, i32) {
    %c0_i32 = arith.constant 0 : i32
    %c0_i32_0 = arith.constant 0 : i32
    %c0_i32_1 = arith.constant 0 : i32
    return %c0_i32, %c0_i32_0 : i32, i32
  }
  func.func @transform_4(%arg0: i32) -> (i32, i32) {
    %c0_i32 = arith.constant 0 : i32
    %c0_i32_0 = arith.constant 0 : i32
    %c0_i32_1 = arith.constant 0 : i32
    return %c0_i32, %c0_i32_0 : i32, i32
  }
  func.func @transform_5(%arg0: i32) -> (i32, i32) {
    %c0_i32 = arith.constant 0 : i32
    %c0_i32_0 = arith.constant 0 : i32
    %c0_i32_1 = arith.constant 0 : i32
    return %c0_i32, %c0_i32_0 : i32, i32
  }
  func.func @transform_6(%arg0: i32) -> (i32, i32) {
    %c0_i32 = arith.constant 0 : i32
    %c0_i32_0 = arith.constant 0 : i32
    %c0_i32_1 = arith.constant 0 : i32
    return %c0_i32, %c0_i32_0 : i32, i32
  }
  func.func @transform_7(%arg0: i32) -> (i32, i32) {
    %c0_i32 = arith.constant 0 : i32
    %c0_i32_0 = arith.constant 0 : i32
    return %arg0, %c0_i32 : i32, i32
  }
}

</mosaic_0001>

<sc_bundles>
// kernel: kernel.13.cloned.1.call-start
scs
__scs_entry_jumppad:
0x0: {  	(pc) =	sbr.rel $0x88, $3  }
0x1: {  	(tag) =	ssettag $0x0;
	lr =	simm.s32 $0x1  }
0x2: {  	[smem:$0x3F68] =	sst lr;
	_ =	strace $0xD0000000  }
0x3: {  	_ = 	snop  }
0x4: {  	_ = 	snop  }
0x5: {  	_ = 	snop  }
0x6: {  	_ = 	snop  }
0x7: {  	_ = 	snop  }
__scs_overlays_trampoline_lowered:
0x8: {  	[smem:$0x3F77] =	sst s0  }
0x9: {  	[smem:$0x3F78] =	sst s1  }
0xa: {  	[smem:$0x3F79] =	sst s2  }
0xb: {  	[smem:$0x3F7A] =	sst s3  }
0xc: {  	[smem:$0x3F7B] =	sst s4  }
0xd: {  	[smem:$0x3F7C] =	sst s5  }
0xe: {  	[smem:$0x3F7D] =	sst s6  }
0xf: {  	[smem:$0x3F7E] =	sst s7  }
0x10: {  	[smem:$0x3F7F] =	sst s8  }
0x11: {  	[smem:$0x3F80] =	sst s9;
	s0 =	simm.s32 @!p0 $0x0  }
0x12: {  	s1 =	sld [smem:$0x3F66];
	s0 =	simm.s32 @p0 $0x1  }
0x13: {  	[smem:$0x3F81] =	sst s0;
	s0 =	simm.s32 @!p1 $0x0  }
0x14: {  	s2 =	sld [smem:$0x3F65];
	s0 =	simm.s32 @p1 $0x1  }
0x15: {  	[smem:$0x3F82] =	sst s0;
	s0 =	simm.s32 @!p2 $0x0  }
0x16: {  	s3 =	sld [smem:$0x3FDB];
	s0 =	simm.s32 @p2 $0x1  }
0x17: {  	s4 =	simm.s32 $0x1BF5;
	[smem:$0x3F84] =	sst s0  }
0x18: {  	s0 =	sld [smem:$0x3F67];
	_ =	swait.ge [sflag:s4], $0x0  }
0x19: {  	s7 =	sld [smem:$0x3F68]  }
0x1a: {  	s8 =	sadd.s32 $0xFFFFE003, lr  }
0x1b: {  	s9 =	sadd.s32 $0xFFFFFEF7, lr;
	s5 =	simm.s32 $0xFFFFFFFF;
	p2 =	slt.u32 s8, $0xFFFFF086  }
0x1c: {  	p1 =	slt.u32 s9, $0xF7A;
	s5 =	simm.s32 @!p2 $0x0  }
0x1d: {  	s5 =	simm.s32 @p1 $0x1;
	p0 =	seq.s32 s7, s2  }
0x1e: {  	s7 =	smul.u32 @!p0 $0xF7A, s2;
	p2 =	seq.s32 @!p0 s5, $0x0  }
0x1f: {  	s9 =	smul.u32 $0xF7A, s1;
	s8 =	simm.s32 @!p0 $0x1BF5;
	p2 =	por !p2, p0  }
0x20: {  	[sflag:s8] =	ssyncset.s32 @!p0 $0xFFFFF086;
	s6 =	sadd.s32 @!p0 s3, s7;
	s7 =	simm.s32 @!p0 $0x108  }
0x21: {  	s3 =	sadd.s32 s3, s9;
	s6 =	sadd.s32 @!p0 $0x88, s6;
	s7 =	simm.s32 @p2 $0x1082  }
0x22: {  	[simem:s7], [sflag:s8] =	dma.local @!p0 [hbm:s6], $0xF7A  }
0x23: {  	s9 =	sor.u32 $0xD0000000, s2;
	s6 =	simm.s32 $0x108;
	_ =	swait.ge @!p0 [sflag:s8], $0x0  }
0x24: {  	s3 =	sadd.s32 $0x88, s3;
	s6 =	simm.s32 @!p1 $0x1082;
	[sflag:s4] =	ssyncset.s32 $0xFFFFF086  }
0x25: {  	[simem:s6], [sflag:s4] =	dma.local [hbm:s3], $0xF7A  }
0x26: {  	[smem:$0x3F68] =	sst s1;
	(tag) =	ssettag s2;
	_ =	strace s9  }
0x27: {  	s1 =	sld [smem:$0x3F78]  }
0x28: {  	s2 =	sld [smem:$0x3F79]  }
0x29: {  	s4 =	sld [smem:$0x3F7B]  }
0x2a: {  	p0 =	seq.s32 s5, $0x0;
	s5 =	sld [smem:$0x3F7C]  }
0x2b: {  	s6 =	sld [smem:$0x3F7D]  }
0x2c: {  	s7 =	sld [smem:$0x3F7E]  }
0x2d: {  	s3 =	simm.s32 $0x108;
	s8 =	sld [smem:$0x3F7F]  }
0x2e: {  	s3 =	simm.s32 @!p0 $0x1082;
	s9 =	sld [smem:$0x3F80]  }
0x2f: {  	lr =	sadd.s32 s0, s3;
	s0 =	sld [smem:$0x3F77]  }
0x30: {  	s3 =	sld [smem:$0x3F7A]  }
0x31: {  	[smem:$0x3F83] =	sst s10  }
0x32: {  	s10 =	sld [smem:$0x3F81];
	_ =	sdelay $0x3  }
0x33: {  	p0 =	seq.s32 s10, $0x1;
	s10 =	sld [smem:$0x3F83];
	_ =	sdelay $0x3  }
0x34: {  	[smem:$0x3F83] =	sst s10  }
0x35: {  	s10 =	sld [smem:$0x3F82];
	_ =	sdelay $0x3  }
0x36: {  	p1 =	seq.s32 s10, $0x1;
	s10 =	sld [smem:$0x3F83];
	_ =	sdelay $0x3  }
0x37: {  	[smem:$0x3F83] =	sst s10  }
0x38: {  	s10 =	sld [smem:$0x3F84]  }
0x39: {  	_ = 	snop;
	(pc) =	sbr.ind lr, $3  }
0x3a: {  	_ = 	snop  }
0x3b: {  	_ = 	snop  }
0x3c: {  	p2 =	seq.s32 s10, $0x1;
	s10 =	sld [smem:$0x3F83]  }
0x3d: {  	_ =	shalt  }
0x3e: {  	_ =	shalt  }
0x3f: {  	_ =	shalt  }
0x40: {  	_ =	shalt  }
0x41: {  	_ =	shalt  }
0x42: {  	_ =	shalt  }
0x43: {  	_ =	shalt  }
0x44: {  	_ =	shalt  }
0x45: {  	_ =	shalt  }
0x46: {  	_ =	shalt  }
0x47: {  	_ =	shalt  }
0x48: {  	_ =	shalt  }
0x49: {  	_ =	shalt  }
0x4a: {  	_ =	shalt  }
0x4b: {  	_ =	shalt  }
0x4c: {  	_ =	shalt  }
0x4d: {  	_ =	shalt  }
0x4e: {  	_ =	shalt  }
0x4f: {  	_ =	shalt  }
0x50: {  	_ =	shalt  }
0x51: {  	_ =	shalt  }
0x52: {  	_ =	shalt  }
0x53: {  	_ =	shalt  }
0x54: {  	_ =	shalt  }
0x55: {  	_ =	shalt  }
0x56: {  	_ =	shalt  }
0x57: {  	_ =	shalt  }
0x58: {  	_ =	shalt  }
0x59: {  	_ =	shalt  }
0x5a: {  	_ =	shalt  }
0x5b: {  	_ =	shalt  }
0x5c: {  	_ =	shalt  }
0x5d: {  	_ =	shalt  }
0x5e: {  	_ =	shalt  }
0x5f: {  	_ =	shalt  }
0x60: {  	_ =	shalt  }
0x61: {  	_ =	shalt  }
0x62: {  	_ =	shalt  }
0x63: {  	_ =	shalt  }
0x64: {  	_ =	shalt  }
0x65: {  	_ =	shalt  }
0x66: {  	_ =	shalt  }
0x67: {  	_ =	shalt  }
0x68: {  	_ =	shalt  }
0x69: {  	_ =	shalt  }
0x6a: {  	_ =	shalt  }
0x6b: {  	_ =	shalt  }
0x6c: {  	_ =	shalt  }
0x6d: {  	_ =	shalt  }
0x6e: {  	_ =	shalt  }
0x6f: {  	_ =	shalt  }
0x70: {  	_ =	shalt  }
0x71: {  	_ =	shalt  }
0x72: {  	_ =	shalt  }
0x73: {  	_ =	shalt  }
0x74: {  	_ =	shalt  }
0x75: {  	_ =	shalt  }
0x76: {  	_ =	shalt  }
0x77: {  	_ =	shalt  }
0x78: {  	_ =	shalt  }
0x79: {  	_ =	shalt  }
0x7a: {  	_ =	shalt  }
0x7b: {  	_ =	shalt  }
0x7c: {  	_ =	shalt  }
0x7d: {  	_ =	shalt  }
0x7e: {  	_ =	shalt  }
0x7f: {  	_ =	shalt  }
0x80: {  	_ =	shalt  }
0x81: {  	_ =	shalt  }
0x82: {  	_ =	shalt  }
0x83: {  	_ =	shalt  }
0x84: {  	_ =	shalt  }
0x85: {  	_ =	shalt  }
0x86: {  	_ =	shalt  }
0x87: {  	_ =	shalt  }
.Lfunc_end0:
.L_simem_size_0:
called_computation_lowered:
.L_overlay_start_0:
0x88: {  	s2 =	sld [smem:$0x3FD9]  }
0x89: {  	s3 =	sld [smem:$0x3FFE];
	_ =	sdelay $0x1  }
0x8a: {  	s1 =	srdreg.scid  }
0x8b: {  	s0 =	sand.u32 $0x1, s1  }
0x8c: {  	s16 =	sshll.u32 s0, $0xA;
	s2 =	sadd.s32 s3, s2  }
0x8d: {  	s2 =	sadd.s32 s2, s16  }
0x8e: {  	[smem:$0x3F8F] =	sst s2  }
0x8f: {  	_ = 	snop  }
0x90: {  	(tm) =	ssettm $0x1  }
0x91: {  	s17 =	sld [smem:$0x3FFB];
	_ =	sdelay $0x3  }
0x92: {  	_ =	strace s17  }
0x93: {  	s2 =	sld [smem:$0x3FFC];
	_ =	sdelay $0x3  }
0x94: {  	_ =	strace s2  }
0x95: {  	s2 =	sld [smem:$0x3FFD];
	_ =	sdelay $0x3  }
0x96: {  	_ =	strace s2  }
0x97: {  	_ =	strace $0x8FFFFFFF  }
0x98: {  	s18 =	sld [smem:$0x3FDB];
	_ =	sdelay $0x1  }
0x99: {  	s19 =	simm.s32 $_scs_section_size  }
0x9a: {  	s4 =	simm.s32 $_size__tile_overlayer_lowered;
	s5 =	simm.s32 $_tile_overlayer_lowered  }
0x9b: {  	s22 =	simm.s32 $0x1BFF;
	s21 =	sshll.u32 s5, $0x1;
	s2 =	sadd.s32 s19, s18  }
0x9c: {  	s6 =	simm.s32 $0x0;
	s20 =	sshll.u32 s4, $0x1;
	s4 =	sadd.s32 s21, s2  }
0x9d: {  	[timem:s6], [sflag:s22] =	dma.local [hbm:s4], s20  }
0x9e: {  	_ =	swait.ge [sflag:s22], s20  }
0x9f: {  	s3 =	ssub.s32 $0x0, s20;
	[sflag:s22] =	ssyncset.done $0x0  }
0xa0: {  	[sflag:s22] =	ssyncadd.s32 s3;
	_ =	sdelay $0x1  }
0xa1: {  	s23 =	simm.s32 $0x1B8B  }
0xa2: {  	_ =	swait.ge [sflag:s23], $0x1  }
0xa3: {  	[sflag:s23] =	ssyncset.done $0x0  }
0xa4: {  	s25 =	simm.s32 $0x1B8E;
	s24 =	sld [smem:$0x3FFE];
	[sflag:s23] =	ssyncadd.s32 $0xFFFFFFFF  }
0xa5: {  	s26 =	simm.s32 $execute0_lowered;
	[smem:$0x3FD2] =	sst s25  }
0xa6: {  	s4 =	sshll.u32 s26, $0x1;
	_ =	strace $0x80000046;
	[dreg:$0x1] =	wrdreg $0xFFFFFFFF  }
0xa7: {  	s28 =	simm.s32 $_size_execute0_lowered;
	s2 =	sadd.s32 s2, s4;
	[dreg:$0x0] =	wrdreg $0x0  }
0xa8: {  	s4 =	sshll.u32 s28, $0x1;
	[dreg:$0x2] =	wrdreg s2  }
0xa9: {  	[dreg:$0x3] =	wrdreg s4  }
0xaa: {  	[dreg:$0x4] =	wrdreg $0xC0  }
0xab: {  	_ =	task [dreg:s6], $0x5FFFF  }
0xac: {  	[dreg:$0x1] =	wrdreg $0xFFFFFFFF  }
0xad: {  	[dreg:$0x0] =	wrdreg $0x60  }
0xae: {  	[dreg:$0x2] =	wrdreg s24  }
0xaf: {  	[dreg:$0x3] =	wrdreg $0x0  }
0xb0: {  	[dreg:$0x4] =	wrdreg $0x9  }
0xb1: {  	_ =	task.clear_ibuf [dreg:s6], $0x5FFFF;
	_ =	strace $0x90000046  }
0xb2: {  	s29 =	simm.s32 $0x9;
	_ =	strace $0x80000048  }
0xb3: {  	_ =	swait.ge [sflag:s29], $0x1  }
0xb4: {  	[sflag:s29] =	ssyncadd.s32 $0xFFFFFFFF  }
0xb5: {  	_ =	strace $0x90000048  }
0xb6: {  	_ =	sfence  }
0xb7: {  	s30 =	sld [smem:$0x0];
	_ =	sdelay $0x2  }
0xb8: {  	s31 =	sshll.u32 s1, $0xD;
	s1 =	sshrl.u32 s1, $0x2  }
0xb9: {  	s3 =	sand.u32 $0x4000, s31;
	s1 =	sadd.s32 s1, s30  }
0xba: {  	s0 =	sor.u32 s3, s0;
	s1 =	sshll.u32 s1, $0x11  }
0xbb: {  	s0 =	sor.u32 s1, s0  }
0xbc: {  	s0 =	sadd.s32 $0x8F2B, s0  }
0xbd: {  	[sflag:s0] =	ssyncadd.remote.s32 $0x1  }
0xbe: {  	_ =	sfence.sel $0xFFFF  }
0xbf: {  	[dreg:$0x0] =	wrdreg $0xFFFFFFFF;
	(pc) =	sbr.abs _section_cstart, $3  }
0xc0: {  	[dreg:$0x1] =	wrdreg $0xFFFFFFFF  }
0xc1: {  	_ =	task.clear_ibuf [dreg:s6], $0x2FFFF;
	_ =	strace $0x9FFFFFFF  }
0xc2: {  	(tm) =	ssettm $0x7FFFFFFF  }
0xc3: {  	_ =	shalt  }
tec
execute0_lowered:
.L_overlay_start_1:
0x0: {  	(tag) =	ssettag $0x1  }
0x1: {  	s0 =	rddreg [dreg:$0x0]  }
0x2: {  	s2 =	rddreg [dreg:$0x1]  }
0x3: {  	s10 =	stileid.u32;
	s4 =	srdreg.scid  }
0x4: {  	s3 =	simm.s32 $0x0;
	s11 =	simm.s32 $0x3;
	s12 =	simm.s32 $0x18700  }
0x5: {  	s13 =	simm.s32 $0x18900;
	s14 =	simm.s32 $0x80;
	s15 =	simm.s32 $0x18B00  }
0x6: {  	s16 =	simm.s32 $0x18780;
	s17 =	simm.s32 $0x19300;
	s18 =	simm.s32 $0x18800  }
0x7: {  	s28 =	simm.s32 $0x18A80;
	s29 =	simm.s32 $0x1C300;
	s1 =	smul.u32 $0x18700, s10  }
0x8: {  	s30 =	simm.s32 $0x1;
	s31 =	simm.s32 $0x2;
	s5 =	smul.u32 $0x32000, s10  }
0x9: {  	s4 =	sand.u32 $0x1, s4;
	[smem:$0x7FF] =	sst s3;
	s19 =	smul.u32 $0x64000, s10  }
0xa: {  	s21 =	sshll.u32 s10, $0x6;
	s7 =	smul.u32 $0x19000, s4;
	_ =	strace $0x80000047  }
0xb: {  	s8 =	ssub.s32 $0x2, s4;
	s4 =	smul.u32 $0x32000, s4;
	s22 =	sor.u32 $0x1C03, s21  }
0xc: {  	s21 =	simm.s32 $0x1A300;
	s6 =	sshrl.u32 s1, $0x3;
	s9 =	sshrl.u32 s8, $0x1  }
0xd: {  	s1 =	sadd.s32 s1, s2;
	[dreg:$0x5] =	wrdreg s22;
	s22 =	simm.s32 $0x1AB00  }
0xe: {  	s6 =	sadd.s32 s6, s0;
	s5 =	sadd.s32 s7, s5;
	s20 =	ssub.s32 s8, s9  }
0xf: {  	s26 =	sshrl.u32 s1, $0x3;
	s5 =	sshrl.u32 s5, $0x3;
	s6 =	sadd.s32 $0x1A3A00, s6  }
0x10: {  	s24 =	smax.u32 s20, $0x1;
	[dreg:$0x9] =	wrdreg s26;
	s20 =	simm.s32 $0x18880  }
0x11: {  	s26 =	simm.s32 $0x1BB00;
	s5 =	sadd.s32 s5, s0;
	[dreg:$0x4] =	wrdreg s6  }
0x12: {  	s0 =	sadd.s32 s19, s0;
	[dreg:$0x7] =	wrdreg s24;
	s19 =	simm.s32 $0x19B00  }
0x13: {  	s24 =	simm.s32 $0x1B300;
	s0 =	sadd.s32 s4, s0;
	s25 =	sadd.s32 $0x77A00, s5  }
0x14: {  	s9 =	sadd.s32 $0xDBA00, s5;
	s23 =	sadd.s32 $0x814800, s0;
	[dreg:$0x3] =	wrdreg s25  }
0x15: {  	s0 =	sadd.s32 $0x1D4800, s0;
	s25 =	simm.s32 $0x18A00;
	[dreg:$0x6] =	wrdreg s23  }
0x16: {  	[dreg:$0x8] =	wrdreg s0;
	s23 =	simm.s32 $0x18980;
	s0 =	simm.s32 $0x0  }
.LBB2_1:
0x17: {  	s1 =	rddreg [dreg:$0x4]  }
0x18: {  	s4 =	rddreg [dreg:$0x5]  }
0x19: {  	s5 =	rddreg [dreg:$0x9]  }
0x1a: {  	[spmem:s5], [sflag:s4] =	dma.local [hbm:s1], $0x30E0  }
0x1b: {  	_ =	swait.ge [sflag:s11], $0x30E0  }
0x1c: {  	[sflag:s11] =	ssyncset.done $0x0  }
0x1d: {  	[sflag:s11] =	ssyncadd.s32 $0xFFFFCF20  }
0x1e: {  	s6 =	sadd.s32 $0x0, s9;
	[bflag:$0x0] =	sbarrier.arrive $0xFFFF  }
0x1f: {  	[tilespmem:s12], [sflag:$0x3] =	stream.linear.gather [hbm4b:s6+s3], $0x200, $0x38;
	[tilespmem:$0x1CB00] =	vst v63  }
0x20: {  	_ =	swait.ge [sflag:s11], $0x200  }
0x21: {  	s7 =	rddreg [dreg:$0x3];
	[sflag:s11] =	ssyncset.done $0x0  }
0x22: {  	[sflag:s11] =	ssyncadd.s32 $0xFFFFFE00;
	s1 =	sadd.s32 $0x0, s7  }
0x23: {  	[tilespmem:s13], [sflag:$0x3] =	stream.linear.gather [hbm4b:s1+s3], $0x200, $0x38;
	[tilespmem:$0x1CB00] =	vst v63  }
0x24: {  	_ =	swait.ge [sflag:s11], $0x200  }
0x25: {  	[sflag:s11] =	ssyncset.done $0x0  }
0x26: {  	[sflag:s11] =	ssyncadd.s32 $0xFFFFFE00  }
0x27: {  	[tilespmem:s15], [sflag:$0x1] =	stream.indirect.gather [spmem:s2], $0x10, s12, s14, $0xb8;
	[tilespmem:$0x1CB00] =	vst v63  }
0x28: {  	_ = 	snop  }
0x29: {  	[tilespmem:s17], [sflag:$0x1] =	stream.indirect.gather [spmem:s2], $0x10, s16, s14, $0xb8;
	[tilespmem:$0x1CB00] =	vst v63  }
0x2a: {  	_ = 	snop  }
0x2b: {  	[tilespmem:s19], [sflag:$0x1] =	stream.indirect.gather [spmem:s2], $0x10, s18, s14, $0xb8;
	[tilespmem:$0x1CB00] =	vst v63  }
0x2c: {  	_ = 	snop  }
0x2d: {  	[tilespmem:s21], [sflag:$0x1] =	stream.indirect.gather [spmem:s2], $0x10, s20, s14, $0xb8;
	[tilespmem:$0x1CB00] =	vst v63  }
0x2e: {  	_ = 	snop  }
0x2f: {  	[tilespmem:s22], [sflag:$0x2] =	stream.indirect.gather [spmem:s2], $0x10, s13, s14, $0xb8;
	[tilespmem:$0x1CB00] =	vst v63  }
0x30: {  	_ = 	snop  }
0x31: {  	[tilespmem:s24], [sflag:$0x2] =	stream.indirect.gather [spmem:s2], $0x10, s23, s14, $0xb8;
	[tilespmem:$0x1CB00] =	vst v63  }
0x32: {  	_ = 	snop  }
0x33: {  	[tilespmem:s26], [sflag:$0x2] =	stream.indirect.gather [spmem:s2], $0x10, s25, s14, $0xb8;
	[tilespmem:$0x1CB00] =	vst v63  }
0x34: {  	_ = 	snop  }
0x35: {  	[tilespmem:s29], [sflag:$0x2] =	stream.indirect.gather [spmem:s2], $0x10, s28, s14, $0xb8;
	[tilespmem:$0x1CB00] =	vst v63  }
0x36: {  	_ =	swait.ge [sflag:s30], $0x800  }
0x37: {  	[sflag:s30] =	ssyncset.done $0x0  }
0x38: {  	[sflag:s30] =	ssyncadd.s32 $0xFFFFF800  }
0x39: {  	_ =	swait.ge [sflag:s30], $0x800  }
0x3a: {  	[sflag:s30] =	ssyncset.done $0x0  }
0x3b: {  	[sflag:s30] =	ssyncadd.s32 $0xFFFFF800  }
0x3c: {  	_ =	swait.ge [sflag:s30], $0x800  }
0x3d: {  	[sflag:s30] =	ssyncset.done $0x0  }
0x3e: {  	[sflag:s30] =	ssyncadd.s32 $0xFFFFF800  }
0x3f: {  	_ =	swait.ge [sflag:s30], $0x800  }
0x40: {  	[sflag:s30] =	ssyncset.done $0x0  }
0x41: {  	[sflag:s30] =	ssyncadd.s32 $0xFFFFF800  }
0x42: {  	_ =	swait.ge [sflag:s31], $0x800  }
0x43: {  	[sflag:s31] =	ssyncset.done $0x0  }
0x44: {  	[sflag:s31] =	ssyncadd.s32 $0xFFFFF800  }
0x45: {  	_ =	swait.ge [sflag:s31], $0x800  }
0x46: {  	[sflag:s31] =	ssyncset.done $0x0  }
0x47: {  	[sflag:s31] =	ssyncadd.s32 $0xFFFFF800  }
0x48: {  	_ =	swait.ge [sflag:s31], $0x800  }
0x49: {  	[sflag:s31] =	ssyncset.done $0x0  }
0x4a: {  	[sflag:s31] =	ssyncadd.s32 $0xFFFFF800  }
0x4b: {  	_ =	swait.ge [sflag:s31], $0x800  }
0x4c: {  	[sflag:s31] =	ssyncset.done $0x0  }
0x4d: {  	s8 =	rddreg [dreg:$0x8];
	[sflag:s31] =	ssyncadd.s32 $0xFFFFF800  }
0x4e: {  	[hbm4b:s8+s3] =	stream.linear.scatter [tilespmem:s15], [sflag:$0x3], $0x2000, $0x38;
	[tilespmem:$0x1CB00] =	vst v63  }
0x4f: {  	_ =	swait.ge [sflag:s11], $0x2000  }
0x50: {  	[sflag:s11] =	ssyncset.done $0x0  }
0x51: {  	s10 =	rddreg [dreg:$0x6];
	[sflag:s11] =	ssyncadd.s32 $0xFFFFE000  }
0x52: {  	[hbm4b:s10+s3] =	stream.linear.scatter [tilespmem:s22], [sflag:$0x3], $0x2000, $0x38;
	[tilespmem:$0x1CB00] =	vst v63  }
0x53: {  	s5 =	simm.s32 $0x40;
	s7 =	simm.s32 $0x80;
	_ =	swait.ge [sflag:s11], $0x2000  }
0x54: {  	s4 =	sadd.s32 $0x400, s8;
	s1 =	sadd.s32 $0x400, s10;
	[sflag:s11] =	ssyncset.done $0x0  }
.LBB2_2:
0x55: {  	s6 =	sadd.s32 s5, s9;
	[sflag:s11] =	ssyncadd.s32 $0xFFFFE000  }
0x56: {  	[tilespmem:s12], [sflag:$0x3] =	stream.linear.gather [hbm4b:s6+s3], $0x200, $0x38;
	[tilespmem:$0x1CB00] =	vst v63  }
0x57: {  	s8 =	smov.u32 s7;
	s10 =	sadd.s32 $0x40, s7;
	_ =	swait.ge [sflag:s11], $0x200  }
0x58: {  	p0 =	sne.s32 s7, $0x31C0;
	s7 =	rddreg [dreg:$0x3];
	[sflag:s11] =	ssyncset.done $0x0  }
0x59: {  	[sflag:s11] =	ssyncadd.s32 $0xFFFFFE00;
	s6 =	sadd.s32 s5, s7  }
0x5a: {  	[tilespmem:s13], [sflag:$0x3] =	stream.linear.gather [hbm4b:s6+s3], $0x200, $0x38;
	[tilespmem:$0x1CB00] =	vst v63  }
0x5b: {  	_ =	swait.ge [sflag:s11], $0x200  }
0x5c: {  	[sflag:s11] =	ssyncset.done $0x0  }
0x5d: {  	[sflag:s11] =	ssyncadd.s32 $0xFFFFFE00  }
0x5e: {  	[tilespmem:s15], [sflag:$0x1] =	stream.indirect.gather [spmem:s2], $0x10, s12, s14, $0xb8;
	[tilespmem:$0x1CB00] =	vst v63  }
0x5f: {  	_ = 	snop  }
0x60: {  	[tilespmem:s17], [sflag:$0x1] =	stream.indirect.gather [spmem:s2], $0x10, s16, s14, $0xb8;
	[tilespmem:$0x1CB00] =	vst v63  }
0x61: {  	_ = 	snop  }
0x62: {  	[tilespmem:s19], [sflag:$0x1] =	stream.indirect.gather [spmem:s2], $0x10, s18, s14, $0xb8;
	[tilespmem:$0x1CB00] =	vst v63  }
0x63: {  	_ = 	snop  }
0x64: {  	[tilespmem:s21], [sflag:$0x1] =	stream.indirect.gather [spmem:s2], $0x10, s20, s14, $0xb8;
	[tilespmem:$0x1CB00] =	vst v63  }
0x65: {  	_ = 	snop  }
0x66: {  	[tilespmem:s22], [sflag:$0x2] =	stream.indirect.gather [spmem:s2], $0x10, s13, s14, $0xb8;
	[tilespmem:$0x1CB00] =	vst v63  }
0x67: {  	_ = 	snop  }
0x68: {  	[tilespmem:s24], [sflag:$0x2] =	stream.indirect.gather [spmem:s2], $0x10, s23, s14, $0xb8;
	[tilespmem:$0x1CB00] =	vst v63  }
0x69: {  	_ = 	snop  }
0x6a: {  	[tilespmem:s26], [sflag:$0x2] =	stream.indirect.gather [spmem:s2], $0x10, s25, s14, $0xb8;
	[tilespmem:$0x1CB00] =	vst v63  }
0x6b: {  	_ = 	snop  }
0x6c: {  	[tilespmem:s29], [sflag:$0x2] =	stream.indirect.gather [spmem:s2], $0x10, s28, s14, $0xb8;
	[tilespmem:$0x1CB00] =	vst v63  }
0x6d: {  	_ =	swait.ge [sflag:s30], $0x800  }
0x6e: {  	[sflag:s30] =	ssyncset.done $0x0  }
0x6f: {  	[sflag:s30] =	ssyncadd.s32 $0xFFFFF800  }
0x70: {  	_ =	swait.ge [sflag:s30], $0x800  }
0x71: {  	[sflag:s30] =	ssyncset.done $0x0  }
0x72: {  	[sflag:s30] =	ssyncadd.s32 $0xFFFFF800  }
0x73: {  	_ =	swait.ge [sflag:s30], $0x800  }
0x74: {  	[sflag:s30] =	ssyncset.done $0x0  }
0x75: {  	[sflag:s30] =	ssyncadd.s32 $0xFFFFF800  }
0x76: {  	_ =	swait.ge [sflag:s30], $0x800  }
0x77: {  	[sflag:s30] =	ssyncset.done $0x0  }
0x78: {  	[sflag:s30] =	ssyncadd.s32 $0xFFFFF800  }
0x79: {  	_ =	swait.ge [sflag:s31], $0x800  }
0x7a: {  	[sflag:s31] =	ssyncset.done $0x0  }
0x7b: {  	[sflag:s31] =	ssyncadd.s32 $0xFFFFF800  }
0x7c: {  	_ =	swait.ge [sflag:s31], $0x800  }
0x7d: {  	[sflag:s31] =	ssyncset.done $0x0  }
0x7e: {  	[sflag:s31] =	ssyncadd.s32 $0xFFFFF800  }
0x7f: {  	_ =	swait.ge [sflag:s31], $0x800  }
0x80: {  	[sflag:s31] =	ssyncset.done $0x0  }
0x81: {  	[sflag:s31] =	ssyncadd.s32 $0xFFFFF800  }
0x82: {  	_ =	swait.ge [sflag:s31], $0x800  }
0x83: {  	[sflag:s31] =	ssyncset.done $0x0  }
0x84: {  	[sflag:s31] =	ssyncadd.s32 $0xFFFFF800  }
0x85: {  	[hbm4b:s4+s3] =	stream.linear.scatter [tilespmem:s15], [sflag:$0x3], $0x2000, $0x38;
	[tilespmem:$0x1CB00] =	vst v63  }
0x86: {  	_ =	swait.ge [sflag:s11], $0x2000  }
.Ltmp0:
0x87: {  	[sflag:s11] =	ssyncset.done $0x0;
	(pc) =	sbr.rel @p0 .LBB2_2-.Ltmp0, $4  }
0x88: {  	[sflag:s11] =	ssyncadd.s32 $0xFFFFE000  }
0x89: {  	[hbm4b:s1+s3] =	stream.linear.scatter [tilespmem:s22], [sflag:$0x3], $0x2000, $0x38;
	[tilespmem:$0x1CB00] =	vst v63  }
0x8a: {  	s5 =	smov.u32 s8;
	s7 =	smov.u32 s10;
	_ =	swait.ge [sflag:s11], $0x2000  }
0x8b: {  	s4 =	sadd.s32 $0x400, s4;
	s1 =	sadd.s32 $0x400, s1;
	[sflag:s11] =	ssyncset.done $0x0  }
0x8c: {  	s6 =	sadd.s32 s5, s9;
	[sflag:s11] =	ssyncadd.s32 $0xFFFFE000  }
0x8d: {  	[tilespmem:s12], [sflag:$0x3] =	stream.linear.gather [hbm4b:s6+s3], $0x200, $0x38;
	[tilespmem:$0x1CB00] =	vst v63  }
0x8e: {  	_ =	swait.ge [sflag:s11], $0x200  }
0x8f: {  	s7 =	rddreg [dreg:$0x3];
	[sflag:s11] =	ssyncset.done $0x0  }
0x90: {  	s8 =	sadd.s32 s5, s7;
	[sflag:s11] =	ssyncadd.s32 $0xFFFFFE00  }
0x91: {  	[tilespmem:s13], [sflag:$0x3] =	stream.linear.gather [hbm4b:s8+s3], $0x200, $0x38;
	[tilespmem:$0x1CB00] =	vst v63  }
0x92: {  	_ =	swait.ge [sflag:s11], $0x200  }
0x93: {  	[sflag:s11] =	ssyncset.done $0x0  }
0x94: {  	[sflag:s11] =	ssyncadd.s32 $0xFFFFFE00  }
0x95: {  	[tilespmem:s15], [sflag:$0x1] =	stream.indirect.gather [spmem:s2], $0x10, s12, s14, $0xb8;
	[tilespmem:$0x1CB00] =	vst v63  }
0x96: {  	_ = 	snop  }
0x97: {  	[tilespmem:s17], [sflag:$0x1] =	stream.indirect.gather [spmem:s2], $0x10, s16, s14, $0xb8;
	[tilespmem:$0x1CB00] =	vst v63  }
0x98: {  	_ = 	snop  }
0x99: {  	[tilespmem:s19], [sflag:$0x1] =	stream.indirect.gather [spmem:s2], $0x10, s18, s14, $0xb8;
	[tilespmem:$0x1CB00] =	vst v63  }
0x9a: {  	_ = 	snop  }
0x9b: {  	[tilespmem:s21], [sflag:$0x1] =	stream.indirect.gather [spmem:s2], $0x10, s20, s14, $0xb8;
	[tilespmem:$0x1CB00] =	vst v63  }
0x9c: {  	_ = 	snop  }
0x9d: {  	[tilespmem:s22], [sflag:$0x2] =	stream.indirect.gather [spmem:s2], $0x10, s13, s14, $0xb8;
	[tilespmem:$0x1CB00] =	vst v63  }
0x9e: {  	_ = 	snop  }
0x9f: {  	[tilespmem:s24], [sflag:$0x2] =	stream.indirect.gather [spmem:s2], $0x10, s23, s14, $0xb8;
	[tilespmem:$0x1CB00] =	vst v63  }
0xa0: {  	_ = 	snop  }
0xa1: {  	[tilespmem:s26], [sflag:$0x2] =	stream.indirect.gather [spmem:s2], $0x10, s25, s14, $0xb8;
	[tilespmem:$0x1CB00] =	vst v63  }
0xa2: {  	_ = 	snop  }
0xa3: {  	[tilespmem:s29], [sflag:$0x2] =	stream.indirect.gather [spmem:s2], $0x10, s28, s14, $0xb8;
	[tilespmem:$0x1CB00] =	vst v63  }
0xa4: {  	_ =	swait.ge [sflag:s30], $0x800  }
0xa5: {  	[sflag:s30] =	ssyncset.done $0x0  }
0xa6: {  	[sflag:s30] =	ssyncadd.s32 $0xFFFFF800  }
0xa7: {  	_ =	swait.ge [sflag:s30], $0x800  }
0xa8: {  	[sflag:s30] =	ssyncset.done $0x0  }
0xa9: {  	[sflag:s30] =	ssyncadd.s32 $0xFFFFF800  }
0xaa: {  	_ =	swait.ge [sflag:s30], $0x800  }
0xab: {  	[sflag:s30] =	ssyncset.done $0x0  }
0xac: {  	[sflag:s30] =	ssyncadd.s32 $0xFFFFF800  }
0xad: {  	_ =	swait.ge [sflag:s30], $0x800  }
0xae: {  	[sflag:s30] =	ssyncset.done $0x0  }
0xaf: {  	[sflag:s30] =	ssyncadd.s32 $0xFFFFF800  }
0xb0: {  	_ =	swait.ge [sflag:s31], $0x800  }
0xb1: {  	[sflag:s31] =	ssyncset.done $0x0  }
0xb2: {  	[sflag:s31] =	ssyncadd.s32 $0xFFFFF800  }
0xb3: {  	_ =	swait.ge [sflag:s31], $0x800  }
0xb4: {  	[sflag:s31] =	ssyncset.done $0x0  }
0xb5: {  	[sflag:s31] =	ssyncadd.s32 $0xFFFFF800  }
0xb6: {  	_ =	swait.ge [sflag:s31], $0x800  }
0xb7: {  	[sflag:s31] =	ssyncset.done $0x0  }
0xb8: {  	[sflag:s31] =	ssyncadd.s32 $0xFFFFF800  }
0xb9: {  	_ =	swait.ge [sflag:s31], $0x800  }
0xba: {  	[sflag:s31] =	ssyncset.done $0x0  }
0xbb: {  	[sflag:s31] =	ssyncadd.s32 $0xFFFFF800  }
0xbc: {  	[hbm4b:s4+s3] =	stream.linear.scatter [tilespmem:s15], [sflag:$0x3], $0x2000, $0x38;
	[tilespmem:$0x1CB00] =	vst v63  }
0xbd: {  	_ =	swait.ge [sflag:s11], $0x2000  }
0xbe: {  	[sflag:s11] =	ssyncset.done $0x0  }
0xbf: {  	[sflag:s11] =	ssyncadd.s32 $0xFFFFE000  }
0xc0: {  	[hbm4b:s1+s3] =	stream.linear.scatter [tilespmem:s22], [sflag:$0x3], $0x2000, $0x38;
	[tilespmem:$0x1CB00] =	vst v63  }
0xc1: {  	_ =	swait.ge [sflag:s11], $0x2000  }
0xc2: {  	s0 =	sadd.s32 $0x1, s0;
	s10 =	rddreg [dreg:$0x7]  }
0xc3: {  	p0 =	sne.s32 s0, s10  }
.Ltmp1:
0xc4: {  	_ = 	snop;
	(pc) =	sbr.rel @p0 .LBB2_1-.Ltmp1, $3  }
0xc5: {  	_ =	sdelay $0x1  }
0xc6: {  	[sflag:s11] =	ssyncset.done $0x0  }
0xc7: {  	[sflag:s11] =	ssyncadd.s32 $0xFFFFE000  }
0xc8: {  	_ =	sfence.sel $0x180000  }
0xc9: {  	[bflag:$0x0] =	sbarrier.arrive $0xFFFF  }
0xca: {  	_ =	strace $0x90000047  }
0xcb: {  	s0 =	stileid.u32;
	[bflag:$0x2] =	sbarrier.arrive $0xFFFF  }
0xcc: {  	p0 =	sne.s32 s0, $0x0;
	s0 =	rddreg [dreg:$0x2]  }
0xcd: {  	s0 =	sadd.s32 @!p0 $0x100000, s0  }
0xce: {  	[sflag:s0] =	ssyncadd.tile.s32 @!p0 $0x1;
	_ =	shalt  }
.Lfunc_end2:
_tile_overlayer_lowered:
.L_overlay_start_2:
0xcf: {  	(tag) =	ssettag $0x2  }
0xd0: {  	s0 =	rddreg [dreg:$0x0];
	s2 =	stileid.u32  }
0xd1: {  	s1 =	rddreg [dreg:$0x1];
	p0 =	sne.s32 s2, $0x0  }
0xd2: {  	s3 =	rddreg [dreg:$0x2];
	[bflag:$0x3] =	sbarrier.arrive $0xFFFF;
	s2 =	simm.s32 @!p0 $0x1C03  }
0xd3: {  	[timem:s3], [sflag:s2] =	dma.local @!p0 [hbm:s0], s1  }
0xd4: {  	s0 =	simm.s32 @!p0 $0x3  }
0xd5: {  	_ =	swait.ge @!p0 [sflag:s0], s1  }
0xd6: {  	s1 =	ssub.s32 @!p0 $0x0, s1;
	[sflag:s0] =	ssyncset.done @!p0 $0x0  }
0xd7: {  	[sflag:s0] =	ssyncadd.s32 @!p0 s1  }
0xd8: {  	[bflag:$0x3] =	sbarrier.arrive $0xFFFF  }
0xd9: {  	_ =	shalt  }

// kernel: kernel.16.cloned.1.call-start
scs
__scs_entry_jumppad:
0x0: {  	(pc) =	sbr.rel $0x88, $3  }
0x1: {  	(tag) =	ssettag $0x0;
	lr =	simm.s32 $0x1  }
0x2: {  	[smem:$0x3F68] =	sst lr;
	_ =	strace $0xD0000000  }
0x3: {  	_ = 	snop  }
0x4: {  	_ = 	snop  }
0x5: {  	_ = 	snop  }
0x6: {  	_ = 	snop  }
0x7: {  	_ = 	snop  }
__scs_overlays_trampoline_lowered:
0x8: {  	[smem:$0x3F77] =	sst s0  }
0x9: {  	[smem:$0x3F78] =	sst s1  }
0xa: {  	[smem:$0x3F79] =	sst s2  }
0xb: {  	[smem:$0x3F7A] =	sst s3  }
0xc: {  	[smem:$0x3F7B] =	sst s4  }
0xd: {  	[smem:$0x3F7C] =	sst s5  }
0xe: {  	[smem:$0x3F7D] =	sst s6  }
0xf: {  	[smem:$0x3F7E] =	sst s7  }
0x10: {  	[smem:$0x3F7F] =	sst s8  }
0x11: {  	[smem:$0x3F80] =	sst s9;
	s0 =	simm.s32 @!p0 $0x0  }
0x12: {  	s1 =	sld [smem:$0x3F66];
	s0 =	simm.s32 @p0 $0x1  }
0x13: {  	[smem:$0x3F81] =	sst s0;
	s0 =	simm.s32 @!p1 $0x0  }
0x14: {  	s2 =	sld [smem:$0x3F65];
	s0 =	simm.s32 @p1 $0x1  }
0x15: {  	[smem:$0x3F82] =	sst s0;
	s0 =	simm.s32 @!p2 $0x0  }
0x16: {  	s3 =	sld [smem:$0x3FDB];
	s0 =	simm.s32 @p2 $0x1  }
0x17: {  	s4 =	simm.s32 $0x1BF5;
	[smem:$0x3F84] =	sst s0  }
0x18: {  	s0 =	sld [smem:$0x3F67];
	_ =	swait.ge [sflag:s4], $0x0  }
0x19: {  	s7 =	sld [smem:$0x3F68]  }
0x1a: {  	s8 =	sadd.s32 $0xFFFFE003, lr  }
0x1b: {  	s9 =	sadd.s32 $0xFFFFFEF7, lr;
	s5 =	simm.s32 $0xFFFFFFFF;
	p2 =	slt.u32 s8, $0xFFFFF086  }
0x1c: {  	p1 =	slt.u32 s9, $0xF7A;
	s5 =	simm.s32 @!p2 $0x0  }
0x1d: {  	s5 =	simm.s32 @p1 $0x1;
	p0 =	seq.s32 s7, s2  }
0x1e: {  	s7 =	smul.u32 @!p0 $0xF7A, s2;
	p2 =	seq.s32 @!p0 s5, $0x0  }
0x1f: {  	s9 =	smul.u32 $0xF7A, s1;
	s8 =	simm.s32 @!p0 $0x1BF5;
	p2 =	por !p2, p0  }
0x20: {  	[sflag:s8] =	ssyncset.s32 @!p0 $0xFFFFF086;
	s6 =	sadd.s32 @!p0 s3, s7;
	s7 =	simm.s32 @!p0 $0x108  }
0x21: {  	s3 =	sadd.s32 s3, s9;
	s6 =	sadd.s32 @!p0 $0x88, s6;
	s7 =	simm.s32 @p2 $0x1082  }
0x22: {  	[simem:s7], [sflag:s8] =	dma.local @!p0 [hbm:s6], $0xF7A  }
0x23: {  	s9 =	sor.u32 $0xD0000000, s2;
	s6 =	simm.s32 $0x108;
	_ =	swait.ge @!p0 [sflag:s8], $0x0  }
0x24: {  	s3 =	sadd.s32 $0x88, s3;
	s6 =	simm.s32 @!p1 $0x1082;
	[sflag:s4] =	ssyncset.s32 $0xFFFFF086  }
0x25: {  	[simem:s6], [sflag:s4] =	dma.local [hbm:s3], $0xF7A  }
0x26: {  	[smem:$0x3F68] =	sst s1;
	(tag) =	ssettag s2;
	_ =	strace s9  }
0x27: {  	s1 =	sld [smem:$0x3F78]  }
0x28: {  	s2 =	sld [smem:$0x3F79]  }
0x29: {  	s4 =	sld [smem:$0x3F7B]  }
0x2a: {  	p0 =	seq.s32 s5, $0x0;
	s5 =	sld [smem:$0x3F7C]  }
0x2b: {  	s6 =	sld [smem:$0x3F7D]  }
0x2c: {  	s7 =	sld [smem:$0x3F7E]  }
0x2d: {  	s3 =	simm.s32 $0x108;
	s8 =	sld [smem:$0x3F7F]  }
0x2e: {  	s3 =	simm.s32 @!p0 $0x1082;
	s9 =	sld [smem:$0x3F80]  }
0x2f: {  	lr =	sadd.s32 s0, s3;
	s0 =	sld [smem:$0x3F77]  }
0x30: {  	s3 =	sld [smem:$0x3F7A]  }
0x31: {  	[smem:$0x3F83] =	sst s10  }
0x32: {  	s10 =	sld [smem:$0x3F81];
	_ =	sdelay $0x3  }
0x33: {  	p0 =	seq.s32 s10, $0x1;
	s10 =	sld [smem:$0x3F83];
	_ =	sdelay $0x3  }
0x34: {  	[smem:$0x3F83] =	sst s10  }
0x35: {  	s10 =	sld [smem:$0x3F82];
	_ =	sdelay $0x3  }
0x36: {  	p1 =	seq.s32 s10, $0x1;
	s10 =	sld [smem:$0x3F83];
	_ =	sdelay $0x3  }
0x37: {  	[smem:$0x3F83] =	sst s10  }
0x38: {  	s10 =	sld [smem:$0x3F84]  }
0x39: {  	_ = 	snop;
	(pc) =	sbr.ind lr, $3  }
0x3a: {  	_ = 	snop  }
0x3b: {  	_ = 	snop  }
0x3c: {  	p2 =	seq.s32 s10, $0x1;
	s10 =	sld [smem:$0x3F83]  }
0x3d: {  	_ =	shalt  }
0x3e: {  	_ =	shalt  }
0x3f: {  	_ =	shalt  }
0x40: {  	_ =	shalt  }
0x41: {  	_ =	shalt  }
0x42: {  	_ =	shalt  }
0x43: {  	_ =	shalt  }
0x44: {  	_ =	shalt  }
0x45: {  	_ =	shalt  }
0x46: {  	_ =	shalt  }
0x47: {  	_ =	shalt  }
0x48: {  	_ =	shalt  }
0x49: {  	_ =	shalt  }
0x4a: {  	_ =	shalt  }
0x4b: {  	_ =	shalt  }
0x4c: {  	_ =	shalt  }
0x4d: {  	_ =	shalt  }
0x4e: {  	_ =	shalt  }
0x4f: {  	_ =	shalt  }
0x50: {  	_ =	shalt  }
0x51: {  	_ =	shalt  }
0x52: {  	_ =	shalt  }
0x53: {  	_ =	shalt  }
0x54: {  	_ =	shalt  }
0x55: {  	_ =	shalt  }
0x56: {  	_ =	shalt  }
0x57: {  	_ =	shalt  }
0x58: {  	_ =	shalt  }
0x59: {  	_ =	shalt  }
0x5a: {  	_ =	shalt  }
0x5b: {  	_ =	shalt  }
0x5c: {  	_ =	shalt  }
0x5d: {  	_ =	shalt  }
0x5e: {  	_ =	shalt  }
0x5f: {  	_ =	shalt  }
0x60: {  	_ =	shalt  }
0x61: {  	_ =	shalt  }
0x62: {  	_ =	shalt  }
0x63: {  	_ =	shalt  }
0x64: {  	_ =	shalt  }
0x65: {  	_ =	shalt  }
0x66: {  	_ =	shalt  }
0x67: {  	_ =	shalt  }
0x68: {  	_ =	shalt  }
0x69: {  	_ =	shalt  }
0x6a: {  	_ =	shalt  }
0x6b: {  	_ =	shalt  }
0x6c: {  	_ =	shalt  }
0x6d: {  	_ =	shalt  }
0x6e: {  	_ =	shalt  }
0x6f: {  	_ =	shalt  }
0x70: {  	_ =	shalt  }
0x71: {  	_ =	shalt  }
0x72: {  	_ =	shalt  }
0x73: {  	_ =	shalt  }
0x74: {  	_ =	shalt  }
0x75: {  	_ =	shalt  }
0x76: {  	_ =	shalt  }
0x77: {  	_ =	shalt  }
0x78: {  	_ =	shalt  }
0x79: {  	_ =	shalt  }
0x7a: {  	_ =	shalt  }
0x7b: {  	_ =	shalt  }
0x7c: {  	_ =	shalt  }
0x7d: {  	_ =	shalt  }
0x7e: {  	_ =	shalt  }
0x7f: {  	_ =	shalt  }
0x80: {  	_ =	shalt  }
0x81: {  	_ =	shalt  }
0x82: {  	_ =	shalt  }
0x83: {  	_ =	shalt  }
0x84: {  	_ =	shalt  }
0x85: {  	_ =	shalt  }
0x86: {  	_ =	shalt  }
0x87: {  	_ =	shalt  }
.Lfunc_end0:
.L_simem_size_0:
called_computation.1_lowered:
.L_overlay_start_0:
0x88: {  	s2 =	sld [smem:$0x3FD9]  }
0x89: {  	s3 =	sld [smem:$0x3FFE];
	_ =	sdelay $0x1  }
0x8a: {  	s1 =	srdreg.scid  }
0x8b: {  	s0 =	sand.u32 $0x1, s1  }
0x8c: {  	s16 =	sshll.u32 s0, $0xA;
	s2 =	sadd.s32 s3, s2  }
0x8d: {  	s2 =	sadd.s32 s2, s16  }
0x8e: {  	[smem:$0x3F8F] =	sst s2  }
0x8f: {  	_ = 	snop  }
0x90: {  	(tm) =	ssettm $0x1  }
0x91: {  	s17 =	sld [smem:$0x3FFB];
	_ =	sdelay $0x3  }
0x92: {  	_ =	strace s17  }
0x93: {  	s2 =	sld [smem:$0x3FFC];
	_ =	sdelay $0x3  }
0x94: {  	_ =	strace s2  }
0x95: {  	s2 =	sld [smem:$0x3FFD];
	_ =	sdelay $0x3  }
0x96: {  	_ =	strace s2  }
0x97: {  	_ =	strace $0x8FFFFFFF  }
0x98: {  	s18 =	sld [smem:$0x3FDB];
	_ =	sdelay $0x1  }
0x99: {  	s19 =	simm.s32 $_scs_section_size  }
0x9a: {  	s4 =	simm.s32 $_size__tile_overlayer_lowered;
	s5 =	simm.s32 $_tile_overlayer_lowered  }
0x9b: {  	s22 =	simm.s32 $0x1BFF;
	s21 =	sshll.u32 s5, $0x1;
	s2 =	sadd.s32 s19, s18  }
0x9c: {  	s6 =	simm.s32 $0x0;
	s20 =	sshll.u32 s4, $0x1;
	s4 =	sadd.s32 s21, s2  }
0x9d: {  	[timem:s6], [sflag:s22] =	dma.local [hbm:s4], s20  }
0x9e: {  	_ =	swait.ge [sflag:s22], s20  }
0x9f: {  	s3 =	ssub.s32 $0x0, s20;
	[sflag:s22] =	ssyncset.done $0x0  }
0xa0: {  	[sflag:s22] =	ssyncadd.s32 s3;
	_ =	sdelay $0x1  }
0xa1: {  	s23 =	simm.s32 $0x1B8B  }
0xa2: {  	_ =	swait.ge [sflag:s23], $0x1  }
0xa3: {  	[sflag:s23] =	ssyncset.done $0x0  }
0xa4: {  	s25 =	simm.s32 $0x1B8E;
	s24 =	sld [smem:$0x3FFE];
	[sflag:s23] =	ssyncadd.s32 $0xFFFFFFFF  }
0xa5: {  	s26 =	simm.s32 $execute0_lowered;
	[smem:$0x3FD2] =	sst s25  }
0xa6: {  	s4 =	sshll.u32 s26, $0x1;
	_ =	strace $0x80000049;
	[dreg:$0x1] =	wrdreg $0xFFFFFFFF  }
0xa7: {  	s28 =	simm.s32 $_size_execute0_lowered;
	s2 =	sadd.s32 s2, s4;
	[dreg:$0x0] =	wrdreg $0x0  }
0xa8: {  	s4 =	sshll.u32 s28, $0x1;
	[dreg:$0x2] =	wrdreg s2  }
0xa9: {  	[dreg:$0x3] =	wrdreg s4  }
0xaa: {  	[dreg:$0x4] =	wrdreg $0xC0  }
0xab: {  	_ =	task [dreg:s6], $0x5FFFF  }
0xac: {  	[dreg:$0x1] =	wrdreg $0xFFFFFFFF  }
0xad: {  	[dreg:$0x0] =	wrdreg $0x60  }
0xae: {  	[dreg:$0x2] =	wrdreg s24  }
0xaf: {  	[dreg:$0x3] =	wrdreg $0x0  }
0xb0: {  	[dreg:$0x4] =	wrdreg $0x9  }
0xb1: {  	_ =	task.clear_ibuf [dreg:s6], $0x5FFFF;
	_ =	strace $0x90000049  }
0xb2: {  	s29 =	simm.s32 $0x9;
	_ =	strace $0x8000004B  }
0xb3: {  	_ =	swait.ge [sflag:s29], $0x1  }
0xb4: {  	[sflag:s29] =	ssyncadd.s32 $0xFFFFFFFF  }
0xb5: {  	_ =	strace $0x9000004B  }
0xb6: {  	_ =	sfence  }
0xb7: {  	s30 =	sld [smem:$0x0];
	_ =	sdelay $0x2  }
0xb8: {  	s31 =	sshll.u32 s1, $0xD;
	s1 =	sshrl.u32 s1, $0x2  }
0xb9: {  	s3 =	sand.u32 $0x4000, s31;
	s1 =	sadd.s32 s1, s30  }
0xba: {  	s0 =	sor.u32 s3, s0;
	s1 =	sshll.u32 s1, $0x11  }
0xbb: {  	s0 =	sor.u32 s1, s0  }
0xbc: {  	s0 =	sadd.s32 $0x8F2B, s0  }
0xbd: {  	[sflag:s0] =	ssyncadd.remote.s32 $0x1  }
0xbe: {  	_ =	sfence.sel $0xFFFF  }
0xbf: {  	[dreg:$0x0] =	wrdreg $0xFFFFFFFF;
	(pc) =	sbr.abs _section_cstart, $3  }
0xc0: {  	[dreg:$0x1] =	wrdreg $0xFFFFFFFF  }
0xc1: {  	_ =	task.clear_ibuf [dreg:s6], $0x2FFFF;
	_ =	strace $0x9FFFFFFF  }
0xc2: {  	(tm) =	ssettm $0x7FFFFFFF  }
0xc3: {  	_ =	shalt  }
tec
execute0_lowered:
.L_overlay_start_1:
0x0: {  	(tag) =	ssettag $0x1  }
0x1: {  	s0 =	rddreg [dreg:$0x0];
	s1 =	srdreg.scid  }
0x2: {  	s2 =	rddreg [dreg:$0x1];
	s9 =	stileid.u32  }
0x3: {  	s3 =	simm.s32 $0x0;
	s11 =	simm.s32 $0x18700;
	s12 =	simm.s32 $0x1C700  }
0x4: {  	s13 =	simm.s32 $0x80;
	s14 =	simm.s32 $0x1C780;
	s15 =	simm.s32 $0x18F00  }
0x5: {  	s16 =	simm.s32 $0x1C800;
	s17 =	simm.s32 $0x19700;
	s18 =	simm.s32 $0x1C880  }
0x6: {  	s19 =	simm.s32 $0x19F00;
	s20 =	simm.s32 $0x1C900;
	s5 =	smul.u32 $0x19000, s9  }
0x7: {  	s28 =	simm.s32 $0x1CA80;
	s29 =	simm.s32 $0x1BF00;
	s24 =	smul.u32 $0x18700, s9  }
0x8: {  	s1 =	sand.u32 $0x1, s1;
	s25 =	sshll.u32 s9, $0x6;
	s9 =	smul.u32 $0x32000, s9  }
0x9: {  	s30 =	simm.s32 $0x1;
	s31 =	simm.s32 $0x0;
	s4 =	smul.u32 $0x190000, s1  }
0xa: {  	[smem:$0x7FF] =	sst s3;
	s22 =	sadd.s32 $0xD400, s0;
	s6 =	smul.u32 $0x320000, s1  }
0xb: {  	_ =	strace $0x8000004A;
	s21 =	smul.u32 $0x30E00, s1;
	s1 =	ssub.s32 $0x2, s1  }
0xc: {  	[dreg:$0x3] =	wrdreg s22;
	s22 =	simm.s32 $0x1C980;
	s23 =	sshrl.u32 s1, $0x1  }
0xd: {  	s10 =	sadd.s32 s24, s2;
	s24 =	sshrl.u32 s24, $0x3;
	s4 =	sadd.s32 s5, s4  }
0xe: {  	s7 =	sadd.s32 s6, s0;
	s1 =	ssub.s32 s1, s23;
	s5 =	sor.u32 $0x1C02, s25  }
0xf: {  	s23 =	simm.s32 $0x1AF00;
	s25 =	simm.s32 $0x1CA00;
	s4 =	sshrl.u32 s4, $0x3  }
0x10: {  	s6 =	smax.u32 s1, $0x1;
	s26 =	sadd.s32 s9, s7;
	s9 =	sshrl.u32 s10, $0x3  }
0x11: {  	s8 =	sadd.s32 s4, s0;
	s0 =	sadd.s32 s21, s0;
	s1 =	sadd.s32 $0xE54800, s26  }
0x12: {  	s10 =	simm.s32 $0x2;
	s21 =	simm.s32 $0x1A700;
	s0 =	sadd.s32 $0x1D4800, s0  }
0x13: {  	s26 =	simm.s32 $0x1B700;
	s8 =	sadd.s32 $0x13FA00, s8;
	s24 =	sadd.s32 s24, s0  }
.LBB2_1:
0x14: {  	s0 =	rddreg [dreg:$0x3]  }
0x15: {  	[spmem:s9], [sflag:s5] =	dma.local [hbm:s0], $0x30E0  }
0x16: {  	_ =	swait.ge [sflag:s10], $0x30E0  }
0x17: {  	[sflag:s10] =	ssyncset.done $0x0  }
0x18: {  	[sflag:s10] =	ssyncadd.s32 $0xFFFFCF20  }
0x19: {  	[bflag:$0x0] =	sbarrier.arrive $0xFFFF  }
0x1a: {  	[tilespmem:s11], [sflag:$0x2] =	stream.linear.gather [hbm4b:s1+s3], $0x4000, $0x38;
	[tilespmem:$0x1CB00] =	vst v63  }
0x1b: {  	_ =	swait.ge [sflag:s10], $0x4000  }
0x1c: {  	[sflag:s10] =	ssyncset.done $0x0  }
0x1d: {  	s7 =	sadd.s32 $0x0, s8;
	[sflag:s10] =	ssyncadd.s32 $0xFFFFC000  }
0x1e: {  	[tilespmem:s12], [sflag:$0x2] =	stream.linear.gather [hbm4b:s7+s3], $0x400, $0x38;
	[tilespmem:$0x1CB00] =	vst v63  }
0x1f: {  	_ =	swait.ge [sflag:s10], $0x400  }
0x20: {  	[sflag:s10] =	ssyncset.done $0x0  }
0x21: {  	[sflag:s10] =	ssyncadd.s32 $0xFFFFFC00  }
0x22: {  	[spmem:s2] =	stream.indirect.scatter.add.f32 [tilespmem:s11], [sflag:$0x1], $0x10, s12, s13, $0xb8;
	[tilespmem:$0x1CB00] =	vst v63  }
0x23: {  	_ = 	snop  }
0x24: {  	[spmem:s2] =	stream.indirect.scatter.add.f32 [tilespmem:s15], [sflag:$0x1], $0x10, s14, s13, $0xb8;
	[tilespmem:$0x1CB00] =	vst v63  }
0x25: {  	_ = 	snop  }
0x26: {  	[spmem:s2] =	stream.indirect.scatter.add.f32 [tilespmem:s17], [sflag:$0x1], $0x10, s16, s13, $0xb8;
	[tilespmem:$0x1CB00] =	vst v63  }
0x27: {  	_ = 	snop  }
0x28: {  	[spmem:s2] =	stream.indirect.scatter.add.f32 [tilespmem:s19], [sflag:$0x1], $0x10, s18, s13, $0xb8;
	[tilespmem:$0x1CB00] =	vst v63  }
0x29: {  	_ = 	snop  }
0x2a: {  	[spmem:s2] =	stream.indirect.scatter.add.f32 [tilespmem:s21], [sflag:$0x1], $0x10, s20, s13, $0xb8;
	[tilespmem:$0x1CB00] =	vst v63  }
0x2b: {  	_ = 	snop  }
0x2c: {  	[spmem:s2] =	stream.indirect.scatter.add.f32 [tilespmem:s23], [sflag:$0x1], $0x10, s22, s13, $0xb8;
	[tilespmem:$0x1CB00] =	vst v63  }
0x2d: {  	_ = 	snop  }
0x2e: {  	[spmem:s2] =	stream.indirect.scatter.add.f32 [tilespmem:s26], [sflag:$0x1], $0x10, s25, s13, $0xb8;
	[tilespmem:$0x1CB00] =	vst v63  }
0x2f: {  	_ = 	snop  }
0x30: {  	[spmem:s2] =	stream.indirect.scatter.add.f32 [tilespmem:s29], [sflag:$0x1], $0x10, s28, s13, $0xb8;
	[tilespmem:$0x1CB00] =	vst v63  }
0x31: {  	_ =	swait.ge [sflag:s30], $0x800  }
0x32: {  	[sflag:s30] =	ssyncset.done $0x0  }
0x33: {  	[sflag:s30] =	ssyncadd.s32 $0xFFFFF800  }
0x34: {  	_ =	swait.ge [sflag:s30], $0x800  }
0x35: {  	[sflag:s30] =	ssyncset.done $0x0  }
0x36: {  	[sflag:s30] =	ssyncadd.s32 $0xFFFFF800  }
0x37: {  	_ =	swait.ge [sflag:s30], $0x800  }
0x38: {  	[sflag:s30] =	ssyncset.done $0x0  }
0x39: {  	[sflag:s30] =	ssyncadd.s32 $0xFFFFF800  }
0x3a: {  	_ =	swait.ge [sflag:s30], $0x800  }
0x3b: {  	[sflag:s30] =	ssyncset.done $0x0  }
0x3c: {  	[sflag:s30] =	ssyncadd.s32 $0xFFFFF800  }
0x3d: {  	_ =	swait.ge [sflag:s30], $0x800  }
0x3e: {  	[sflag:s30] =	ssyncset.done $0x0  }
0x3f: {  	[sflag:s30] =	ssyncadd.s32 $0xFFFFF800  }
0x40: {  	_ =	swait.ge [sflag:s30], $0x800  }
0x41: {  	[sflag:s30] =	ssyncset.done $0x0  }
0x42: {  	[sflag:s30] =	ssyncadd.s32 $0xFFFFF800  }
0x43: {  	_ =	swait.ge [sflag:s30], $0x800  }
0x44: {  	[sflag:s30] =	ssyncset.done $0x0  }
0x45: {  	[sflag:s30] =	ssyncadd.s32 $0xFFFFF800  }
0x46: {  	_ =	swait.ge [sflag:s30], $0x800  }
0x47: {  	s0 =	simm.s32 $0x80;
	s7 =	smov.u32 s1;
	[sflag:s30] =	ssyncset.done $0x0  }
.LBB2_2:
0x48: {  	p0 =	sne.s32 s0, $0x3180;
	[sflag:s30] =	ssyncadd.s32 $0xFFFFF800;
	s7 =	sadd.s32 $0x800, s7  }
0x49: {  	[tilespmem:s11], [sflag:$0x2] =	stream.linear.gather [hbm4b:s7+s3], $0x4000, $0x38;
	[tilespmem:$0x1CB00] =	vst v63  }
0x4a: {  	s4 =	smov.u32 s0;
	s0 =	sadd.s32 $0x80, s0;
	_ =	swait.ge [sflag:s10], $0x4000  }
0x4b: {  	[sflag:s10] =	ssyncset.done $0x0  }
0x4c: {  	s4 =	sadd.s32 s4, s8;
	[sflag:s10] =	ssyncadd.s32 $0xFFFFC000  }
0x4d: {  	[tilespmem:s12], [sflag:$0x2] =	stream.linear.gather [hbm4b:s4+s3], $0x400, $0x38;
	[tilespmem:$0x1CB00] =	vst v63  }
0x4e: {  	_ =	swait.ge [sflag:s10], $0x400  }
0x4f: {  	[sflag:s10] =	ssyncset.done $0x0  }
0x50: {  	[sflag:s10] =	ssyncadd.s32 $0xFFFFFC00  }
0x51: {  	[spmem:s2] =	stream.indirect.scatter.add.f32 [tilespmem:s11], [sflag:$0x1], $0x10, s12, s13, $0xb8;
	[tilespmem:$0x1CB00] =	vst v63  }
0x52: {  	_ = 	snop  }
0x53: {  	[spmem:s2] =	stream.indirect.scatter.add.f32 [tilespmem:s15], [sflag:$0x1], $0x10, s14, s13, $0xb8;
	[tilespmem:$0x1CB00] =	vst v63  }
0x54: {  	_ = 	snop  }
0x55: {  	[spmem:s2] =	stream.indirect.scatter.add.f32 [tilespmem:s17], [sflag:$0x1], $0x10, s16, s13, $0xb8;
	[tilespmem:$0x1CB00] =	vst v63  }
0x56: {  	_ = 	snop  }
0x57: {  	[spmem:s2] =	stream.indirect.scatter.add.f32 [tilespmem:s19], [sflag:$0x1], $0x10, s18, s13, $0xb8;
	[tilespmem:$0x1CB00] =	vst v63  }
0x58: {  	_ = 	snop  }
0x59: {  	[spmem:s2] =	stream.indirect.scatter.add.f32 [tilespmem:s21], [sflag:$0x1], $0x10, s20, s13, $0xb8;
	[tilespmem:$0x1CB00] =	vst v63  }
0x5a: {  	_ = 	snop  }
0x5b: {  	[spmem:s2] =	stream.indirect.scatter.add.f32 [tilespmem:s23], [sflag:$0x1], $0x10, s22, s13, $0xb8;
	[tilespmem:$0x1CB00] =	vst v63  }
0x5c: {  	_ = 	snop  }
0x5d: {  	[spmem:s2] =	stream.indirect.scatter.add.f32 [tilespmem:s26], [sflag:$0x1], $0x10, s25, s13, $0xb8;
	[tilespmem:$0x1CB00] =	vst v63  }
0x5e: {  	_ = 	snop  }
0x5f: {  	[spmem:s2] =	stream.indirect.scatter.add.f32 [tilespmem:s29], [sflag:$0x1], $0x10, s28, s13, $0xb8;
	[tilespmem:$0x1CB00] =	vst v63  }
0x60: {  	_ =	swait.ge [sflag:s30], $0x800  }
0x61: {  	[sflag:s30] =	ssyncset.done $0x0  }
0x62: {  	[sflag:s30] =	ssyncadd.s32 $0xFFFFF800  }
0x63: {  	_ =	swait.ge [sflag:s30], $0x800  }
0x64: {  	[sflag:s30] =	ssyncset.done $0x0  }
0x65: {  	[sflag:s30] =	ssyncadd.s32 $0xFFFFF800  }
0x66: {  	_ =	swait.ge [sflag:s30], $0x800  }
0x67: {  	[sflag:s30] =	ssyncset.done $0x0  }
0x68: {  	[sflag:s30] =	ssyncadd.s32 $0xFFFFF800  }
0x69: {  	_ =	swait.ge [sflag:s30], $0x800  }
0x6a: {  	[sflag:s30] =	ssyncset.done $0x0  }
0x6b: {  	[sflag:s30] =	ssyncadd.s32 $0xFFFFF800  }
0x6c: {  	_ =	swait.ge [sflag:s30], $0x800  }
0x6d: {  	[sflag:s30] =	ssyncset.done $0x0  }
0x6e: {  	[sflag:s30] =	ssyncadd.s32 $0xFFFFF800  }
0x6f: {  	_ =	swait.ge [sflag:s30], $0x800  }
0x70: {  	[sflag:s30] =	ssyncset.done $0x0  }
0x71: {  	[sflag:s30] =	ssyncadd.s32 $0xFFFFF800  }
.Ltmp0:
0x72: {  	_ =	swait.ge [sflag:s30], $0x800;
	(pc) =	sbr.rel @p0 .LBB2_2-.Ltmp0, $4  }
0x73: {  	[sflag:s30] =	ssyncset.done $0x0  }
0x74: {  	[sflag:s30] =	ssyncadd.s32 $0xFFFFF800  }
0x75: {  	_ =	swait.ge [sflag:s30], $0x800  }
0x76: {  	[sflag:s30] =	ssyncset.done $0x0  }
0x77: {  	s31 =	sadd.s32 $0x1, s31  }
0x78: {  	[sflag:s30] =	ssyncadd.s32 $0xFFFFF800;
	p0 =	sne.s32 s31, s6  }
.Ltmp1:
0x79: {  	[bflag:$0x0] =	sbarrier.arrive $0xFFFF;
	(pc) =	sbr.rel @p0 .LBB2_1-.Ltmp1, $4  }
0x7a: {  	[hbm:s24], [sflag:s5] =	dma.local [spmem:s9], $0x30E0  }
0x7b: {  	_ =	swait.ge [sflag:s10], $0x30E0  }
0x7c: {  	[sflag:s10] =	ssyncset.done $0x0  }
0x7d: {  	[sflag:s10] =	ssyncadd.s32 $0xFFFFCF20  }
0x7e: {  	_ =	sfence.sel $0x180000  }
0x7f: {  	[bflag:$0x0] =	sbarrier.arrive $0xFFFF  }
0x80: {  	_ =	strace $0x9000004A  }
0x81: {  	s0 =	stileid.u32;
	[bflag:$0x2] =	sbarrier.arrive $0xFFFF  }
0x82: {  	p0 =	sne.s32 s0, $0x0;
	s0 =	rddreg [dreg:$0x2]  }
0x83: {  	s0 =	sadd.s32 @!p0 $0x100000, s0  }
0x84: {  	[sflag:s0] =	ssyncadd.tile.s32 @!p0 $0x1;
	_ =	shalt  }
.Lfunc_end2:
_tile_overlayer_lowered:
.L_overlay_start_2:
0x85: {  	(tag) =	ssettag $0x2  }
0x86: {  	s0 =	rddreg [dreg:$0x0];
	s2 =	stileid.u32  }
0x87: {  	s1 =	rddreg [dreg:$0x1];
	p0 =	sne.s32 s2, $0x0  }
0x88: {  	s3 =	rddreg [dreg:$0x2];
	[bflag:$0x3] =	sbarrier.arrive $0xFFFF;
	s2 =	simm.s32 @!p0 $0x1C02  }
0x89: {  	[timem:s3], [sflag:s2] =	dma.local @!p0 [hbm:s0], s1  }
0x8a: {  	s0 =	simm.s32 @!p0 $0x2  }
0x8b: {  	_ =	swait.ge @!p0 [sflag:s0], s1  }
0x8c: {  	s1 =	ssub.s32 @!p0 $0x0, s1;
	[sflag:s0] =	ssyncset.done @!p0 $0x0  }
0x8d: {  	[sflag:s0] =	ssyncadd.s32 @!p0 s1  }
0x8e: {  	[bflag:$0x3] =	sbarrier.arrive $0xFFFF  }
0x8f: {  	_ =	shalt  }

// kernel: kernel.19.cloned.1.call-start
scs
__scs_entry_jumppad:
0x0: {  	(pc) =	sbr.rel $0x88, $3  }
0x1: {  	(tag) =	ssettag $0x0;
	lr =	simm.s32 $0x1  }
0x2: {  	[smem:$0x3F68] =	sst lr;
	_ =	strace $0xD0000000  }
0x3: {  	_ = 	snop  }
0x4: {  	_ = 	snop  }
0x5: {  	_ = 	snop  }
0x6: {  	_ = 	snop  }
0x7: {  	_ = 	snop  }
__scs_overlays_trampoline_lowered:
0x8: {  	[smem:$0x3F77] =	sst s0  }
0x9: {  	[smem:$0x3F78] =	sst s1  }
0xa: {  	[smem:$0x3F79] =	sst s2  }
0xb: {  	[smem:$0x3F7A] =	sst s3  }
0xc: {  	[smem:$0x3F7B] =	sst s4  }
0xd: {  	[smem:$0x3F7C] =	sst s5  }
0xe: {  	[smem:$0x3F7D] =	sst s6  }
0xf: {  	[smem:$0x3F7E] =	sst s7  }
0x10: {  	[smem:$0x3F7F] =	sst s8  }
0x11: {  	[smem:$0x3F80] =	sst s9;
	s0 =	simm.s32 @!p0 $0x0  }
0x12: {  	s1 =	sld [smem:$0x3F66];
	s0 =	simm.s32 @p0 $0x1  }
0x13: {  	[smem:$0x3F81] =	sst s0;
	s0 =	simm.s32 @!p1 $0x0  }
0x14: {  	s2 =	sld [smem:$0x3F65];
	s0 =	simm.s32 @p1 $0x1  }
0x15: {  	[smem:$0x3F82] =	sst s0;
	s0 =	simm.s32 @!p2 $0x0  }
0x16: {  	s3 =	sld [smem:$0x3FDB];
	s0 =	simm.s32 @p2 $0x1  }
0x17: {  	s4 =	simm.s32 $0x1BF5;
	[smem:$0x3F84] =	sst s0  }
0x18: {  	s0 =	sld [smem:$0x3F67];
	_ =	swait.ge [sflag:s4], $0x0  }
0x19: {  	s7 =	sld [smem:$0x3F68]  }
0x1a: {  	s8 =	sadd.s32 $0xFFFFE003, lr  }
0x1b: {  	s9 =	sadd.s32 $0xFFFFFEF7, lr;
	s5 =	simm.s32 $0xFFFFFFFF;
	p2 =	slt.u32 s8, $0xFFFFF086  }
0x1c: {  	p1 =	slt.u32 s9, $0xF7A;
	s5 =	simm.s32 @!p2 $0x0  }
0x1d: {  	s5 =	simm.s32 @p1 $0x1;
	p0 =	seq.s32 s7, s2  }
0x1e: {  	s7 =	smul.u32 @!p0 $0xF7A, s2;
	p2 =	seq.s32 @!p0 s5, $0x0  }
0x1f: {  	s9 =	smul.u32 $0xF7A, s1;
	s8 =	simm.s32 @!p0 $0x1BF5;
	p2 =	por !p2, p0  }
0x20: {  	[sflag:s8] =	ssyncset.s32 @!p0 $0xFFFFF086;
	s6 =	sadd.s32 @!p0 s3, s7;
	s7 =	simm.s32 @!p0 $0x108  }
0x21: {  	s3 =	sadd.s32 s3, s9;
	s6 =	sadd.s32 @!p0 $0x88, s6;
	s7 =	simm.s32 @p2 $0x1082  }
0x22: {  	[simem:s7], [sflag:s8] =	dma.local @!p0 [hbm:s6], $0xF7A  }
0x23: {  	s9 =	sor.u32 $0xD0000000, s2;
	s6 =	simm.s32 $0x108;
	_ =	swait.ge @!p0 [sflag:s8], $0x0  }
0x24: {  	s3 =	sadd.s32 $0x88, s3;
	s6 =	simm.s32 @!p1 $0x1082;
	[sflag:s4] =	ssyncset.s32 $0xFFFFF086  }
0x25: {  	[simem:s6], [sflag:s4] =	dma.local [hbm:s3], $0xF7A  }
0x26: {  	[smem:$0x3F68] =	sst s1;
	(tag) =	ssettag s2;
	_ =	strace s9  }
0x27: {  	s1 =	sld [smem:$0x3F78]  }
0x28: {  	s2 =	sld [smem:$0x3F79]  }
0x29: {  	s4 =	sld [smem:$0x3F7B]  }
0x2a: {  	p0 =	seq.s32 s5, $0x0;
	s5 =	sld [smem:$0x3F7C]  }
0x2b: {  	s6 =	sld [smem:$0x3F7D]  }
0x2c: {  	s7 =	sld [smem:$0x3F7E]  }
0x2d: {  	s3 =	simm.s32 $0x108;
	s8 =	sld [smem:$0x3F7F]  }
0x2e: {  	s3 =	simm.s32 @!p0 $0x1082;
	s9 =	sld [smem:$0x3F80]  }
0x2f: {  	lr =	sadd.s32 s0, s3;
	s0 =	sld [smem:$0x3F77]  }
0x30: {  	s3 =	sld [smem:$0x3F7A]  }
0x31: {  	[smem:$0x3F83] =	sst s10  }
0x32: {  	s10 =	sld [smem:$0x3F81];
	_ =	sdelay $0x3  }
0x33: {  	p0 =	seq.s32 s10, $0x1;
	s10 =	sld [smem:$0x3F83];
	_ =	sdelay $0x3  }
0x34: {  	[smem:$0x3F83] =	sst s10  }
0x35: {  	s10 =	sld [smem:$0x3F82];
	_ =	sdelay $0x3  }
0x36: {  	p1 =	seq.s32 s10, $0x1;
	s10 =	sld [smem:$0x3F83];
	_ =	sdelay $0x3  }
0x37: {  	[smem:$0x3F83] =	sst s10  }
0x38: {  	s10 =	sld [smem:$0x3F84]  }
0x39: {  	_ = 	snop;
	(pc) =	sbr.ind lr, $3  }
0x3a: {  	_ = 	snop  }
0x3b: {  	_ = 	snop  }
0x3c: {  	p2 =	seq.s32 s10, $0x1;
	s10 =	sld [smem:$0x3F83]  }
0x3d: {  	_ =	shalt  }
0x3e: {  	_ =	shalt  }
0x3f: {  	_ =	shalt  }
0x40: {  	_ =	shalt  }
0x41: {  	_ =	shalt  }
0x42: {  	_ =	shalt  }
0x43: {  	_ =	shalt  }
0x44: {  	_ =	shalt  }
0x45: {  	_ =	shalt  }
0x46: {  	_ =	shalt  }
0x47: {  	_ =	shalt  }
0x48: {  	_ =	shalt  }
0x49: {  	_ =	shalt  }
0x4a: {  	_ =	shalt  }
0x4b: {  	_ =	shalt  }
0x4c: {  	_ =	shalt  }
0x4d: {  	_ =	shalt  }
0x4e: {  	_ =	shalt  }
0x4f: {  	_ =	shalt  }
0x50: {  	_ =	shalt  }
0x51: {  	_ =	shalt  }
0x52: {  	_ =	shalt  }
0x53: {  	_ =	shalt  }
0x54: {  	_ =	shalt  }
0x55: {  	_ =	shalt  }
0x56: {  	_ =	shalt  }
0x57: {  	_ =	shalt  }
0x58: {  	_ =	shalt  }
0x59: {  	_ =	shalt  }
0x5a: {  	_ =	shalt  }
0x5b: {  	_ =	shalt  }
0x5c: {  	_ =	shalt  }
0x5d: {  	_ =	shalt  }
0x5e: {  	_ =	shalt  }
0x5f: {  	_ =	shalt  }
0x60: {  	_ =	shalt  }
0x61: {  	_ =	shalt  }
0x62: {  	_ =	shalt  }
0x63: {  	_ =	shalt  }
0x64: {  	_ =	shalt  }
0x65: {  	_ =	shalt  }
0x66: {  	_ =	shalt  }
0x67: {  	_ =	shalt  }
0x68: {  	_ =	shalt  }
0x69: {  	_ =	shalt  }
0x6a: {  	_ =	shalt  }
0x6b: {  	_ =	shalt  }
0x6c: {  	_ =	shalt  }
0x6d: {  	_ =	shalt  }
0x6e: {  	_ =	shalt  }
0x6f: {  	_ =	shalt  }
0x70: {  	_ =	shalt  }
0x71: {  	_ =	shalt  }
0x72: {  	_ =	shalt  }
0x73: {  	_ =	shalt  }
0x74: {  	_ =	shalt  }
0x75: {  	_ =	shalt  }
0x76: {  	_ =	shalt  }
0x77: {  	_ =	shalt  }
0x78: {  	_ =	shalt  }
0x79: {  	_ =	shalt  }
0x7a: {  	_ =	shalt  }
0x7b: {  	_ =	shalt  }
0x7c: {  	_ =	shalt  }
0x7d: {  	_ =	shalt  }
0x7e: {  	_ =	shalt  }
0x7f: {  	_ =	shalt  }
0x80: {  	_ =	shalt  }
0x81: {  	_ =	shalt  }
0x82: {  	_ =	shalt  }
0x83: {  	_ =	shalt  }
0x84: {  	_ =	shalt  }
0x85: {  	_ =	shalt  }
0x86: {  	_ =	shalt  }
0x87: {  	_ =	shalt  }
.Lfunc_end0:
.L_simem_size_0:
called_computation.2_lowered:
.L_overlay_start_0:
0x88: {  	s2 =	sld [smem:$0x3FD9]  }
0x89: {  	s3 =	sld [smem:$0x3FFE];
	_ =	sdelay $0x1  }
0x8a: {  	s1 =	srdreg.scid  }
0x8b: {  	s0 =	sand.u32 $0x1, s1  }
0x8c: {  	s16 =	sshll.u32 s0, $0xA;
	s2 =	sadd.s32 s3, s2  }
0x8d: {  	s2 =	sadd.s32 s2, s16  }
0x8e: {  	[smem:$0x3F8F] =	sst s2  }
0x8f: {  	_ = 	snop  }
0x90: {  	(tm) =	ssettm $0x1  }
0x91: {  	s17 =	sld [smem:$0x3FFB];
	_ =	sdelay $0x3  }
0x92: {  	_ =	strace s17  }
0x93: {  	s2 =	sld [smem:$0x3FFC];
	_ =	sdelay $0x3  }
0x94: {  	_ =	strace s2  }
0x95: {  	s2 =	sld [smem:$0x3FFD];
	_ =	sdelay $0x3  }
0x96: {  	_ =	strace s2  }
0x97: {  	_ =	strace $0x8FFFFFFF  }
0x98: {  	s18 =	sld [smem:$0x3FDB];
	_ =	sdelay $0x1  }
0x99: {  	s19 =	simm.s32 $_scs_section_size  }
0x9a: {  	s4 =	simm.s32 $_size__tile_overlayer_lowered;
	s5 =	simm.s32 $_tile_overlayer_lowered  }
0x9b: {  	s22 =	simm.s32 $0x1BFF;
	s21 =	sshll.u32 s5, $0x1;
	s2 =	sadd.s32 s19, s18  }
0x9c: {  	s6 =	simm.s32 $0x0;
	s20 =	sshll.u32 s4, $0x1;
	s4 =	sadd.s32 s21, s2  }
0x9d: {  	[timem:s6], [sflag:s22] =	dma.local [hbm:s4], s20  }
0x9e: {  	_ =	swait.ge [sflag:s22], s20  }
0x9f: {  	s3 =	ssub.s32 $0x0, s20;
	[sflag:s22] =	ssyncset.done $0x0  }
0xa0: {  	[sflag:s22] =	ssyncadd.s32 s3;
	_ =	sdelay $0x1  }
0xa1: {  	s23 =	simm.s32 $0x1B8B  }
0xa2: {  	_ =	swait.ge [sflag:s23], $0x1  }
0xa3: {  	[sflag:s23] =	ssyncset.done $0x0  }
0xa4: {  	s25 =	simm.s32 $0x1B8E;
	s24 =	sld [smem:$0x3FFE];
	[sflag:s23] =	ssyncadd.s32 $0xFFFFFFFF  }
0xa5: {  	s26 =	simm.s32 $execute0_lowered;
	[smem:$0x3FD2] =	sst s25  }
0xa6: {  	s4 =	sshll.u32 s26, $0x1;
	_ =	strace $0x8000004C;
	[dreg:$0x1] =	wrdreg $0xFFFFFFFF  }
0xa7: {  	s28 =	simm.s32 $_size_execute0_lowered;
	s2 =	sadd.s32 s2, s4;
	[dreg:$0x0] =	wrdreg $0x0  }
0xa8: {  	s4 =	sshll.u32 s28, $0x1;
	[dreg:$0x2] =	wrdreg s2  }
0xa9: {  	[dreg:$0x3] =	wrdreg s4  }
0xaa: {  	[dreg:$0x4] =	wrdreg $0xC0  }
0xab: {  	_ =	task [dreg:s6], $0x5FFFF  }
0xac: {  	[dreg:$0x1] =	wrdreg $0xFFFFFFFF  }
0xad: {  	[dreg:$0x0] =	wrdreg $0x60  }
0xae: {  	[dreg:$0x2] =	wrdreg s24  }
0xaf: {  	[dreg:$0x3] =	wrdreg $0x0  }
0xb0: {  	[dreg:$0x4] =	wrdreg $0x9  }
0xb1: {  	_ =	task.clear_ibuf [dreg:s6], $0x5FFFF;
	_ =	strace $0x9000004C  }
0xb2: {  	s29 =	simm.s32 $0x9;
	_ =	strace $0x8000004E  }
0xb3: {  	_ =	swait.ge [sflag:s29], $0x1  }
0xb4: {  	[sflag:s29] =	ssyncadd.s32 $0xFFFFFFFF  }
0xb5: {  	_ =	strace $0x9000004E  }
0xb6: {  	_ =	sfence  }
0xb7: {  	s30 =	sld [smem:$0x0];
	_ =	sdelay $0x2  }
0xb8: {  	s31 =	sshll.u32 s1, $0xD;
	s1 =	sshrl.u32 s1, $0x2  }
0xb9: {  	s3 =	sand.u32 $0x4000, s31;
	s1 =	sadd.s32 s1, s30  }
0xba: {  	s0 =	sor.u32 s3, s0;
	s1 =	sshll.u32 s1, $0x11  }
0xbb: {  	s0 =	sor.u32 s1, s0  }
0xbc: {  	s0 =	sadd.s32 $0x8F2B, s0  }
0xbd: {  	[sflag:s0] =	ssyncadd.remote.s32 $0x1  }
0xbe: {  	_ =	sfence.sel $0xFFFF  }
0xbf: {  	[dreg:$0x0] =	wrdreg $0xFFFFFFFF;
	(pc) =	sbr.abs _section_cstart, $3  }
0xc0: {  	[dreg:$0x1] =	wrdreg $0xFFFFFFFF  }
0xc1: {  	_ =	task.clear_ibuf [dreg:s6], $0x2FFFF;
	_ =	strace $0x9FFFFFFF  }
0xc2: {  	(tm) =	ssettm $0x7FFFFFFF  }
0xc3: {  	_ =	shalt  }
tec
execute0_lowered:
.L_overlay_start_1:
0x0: {  	(tag) =	ssettag $0x1  }
0x1: {  	s0 =	rddreg [dreg:$0x0]  }
0x2: {  	s2 =	rddreg [dreg:$0x1]  }
0x3: {  	s10 =	stileid.u32;
	s4 =	srdreg.scid  }
0x4: {  	s3 =	simm.s32 $0x0;
	s11 =	simm.s32 $0x3;
	s12 =	simm.s32 $0x18700  }
0x5: {  	s13 =	simm.s32 $0x18900;
	s14 =	simm.s32 $0x80;
	s15 =	simm.s32 $0x18B00  }
0x6: {  	s16 =	simm.s32 $0x18780;
	s17 =	simm.s32 $0x19300;
	s18 =	simm.s32 $0x18800  }
0x7: {  	s28 =	simm.s32 $0x18A80;
	s29 =	simm.s32 $0x1C300;
	s1 =	smul.u32 $0x18700, s10  }
0x8: {  	s30 =	simm.s32 $0x1;
	s31 =	simm.s32 $0x2;
	s5 =	smul.u32 $0x32000, s10  }
0x9: {  	s4 =	sand.u32 $0x1, s4;
	[smem:$0x7FF] =	sst s3;
	s19 =	smul.u32 $0x64000, s10  }
0xa: {  	s21 =	sshll.u32 s10, $0x6;
	s7 =	smul.u32 $0x19000, s4;
	_ =	strace $0x8000004D  }
0xb: {  	s8 =	ssub.s32 $0x2, s4;
	s4 =	smul.u32 $0x32000, s4;
	s22 =	sor.u32 $0x1C03, s21  }
0xc: {  	s21 =	simm.s32 $0x1A300;
	s6 =	sshrl.u32 s1, $0x3;
	s9 =	sshrl.u32 s8, $0x1  }
0xd: {  	s1 =	sadd.s32 s1, s2;
	[dreg:$0x5] =	wrdreg s22;
	s22 =	simm.s32 $0x1AB00  }
0xe: {  	s6 =	sadd.s32 s6, s0;
	s5 =	sadd.s32 s7, s5;
	s20 =	ssub.s32 s8, s9  }
0xf: {  	s26 =	sshrl.u32 s1, $0x3;
	s5 =	sshrl.u32 s5, $0x3;
	s6 =	sadd.s32 $0x1A3A00, s6  }
0x10: {  	s24 =	smax.u32 s20, $0x1;
	[dreg:$0x9] =	wrdreg s26;
	s20 =	simm.s32 $0x18880  }
0x11: {  	s26 =	simm.s32 $0x1BB00;
	s5 =	sadd.s32 s5, s0;
	[dreg:$0x4] =	wrdreg s6  }
0x12: {  	s0 =	sadd.s32 s19, s0;
	[dreg:$0x7] =	wrdreg s24;
	s19 =	simm.s32 $0x19B00  }
0x13: {  	s24 =	simm.s32 $0x1B300;
	s0 =	sadd.s32 s4, s0;
	s25 =	sadd.s32 $0x77A00, s5  }
0x14: {  	s9 =	sadd.s32 $0xDBA00, s5;
	s23 =	sadd.s32 $0x814800, s0;
	[dreg:$0x3] =	wrdreg s25  }
0x15: {  	s0 =	sadd.s32 $0x1D4800, s0;
	s25 =	simm.s32 $0x18A00;
	[dreg:$0x6] =	wrdreg s23  }
0x16: {  	[dreg:$0x8] =	wrdreg s0;
	s23 =	simm.s32 $0x18980;
	s0 =	simm.s32 $0x0  }
.LBB2_1:
0x17: {  	s1 =	rddreg [dreg:$0x4]  }
0x18: {  	s4 =	rddreg [dreg:$0x5]  }
0x19: {  	s5 =	rddreg [dreg:$0x9]  }
0x1a: {  	[spmem:s5], [sflag:s4] =	dma.local [hbm:s1], $0x30E0  }
0x1b: {  	_ =	swait.ge [sflag:s11], $0x30E0  }
0x1c: {  	[sflag:s11] =	ssyncset.done $0x0  }
0x1d: {  	[sflag:s11] =	ssyncadd.s32 $0xFFFFCF20  }
0x1e: {  	s6 =	sadd.s32 $0x0, s9;
	[bflag:$0x0] =	sbarrier.arrive $0xFFFF  }
0x1f: {  	[tilespmem:s12], [sflag:$0x3] =	stream.linear.gather [hbm4b:s6+s3], $0x200, $0x38;
	[tilespmem:$0x1CB00] =	vst v63  }
0x20: {  	_ =	swait.ge [sflag:s11], $0x200  }
0x21: {  	s7 =	rddreg [dreg:$0x3];
	[sflag:s11] =	ssyncset.done $0x0  }
0x22: {  	[sflag:s11] =	ssyncadd.s32 $0xFFFFFE00;
	s1 =	sadd.s32 $0x0, s7  }
0x23: {  	[tilespmem:s13], [sflag:$0x3] =	stream.linear.gather [hbm4b:s1+s3], $0x200, $0x38;
	[tilespmem:$0x1CB00] =	vst v63  }
0x24: {  	_ =	swait.ge [sflag:s11], $0x200  }
0x25: {  	[sflag:s11] =	ssyncset.done $0x0  }
0x26: {  	[sflag:s11] =	ssyncadd.s32 $0xFFFFFE00  }
0x27: {  	[tilespmem:s15], [sflag:$0x1] =	stream.indirect.gather [spmem:s2], $0x10, s12, s14, $0xb8;
	[tilespmem:$0x1CB00] =	vst v63  }
0x28: {  	_ = 	snop  }
0x29: {  	[tilespmem:s17], [sflag:$0x1] =	stream.indirect.gather [spmem:s2], $0x10, s16, s14, $0xb8;
	[tilespmem:$0x1CB00] =	vst v63  }
0x2a: {  	_ = 	snop  }
0x2b: {  	[tilespmem:s19], [sflag:$0x1] =	stream.indirect.gather [spmem:s2], $0x10, s18, s14, $0xb8;
	[tilespmem:$0x1CB00] =	vst v63  }
0x2c: {  	_ = 	snop  }
0x2d: {  	[tilespmem:s21], [sflag:$0x1] =	stream.indirect.gather [spmem:s2], $0x10, s20, s14, $0xb8;
	[tilespmem:$0x1CB00] =	vst v63  }
0x2e: {  	_ = 	snop  }
0x2f: {  	[tilespmem:s22], [sflag:$0x2] =	stream.indirect.gather [spmem:s2], $0x10, s13, s14, $0xb8;
	[tilespmem:$0x1CB00] =	vst v63  }
0x30: {  	_ = 	snop  }
0x31: {  	[tilespmem:s24], [sflag:$0x2] =	stream.indirect.gather [spmem:s2], $0x10, s23, s14, $0xb8;
	[tilespmem:$0x1CB00] =	vst v63  }
0x32: {  	_ = 	snop  }
0x33: {  	[tilespmem:s26], [sflag:$0x2] =	stream.indirect.gather [spmem:s2], $0x10, s25, s14, $0xb8;
	[tilespmem:$0x1CB00] =	vst v63  }
0x34: {  	_ = 	snop  }
0x35: {  	[tilespmem:s29], [sflag:$0x2] =	stream.indirect.gather [spmem:s2], $0x10, s28, s14, $0xb8;
	[tilespmem:$0x1CB00] =	vst v63  }
0x36: {  	_ =	swait.ge [sflag:s30], $0x800  }
0x37: {  	[sflag:s30] =	ssyncset.done $0x0  }
0x38: {  	[sflag:s30] =	ssyncadd.s32 $0xFFFFF800  }
0x39: {  	_ =	swait.ge [sflag:s30], $0x800  }
0x3a: {  	[sflag:s30] =	ssyncset.done $0x0  }
0x3b: {  	[sflag:s30] =	ssyncadd.s32 $0xFFFFF800  }
0x3c: {  	_ =	swait.ge [sflag:s30], $0x800  }
0x3d: {  	[sflag:s30] =	ssyncset.done $0x0  }
0x3e: {  	[sflag:s30] =	ssyncadd.s32 $0xFFFFF800  }
0x3f: {  	_ =	swait.ge [sflag:s30], $0x800  }
0x40: {  	[sflag:s30] =	ssyncset.done $0x0  }
0x41: {  	[sflag:s30] =	ssyncadd.s32 $0xFFFFF800  }
0x42: {  	_ =	swait.ge [sflag:s31], $0x800  }
0x43: {  	[sflag:s31] =	ssyncset.done $0x0  }
0x44: {  	[sflag:s31] =	ssyncadd.s32 $0xFFFFF800  }
0x45: {  	_ =	swait.ge [sflag:s31], $0x800  }
0x46: {  	[sflag:s31] =	ssyncset.done $0x0  }
0x47: {  	[sflag:s31] =	ssyncadd.s32 $0xFFFFF800  }
0x48: {  	_ =	swait.ge [sflag:s31], $0x800  }
0x49: {  	[sflag:s31] =	ssyncset.done $0x0  }
0x4a: {  	[sflag:s31] =	ssyncadd.s32 $0xFFFFF800  }
0x4b: {  	_ =	swait.ge [sflag:s31], $0x800  }
0x4c: {  	[sflag:s31] =	ssyncset.done $0x0  }
0x4d: {  	s8 =	rddreg [dreg:$0x8];
	[sflag:s31] =	ssyncadd.s32 $0xFFFFF800  }
0x4e: {  	[hbm4b:s8+s3] =	stream.linear.scatter [tilespmem:s15], [sflag:$0x3], $0x2000, $0x38;
	[tilespmem:$0x1CB00] =	vst v63  }
0x4f: {  	_ =	swait.ge [sflag:s11], $0x2000  }
0x50: {  	[sflag:s11] =	ssyncset.done $0x0  }
0x51: {  	s10 =	rddreg [dreg:$0x6];
	[sflag:s11] =	ssyncadd.s32 $0xFFFFE000  }
0x52: {  	[hbm4b:s10+s3] =	stream.linear.scatter [tilespmem:s22], [sflag:$0x3], $0x2000, $0x38;
	[tilespmem:$0x1CB00] =	vst v63  }
0x53: {  	s5 =	simm.s32 $0x40;
	s7 =	simm.s32 $0x80;
	_ =	swait.ge [sflag:s11], $0x2000  }
0x54: {  	s4 =	sadd.s32 $0x400, s8;
	s1 =	sadd.s32 $0x400, s10;
	[sflag:s11] =	ssyncset.done $0x0  }
.LBB2_2:
0x55: {  	s6 =	sadd.s32 s5, s9;
	[sflag:s11] =	ssyncadd.s32 $0xFFFFE000  }
0x56: {  	[tilespmem:s12], [sflag:$0x3] =	stream.linear.gather [hbm4b:s6+s3], $0x200, $0x38;
	[tilespmem:$0x1CB00] =	vst v63  }
0x57: {  	s8 =	smov.u32 s7;
	s10 =	sadd.s32 $0x40, s7;
	_ =	swait.ge [sflag:s11], $0x200  }
0x58: {  	p0 =	sne.s32 s7, $0x31C0;
	s7 =	rddreg [dreg:$0x3];
	[sflag:s11] =	ssyncset.done $0x0  }
0x59: {  	[sflag:s11] =	ssyncadd.s32 $0xFFFFFE00;
	s6 =	sadd.s32 s5, s7  }
0x5a: {  	[tilespmem:s13], [sflag:$0x3] =	stream.linear.gather [hbm4b:s6+s3], $0x200, $0x38;
	[tilespmem:$0x1CB00] =	vst v63  }
0x5b: {  	_ =	swait.ge [sflag:s11], $0x200  }
0x5c: {  	[sflag:s11] =	ssyncset.done $0x0  }
0x5d: {  	[sflag:s11] =	ssyncadd.s32 $0xFFFFFE00  }
0x5e: {  	[tilespmem:s15], [sflag:$0x1] =	stream.indirect.gather [spmem:s2], $0x10, s12, s14, $0xb8;
	[tilespmem:$0x1CB00] =	vst v63  }
0x5f: {  	_ = 	snop  }
0x60: {  	[tilespmem:s17], [sflag:$0x1] =	stream.indirect.gather [spmem:s2], $0x10, s16, s14, $0xb8;
	[tilespmem:$0x1CB00] =	vst v63  }
0x61: {  	_ = 	snop  }
0x62: {  	[tilespmem:s19], [sflag:$0x1] =	stream.indirect.gather [spmem:s2], $0x10, s18, s14, $0xb8;
	[tilespmem:$0x1CB00] =	vst v63  }
0x63: {  	_ = 	snop  }
0x64: {  	[tilespmem:s21], [sflag:$0x1] =	stream.indirect.gather [spmem:s2], $0x10, s20, s14, $0xb8;
	[tilespmem:$0x1CB00] =	vst v63  }
0x65: {  	_ = 	snop  }
0x66: {  	[tilespmem:s22], [sflag:$0x2] =	stream.indirect.gather [spmem:s2], $0x10, s13, s14, $0xb8;
	[tilespmem:$0x1CB00] =	vst v63  }
0x67: {  	_ = 	snop  }
0x68: {  	[tilespmem:s24], [sflag:$0x2] =	stream.indirect.gather [spmem:s2], $0x10, s23, s14, $0xb8;
	[tilespmem:$0x1CB00] =	vst v63  }
0x69: {  	_ = 	snop  }
0x6a: {  	[tilespmem:s26], [sflag:$0x2] =	stream.indirect.gather [spmem:s2], $0x10, s25, s14, $0xb8;
	[tilespmem:$0x1CB00] =	vst v63  }
0x6b: {  	_ = 	snop  }
0x6c: {  	[tilespmem:s29], [sflag:$0x2] =	stream.indirect.gather [spmem:s2], $0x10, s28, s14, $0xb8;
	[tilespmem:$0x1CB00] =	vst v63  }
0x6d: {  	_ =	swait.ge [sflag:s30], $0x800  }
0x6e: {  	[sflag:s30] =	ssyncset.done $0x0  }
0x6f: {  	[sflag:s30] =	ssyncadd.s32 $0xFFFFF800  }
0x70: {  	_ =	swait.ge [sflag:s30], $0x800  }
0x71: {  	[sflag:s30] =	ssyncset.done $0x0  }
0x72: {  	[sflag:s30] =	ssyncadd.s32 $0xFFFFF800  }
0x73: {  	_ =	swait.ge [sflag:s30], $0x800  }
0x74: {  	[sflag:s30] =	ssyncset.done $0x0  }
0x75: {  	[sflag:s30] =	ssyncadd.s32 $0xFFFFF800  }
0x76: {  	_ =	swait.ge [sflag:s30], $0x800  }
0x77: {  	[sflag:s30] =	ssyncset.done $0x0  }
0x78: {  	[sflag:s30] =	ssyncadd.s32 $0xFFFFF800  }
0x79: {  	_ =	swait.ge [sflag:s31], $0x800  }
0x7a: {  	[sflag:s31] =	ssyncset.done $0x0  }
0x7b: {  	[sflag:s31] =	ssyncadd.s32 $0xFFFFF800  }
0x7c: {  	_ =	swait.ge [sflag:s31], $0x800  }
0x7d: {  	[sflag:s31] =	ssyncset.done $0x0  }
0x7e: {  	[sflag:s31] =	ssyncadd.s32 $0xFFFFF800  }
0x7f: {  	_ =	swait.ge [sflag:s31], $0x800  }
0x80: {  	[sflag:s31] =	ssyncset.done $0x0  }
0x81: {  	[sflag:s31] =	ssyncadd.s32 $0xFFFFF800  }
0x82: {  	_ =	swait.ge [sflag:s31], $0x800  }
0x83: {  	[sflag:s31] =	ssyncset.done $0x0  }
0x84: {  	[sflag:s31] =	ssyncadd.s32 $0xFFFFF800  }
0x85: {  	[hbm4b:s4+s3] =	stream.linear.scatter [tilespmem:s15], [sflag:$0x3], $0x2000, $0x38;
	[tilespmem:$0x1CB00] =	vst v63  }
0x86: {  	_ =	swait.ge [sflag:s11], $0x2000  }
.Ltmp0:
0x87: {  	[sflag:s11] =	ssyncset.done $0x0;
	(pc) =	sbr.rel @p0 .LBB2_2-.Ltmp0, $4  }
0x88: {  	[sflag:s11] =	ssyncadd.s32 $0xFFFFE000  }
0x89: {  	[hbm4b:s1+s3] =	stream.linear.scatter [tilespmem:s22], [sflag:$0x3], $0x2000, $0x38;
	[tilespmem:$0x1CB00] =	vst v63  }
0x8a: {  	s5 =	smov.u32 s8;
	s7 =	smov.u32 s10;
	_ =	swait.ge [sflag:s11], $0x2000  }
0x8b: {  	s4 =	sadd.s32 $0x400, s4;
	s1 =	sadd.s32 $0x400, s1;
	[sflag:s11] =	ssyncset.done $0x0  }
0x8c: {  	s6 =	sadd.s32 s5, s9;
	[sflag:s11] =	ssyncadd.s32 $0xFFFFE000  }
0x8d: {  	[tilespmem:s12], [sflag:$0x3] =	stream.linear.gather [hbm4b:s6+s3], $0x200, $0x38;
	[tilespmem:$0x1CB00] =	vst v63  }
0x8e: {  	_ =	swait.ge [sflag:s11], $0x200  }
0x8f: {  	s7 =	rddreg [dreg:$0x3];
	[sflag:s11] =	ssyncset.done $0x0  }
0x90: {  	s8 =	sadd.s32 s5, s7;
	[sflag:s11] =	ssyncadd.s32 $0xFFFFFE00  }
0x91: {  	[tilespmem:s13], [sflag:$0x3] =	stream.linear.gather [hbm4b:s8+s3], $0x200, $0x38;
	[tilespmem:$0x1CB00] =	vst v63  }
0x92: {  	_ =	swait.ge [sflag:s11], $0x200  }
0x93: {  	[sflag:s11] =	ssyncset.done $0x0  }
0x94: {  	[sflag:s11] =	ssyncadd.s32 $0xFFFFFE00  }
0x95: {  	[tilespmem:s15], [sflag:$0x1] =	stream.indirect.gather [spmem:s2], $0x10, s12, s14, $0xb8;
	[tilespmem:$0x1CB00] =	vst v63  }
0x96: {  	_ = 	snop  }
0x97: {  	[tilespmem:s17], [sflag:$0x1] =	stream.indirect.gather [spmem:s2], $0x10, s16, s14, $0xb8;
	[tilespmem:$0x1CB00] =	vst v63  }
0x98: {  	_ = 	snop  }
0x99: {  	[tilespmem:s19], [sflag:$0x1] =	stream.indirect.gather [spmem:s2], $0x10, s18, s14, $0xb8;
	[tilespmem:$0x1CB00] =	vst v63  }
0x9a: {  	_ = 	snop  }
0x9b: {  	[tilespmem:s21], [sflag:$0x1] =	stream.indirect.gather [spmem:s2], $0x10, s20, s14, $0xb8;
	[tilespmem:$0x1CB00] =	vst v63  }
0x9c: {  	_ = 	snop  }
0x9d: {  	[tilespmem:s22], [sflag:$0x2] =	stream.indirect.gather [spmem:s2], $0x10, s13, s14, $0xb8;
	[tilespmem:$0x1CB00] =	vst v63  }
0x9e: {  	_ = 	snop  }
0x9f: {  	[tilespmem:s24], [sflag:$0x2] =	stream.indirect.gather [spmem:s2], $0x10, s23, s14, $0xb8;
	[tilespmem:$0x1CB00] =	vst v63  }
0xa0: {  	_ = 	snop  }
0xa1: {  	[tilespmem:s26], [sflag:$0x2] =	stream.indirect.gather [spmem:s2], $0x10, s25, s14, $0xb8;
	[tilespmem:$0x1CB00] =	vst v63  }
0xa2: {  	_ = 	snop  }
0xa3: {  	[tilespmem:s29], [sflag:$0x2] =	stream.indirect.gather [spmem:s2], $0x10, s28, s14, $0xb8;
	[tilespmem:$0x1CB00] =	vst v63  }
0xa4: {  	_ =	swait.ge [sflag:s30], $0x800  }
0xa5: {  	[sflag:s30] =	ssyncset.done $0x0  }
0xa6: {  	[sflag:s30] =	ssyncadd.s32 $0xFFFFF800  }
0xa7: {  	_ =	swait.ge [sflag:s30], $0x800  }
0xa8: {  	[sflag:s30] =	ssyncset.done $0x0  }
0xa9: {  	[sflag:s30] =	ssyncadd.s32 $0xFFFFF800  }
0xaa: {  	_ =	swait.ge [sflag:s30], $0x800  }
0xab: {  	[sflag:s30] =	ssyncset.done $0x0  }
0xac: {  	[sflag:s30] =	ssyncadd.s32 $0xFFFFF800  }
0xad: {  	_ =	swait.ge [sflag:s30], $0x800  }
0xae: {  	[sflag:s30] =	ssyncset.done $0x0  }
0xaf: {  	[sflag:s30] =	ssyncadd.s32 $0xFFFFF800  }
0xb0: {  	_ =	swait.ge [sflag:s31], $0x800  }
0xb1: {  	[sflag:s31] =	ssyncset.done $0x0  }
0xb2: {  	[sflag:s31] =	ssyncadd.s32 $0xFFFFF800  }
0xb3: {  	_ =	swait.ge [sflag:s31], $0x800  }
0xb4: {  	[sflag:s31] =	ssyncset.done $0x0  }
0xb5: {  	[sflag:s31] =	ssyncadd.s32 $0xFFFFF800  }
0xb6: {  	_ =	swait.ge [sflag:s31], $0x800  }
0xb7: {  	[sflag:s31] =	ssyncset.done $0x0  }
0xb8: {  	[sflag:s31] =	ssyncadd.s32 $0xFFFFF800  }
0xb9: {  	_ =	swait.ge [sflag:s31], $0x800  }
0xba: {  	[sflag:s31] =	ssyncset.done $0x0  }
0xbb: {  	[sflag:s31] =	ssyncadd.s32 $0xFFFFF800  }
0xbc: {  	[hbm4b:s4+s3] =	stream.linear.scatter [tilespmem:s15], [sflag:$0x3], $0x2000, $0x38;
	[tilespmem:$0x1CB00] =	vst v63  }
0xbd: {  	_ =	swait.ge [sflag:s11], $0x2000  }
0xbe: {  	[sflag:s11] =	ssyncset.done $0x0  }
0xbf: {  	[sflag:s11] =	ssyncadd.s32 $0xFFFFE000  }
0xc0: {  	[hbm4b:s1+s3] =	stream.linear.scatter [tilespmem:s22], [sflag:$0x3], $0x2000, $0x38;
	[tilespmem:$0x1CB00] =	vst v63  }
0xc1: {  	_ =	swait.ge [sflag:s11], $0x2000  }
0xc2: {  	s0 =	sadd.s32 $0x1, s0;
	s10 =	rddreg [dreg:$0x7]  }
0xc3: {  	p0 =	sne.s32 s0, s10  }
.Ltmp1:
0xc4: {  	_ = 	snop;
	(pc) =	sbr.rel @p0 .LBB2_1-.Ltmp1, $3  }
0xc5: {  	_ =	sdelay $0x1  }
0xc6: {  	[sflag:s11] =	ssyncset.done $0x0  }
0xc7: {  	[sflag:s11] =	ssyncadd.s32 $0xFFFFE000  }
0xc8: {  	_ =	sfence.sel $0x180000  }
0xc9: {  	[bflag:$0x0] =	sbarrier.arrive $0xFFFF  }
0xca: {  	_ =	strace $0x9000004D  }
0xcb: {  	s0 =	stileid.u32;
	[bflag:$0x2] =	sbarrier.arrive $0xFFFF  }
0xcc: {  	p0 =	sne.s32 s0, $0x0;
	s0 =	rddreg [dreg:$0x2]  }
0xcd: {  	s0 =	sadd.s32 @!p0 $0x100000, s0  }
0xce: {  	[sflag:s0] =	ssyncadd.tile.s32 @!p0 $0x1;
	_ =	shalt  }
.Lfunc_end2:
_tile_overlayer_lowered:
.L_overlay_start_2:
0xcf: {  	(tag) =	ssettag $0x2  }
0xd0: {  	s0 =	rddreg [dreg:$0x0];
	s2 =	stileid.u32  }
0xd1: {  	s1 =	rddreg [dreg:$0x1];
	p0 =	sne.s32 s2, $0x0  }
0xd2: {  	s3 =	rddreg [dreg:$0x2];
	[bflag:$0x3] =	sbarrier.arrive $0xFFFF;
	s2 =	simm.s32 @!p0 $0x1C03  }
0xd3: {  	[timem:s3], [sflag:s2] =	dma.local @!p0 [hbm:s0], s1  }
0xd4: {  	s0 =	simm.s32 @!p0 $0x3  }
0xd5: {  	_ =	swait.ge @!p0 [sflag:s0], s1  }
0xd6: {  	s1 =	ssub.s32 @!p0 $0x0, s1;
	[sflag:s0] =	ssyncset.done @!p0 $0x0  }
0xd7: {  	[sflag:s0] =	ssyncadd.s32 @!p0 s1  }
0xd8: {  	[bflag:$0x3] =	sbarrier.arrive $0xFFFF  }
0xd9: {  	_ =	shalt  }

// kernel: kernel.22.cloned.1.call-start
scs
__scs_entry_jumppad:
0x0: {  	(pc) =	sbr.rel $0x88, $3  }
0x1: {  	(tag) =	ssettag $0x0;
	lr =	simm.s32 $0x1  }
0x2: {  	[smem:$0x3F68] =	sst lr;
	_ =	strace $0xD0000000  }
0x3: {  	_ = 	snop  }
0x4: {  	_ = 	snop  }
0x5: {  	_ = 	snop  }
0x6: {  	_ = 	snop  }
0x7: {  	_ = 	snop  }
__scs_overlays_trampoline_lowered:
0x8: {  	[smem:$0x3F77] =	sst s0  }
0x9: {  	[smem:$0x3F78] =	sst s1  }
0xa: {  	[smem:$0x3F79] =	sst s2  }
0xb: {  	[smem:$0x3F7A] =	sst s3  }
0xc: {  	[smem:$0x3F7B] =	sst s4  }
0xd: {  	[smem:$0x3F7C] =	sst s5  }
0xe: {  	[smem:$0x3F7D] =	sst s6  }
0xf: {  	[smem:$0x3F7E] =	sst s7  }
0x10: {  	[smem:$0x3F7F] =	sst s8  }
0x11: {  	[smem:$0x3F80] =	sst s9;
	s0 =	simm.s32 @!p0 $0x0  }
0x12: {  	s1 =	sld [smem:$0x3F66];
	s0 =	simm.s32 @p0 $0x1  }
0x13: {  	[smem:$0x3F81] =	sst s0;
	s0 =	simm.s32 @!p1 $0x0  }
0x14: {  	s2 =	sld [smem:$0x3F65];
	s0 =	simm.s32 @p1 $0x1  }
0x15: {  	[smem:$0x3F82] =	sst s0;
	s0 =	simm.s32 @!p2 $0x0  }
0x16: {  	s3 =	sld [smem:$0x3FDB];
	s0 =	simm.s32 @p2 $0x1  }
0x17: {  	s4 =	simm.s32 $0x1BF5;
	[smem:$0x3F84] =	sst s0  }
0x18: {  	s0 =	sld [smem:$0x3F67];
	_ =	swait.ge [sflag:s4], $0x0  }
0x19: {  	s7 =	sld [smem:$0x3F68]  }
0x1a: {  	s8 =	sadd.s32 $0xFFFFE003, lr  }
0x1b: {  	s9 =	sadd.s32 $0xFFFFFEF7, lr;
	s5 =	simm.s32 $0xFFFFFFFF;
	p2 =	slt.u32 s8, $0xFFFFF086  }
0x1c: {  	p1 =	slt.u32 s9, $0xF7A;
	s5 =	simm.s32 @!p2 $0x0  }
0x1d: {  	s5 =	simm.s32 @p1 $0x1;
	p0 =	seq.s32 s7, s2  }
0x1e: {  	s7 =	smul.u32 @!p0 $0xF7A, s2;
	p2 =	seq.s32 @!p0 s5, $0x0  }
0x1f: {  	s9 =	smul.u32 $0xF7A, s1;
	s8 =	simm.s32 @!p0 $0x1BF5;
	p2 =	por !p2, p0  }
0x20: {  	[sflag:s8] =	ssyncset.s32 @!p0 $0xFFFFF086;
	s6 =	sadd.s32 @!p0 s3, s7;
	s7 =	simm.s32 @!p0 $0x108  }
0x21: {  	s3 =	sadd.s32 s3, s9;
	s6 =	sadd.s32 @!p0 $0x88, s6;
	s7 =	simm.s32 @p2 $0x1082  }
0x22: {  	[simem:s7], [sflag:s8] =	dma.local @!p0 [hbm:s6], $0xF7A  }
0x23: {  	s9 =	sor.u32 $0xD0000000, s2;
	s6 =	simm.s32 $0x108;
	_ =	swait.ge @!p0 [sflag:s8], $0x0  }
0x24: {  	s3 =	sadd.s32 $0x88, s3;
	s6 =	simm.s32 @!p1 $0x1082;
	[sflag:s4] =	ssyncset.s32 $0xFFFFF086  }
0x25: {  	[simem:s6], [sflag:s4] =	dma.local [hbm:s3], $0xF7A  }
0x26: {  	[smem:$0x3F68] =	sst s1;
	(tag) =	ssettag s2;
	_ =	strace s9  }
0x27: {  	s1 =	sld [smem:$0x3F78]  }
0x28: {  	s2 =	sld [smem:$0x3F79]  }
0x29: {  	s4 =	sld [smem:$0x3F7B]  }
0x2a: {  	p0 =	seq.s32 s5, $0x0;
	s5 =	sld [smem:$0x3F7C]  }
0x2b: {  	s6 =	sld [smem:$0x3F7D]  }
0x2c: {  	s7 =	sld [smem:$0x3F7E]  }
0x2d: {  	s3 =	simm.s32 $0x108;
	s8 =	sld [smem:$0x3F7F]  }
0x2e: {  	s3 =	simm.s32 @!p0 $0x1082;
	s9 =	sld [smem:$0x3F80]  }
0x2f: {  	lr =	sadd.s32 s0, s3;
	s0 =	sld [smem:$0x3F77]  }
0x30: {  	s3 =	sld [smem:$0x3F7A]  }
0x31: {  	[smem:$0x3F83] =	sst s10  }
0x32: {  	s10 =	sld [smem:$0x3F81];
	_ =	sdelay $0x3  }
0x33: {  	p0 =	seq.s32 s10, $0x1;
	s10 =	sld [smem:$0x3F83];
	_ =	sdelay $0x3  }
0x34: {  	[smem:$0x3F83] =	sst s10  }
0x35: {  	s10 =	sld [smem:$0x3F82];
	_ =	sdelay $0x3  }
0x36: {  	p1 =	seq.s32 s10, $0x1;
	s10 =	sld [smem:$0x3F83];
	_ =	sdelay $0x3  }
0x37: {  	[smem:$0x3F83] =	sst s10  }
0x38: {  	s10 =	sld [smem:$0x3F84]  }
0x39: {  	_ = 	snop;
	(pc) =	sbr.ind lr, $3  }
0x3a: {  	_ = 	snop  }
0x3b: {  	_ = 	snop  }
0x3c: {  	p2 =	seq.s32 s10, $0x1;
	s10 =	sld [smem:$0x3F83]  }
0x3d: {  	_ =	shalt  }
0x3e: {  	_ =	shalt  }
0x3f: {  	_ =	shalt  }
0x40: {  	_ =	shalt  }
0x41: {  	_ =	shalt  }
0x42: {  	_ =	shalt  }
0x43: {  	_ =	shalt  }
0x44: {  	_ =	shalt  }
0x45: {  	_ =	shalt  }
0x46: {  	_ =	shalt  }
0x47: {  	_ =	shalt  }
0x48: {  	_ =	shalt  }
0x49: {  	_ =	shalt  }
0x4a: {  	_ =	shalt  }
0x4b: {  	_ =	shalt  }
0x4c: {  	_ =	shalt  }
0x4d: {  	_ =	shalt  }
0x4e: {  	_ =	shalt  }
0x4f: {  	_ =	shalt  }
0x50: {  	_ =	shalt  }
0x51: {  	_ =	shalt  }
0x52: {  	_ =	shalt  }
0x53: {  	_ =	shalt  }
0x54: {  	_ =	shalt  }
0x55: {  	_ =	shalt  }
0x56: {  	_ =	shalt  }
0x57: {  	_ =	shalt  }
0x58: {  	_ =	shalt  }
0x59: {  	_ =	shalt  }
0x5a: {  	_ =	shalt  }
0x5b: {  	_ =	shalt  }
0x5c: {  	_ =	shalt  }
0x5d: {  	_ =	shalt  }
0x5e: {  	_ =	shalt  }
0x5f: {  	_ =	shalt  }
0x60: {  	_ =	shalt  }
0x61: {  	_ =	shalt  }
0x62: {  	_ =	shalt  }
0x63: {  	_ =	shalt  }
0x64: {  	_ =	shalt  }
0x65: {  	_ =	shalt  }
0x66: {  	_ =	shalt  }
0x67: {  	_ =	shalt  }
0x68: {  	_ =	shalt  }
0x69: {  	_ =	shalt  }
0x6a: {  	_ =	shalt  }
0x6b: {  	_ =	shalt  }
0x6c: {  	_ =	shalt  }
0x6d: {  	_ =	shalt  }
0x6e: {  	_ =	shalt  }
0x6f: {  	_ =	shalt  }
0x70: {  	_ =	shalt  }
0x71: {  	_ =	shalt  }
0x72: {  	_ =	shalt  }
0x73: {  	_ =	shalt  }
0x74: {  	_ =	shalt  }
0x75: {  	_ =	shalt  }
0x76: {  	_ =	shalt  }
0x77: {  	_ =	shalt  }
0x78: {  	_ =	shalt  }
0x79: {  	_ =	shalt  }
0x7a: {  	_ =	shalt  }
0x7b: {  	_ =	shalt  }
0x7c: {  	_ =	shalt  }
0x7d: {  	_ =	shalt  }
0x7e: {  	_ =	shalt  }
0x7f: {  	_ =	shalt  }
0x80: {  	_ =	shalt  }
0x81: {  	_ =	shalt  }
0x82: {  	_ =	shalt  }
0x83: {  	_ =	shalt  }
0x84: {  	_ =	shalt  }
0x85: {  	_ =	shalt  }
0x86: {  	_ =	shalt  }
0x87: {  	_ =	shalt  }
.Lfunc_end0:
.L_simem_size_0:
called_computation.3_lowered:
.L_overlay_start_0:
0x88: {  	s2 =	sld [smem:$0x3FD9]  }
0x89: {  	s3 =	sld [smem:$0x3FFE];
	_ =	sdelay $0x1  }
0x8a: {  	s1 =	srdreg.scid  }
0x8b: {  	s0 =	sand.u32 $0x1, s1  }
0x8c: {  	s16 =	sshll.u32 s0, $0xA;
	s2 =	sadd.s32 s3, s2  }
0x8d: {  	s2 =	sadd.s32 s2, s16  }
0x8e: {  	[smem:$0x3F8F] =	sst s2  }
0x8f: {  	_ = 	snop  }
0x90: {  	(tm) =	ssettm $0x1  }
0x91: {  	s17 =	sld [smem:$0x3FFB];
	_ =	sdelay $0x3  }
0x92: {  	_ =	strace s17  }
0x93: {  	s2 =	sld [smem:$0x3FFC];
	_ =	sdelay $0x3  }
0x94: {  	_ =	strace s2  }
0x95: {  	s2 =	sld [smem:$0x3FFD];
	_ =	sdelay $0x3  }
0x96: {  	_ =	strace s2  }
0x97: {  	_ =	strace $0x8FFFFFFF  }
0x98: {  	s18 =	sld [smem:$0x3FDB];
	_ =	sdelay $0x1  }
0x99: {  	s19 =	simm.s32 $_scs_section_size  }
0x9a: {  	s4 =	simm.s32 $_size__tile_overlayer_lowered;
	s5 =	simm.s32 $_tile_overlayer_lowered  }
0x9b: {  	s22 =	simm.s32 $0x1BFF;
	s21 =	sshll.u32 s5, $0x1;
	s2 =	sadd.s32 s19, s18  }
0x9c: {  	s6 =	simm.s32 $0x0;
	s20 =	sshll.u32 s4, $0x1;
	s4 =	sadd.s32 s21, s2  }
0x9d: {  	[timem:s6], [sflag:s22] =	dma.local [hbm:s4], s20  }
0x9e: {  	_ =	swait.ge [sflag:s22], s20  }
0x9f: {  	s3 =	ssub.s32 $0x0, s20;
	[sflag:s22] =	ssyncset.done $0x0  }
0xa0: {  	[sflag:s22] =	ssyncadd.s32 s3;
	_ =	sdelay $0x1  }
0xa1: {  	s23 =	simm.s32 $0x1B8B  }
0xa2: {  	_ =	swait.ge [sflag:s23], $0x1  }
0xa3: {  	[sflag:s23] =	ssyncset.done $0x0  }
0xa4: {  	s25 =	simm.s32 $0x1B8E;
	s24 =	sld [smem:$0x3FFE];
	[sflag:s23] =	ssyncadd.s32 $0xFFFFFFFF  }
0xa5: {  	s26 =	simm.s32 $execute0_lowered;
	[smem:$0x3FD2] =	sst s25  }
0xa6: {  	s4 =	sshll.u32 s26, $0x1;
	_ =	strace $0x8000004F;
	[dreg:$0x1] =	wrdreg $0xFFFFFFFF  }
0xa7: {  	s28 =	simm.s32 $_size_execute0_lowered;
	s2 =	sadd.s32 s2, s4;
	[dreg:$0x0] =	wrdreg $0x0  }
0xa8: {  	s4 =	sshll.u32 s28, $0x1;
	[dreg:$0x2] =	wrdreg s2  }
0xa9: {  	[dreg:$0x3] =	wrdreg s4  }
0xaa: {  	[dreg:$0x4] =	wrdreg $0xC0  }
0xab: {  	_ =	task [dreg:s6], $0x5FFFF  }
0xac: {  	[dreg:$0x1] =	wrdreg $0xFFFFFFFF  }
0xad: {  	[dreg:$0x0] =	wrdreg $0x60  }
0xae: {  	[dreg:$0x2] =	wrdreg s24  }
0xaf: {  	[dreg:$0x3] =	wrdreg $0x0  }
0xb0: {  	[dreg:$0x4] =	wrdreg $0x9  }
0xb1: {  	_ =	task.clear_ibuf [dreg:s6], $0x5FFFF;
	_ =	strace $0x9000004F  }
0xb2: {  	s29 =	simm.s32 $0x9;
	_ =	strace $0x80000051  }
0xb3: {  	_ =	swait.ge [sflag:s29], $0x1  }
0xb4: {  	[sflag:s29] =	ssyncadd.s32 $0xFFFFFFFF  }
0xb5: {  	_ =	strace $0x90000051  }
0xb6: {  	_ =	sfence  }
0xb7: {  	s30 =	sld [smem:$0x0];
	_ =	sdelay $0x2  }
0xb8: {  	s31 =	sshll.u32 s1, $0xD;
	s1 =	sshrl.u32 s1, $0x2  }
0xb9: {  	s3 =	sand.u32 $0x4000, s31;
	s1 =	sadd.s32 s1, s30  }
0xba: {  	s0 =	sor.u32 s3, s0;
	s1 =	sshll.u32 s1, $0x11  }
0xbb: {  	s0 =	sor.u32 s1, s0  }
0xbc: {  	s0 =	sadd.s32 $0x8F2B, s0  }
0xbd: {  	[sflag:s0] =	ssyncadd.remote.s32 $0x1  }
0xbe: {  	_ =	sfence.sel $0xFFFF  }
0xbf: {  	[dreg:$0x0] =	wrdreg $0xFFFFFFFF;
	(pc) =	sbr.abs _section_cstart, $3  }
0xc0: {  	[dreg:$0x1] =	wrdreg $0xFFFFFFFF  }
0xc1: {  	_ =	task.clear_ibuf [dreg:s6], $0x2FFFF;
	_ =	strace $0x9FFFFFFF  }
0xc2: {  	(tm) =	ssettm $0x7FFFFFFF  }
0xc3: {  	_ =	shalt  }
tec
execute0_lowered:
.L_overlay_start_1:
0x0: {  	(tag) =	ssettag $0x1  }
0x1: {  	s0 =	rddreg [dreg:$0x0];
	s1 =	srdreg.scid  }
0x2: {  	s2 =	rddreg [dreg:$0x1];
	s9 =	stileid.u32  }
0x3: {  	s3 =	simm.s32 $0x0;
	s11 =	simm.s32 $0x18700;
	s12 =	simm.s32 $0x1C700  }
0x4: {  	s13 =	simm.s32 $0x80;
	s14 =	simm.s32 $0x1C780;
	s15 =	simm.s32 $0x18F00  }
0x5: {  	s16 =	simm.s32 $0x1C800;
	s17 =	simm.s32 $0x19700;
	s18 =	simm.s32 $0x1C880  }
0x6: {  	s19 =	simm.s32 $0x19F00;
	s20 =	simm.s32 $0x1C900;
	s5 =	smul.u32 $0x19000, s9  }
0x7: {  	s28 =	simm.s32 $0x1CA80;
	s29 =	simm.s32 $0x1BF00;
	s24 =	smul.u32 $0x18700, s9  }
0x8: {  	s1 =	sand.u32 $0x1, s1;
	s25 =	sshll.u32 s9, $0x6;
	s9 =	smul.u32 $0x32000, s9  }
0x9: {  	s30 =	simm.s32 $0x1;
	s31 =	simm.s32 $0x0;
	s4 =	smul.u32 $0x190000, s1  }
0xa: {  	[smem:$0x7FF] =	sst s3;
	s22 =	sadd.s32 $0xD400, s0;
	s6 =	smul.u32 $0x320000, s1  }
0xb: {  	_ =	strace $0x80000050;
	s21 =	smul.u32 $0x30E00, s1;
	s1 =	ssub.s32 $0x2, s1  }
0xc: {  	[dreg:$0x3] =	wrdreg s22;
	s22 =	simm.s32 $0x1C980;
	s23 =	sshrl.u32 s1, $0x1  }
0xd: {  	s10 =	sadd.s32 s24, s2;
	s24 =	sshrl.u32 s24, $0x3;
	s4 =	sadd.s32 s5, s4  }
0xe: {  	s7 =	sadd.s32 s6, s0;
	s1 =	ssub.s32 s1, s23;
	s5 =	sor.u32 $0x1C02, s25  }
0xf: {  	s23 =	simm.s32 $0x1AF00;
	s25 =	simm.s32 $0x1CA00;
	s4 =	sshrl.u32 s4, $0x3  }
0x10: {  	s6 =	smax.u32 s1, $0x1;
	s26 =	sadd.s32 s9, s7;
	s9 =	sshrl.u32 s10, $0x3  }
0x11: {  	s10 =	simm.s32 $0x2;
	s8 =	sadd.s32 s4, s0;
	s0 =	sadd.s32 s21, s0  }
0x12: {  	s1 =	sadd.s32 $0x1494800, s26;
	s21 =	simm.s32 $0x1A700;
	s0 =	sadd.s32 $0x75400, s0  }
0x13: {  	s26 =	simm.s32 $0x1B700;
	s8 =	sadd.s32 $0x13FA00, s8;
	s24 =	sadd.s32 s24, s0  }
.LBB2_1:
0x14: {  	s0 =	rddreg [dreg:$0x3]  }
0x15: {  	[spmem:s9], [sflag:s5] =	dma.local [hbm:s0], $0x30E0  }
0x16: {  	_ =	swait.ge [sflag:s10], $0x30E0  }
0x17: {  	[sflag:s10] =	ssyncset.done $0x0  }
0x18: {  	[sflag:s10] =	ssyncadd.s32 $0xFFFFCF20  }
0x19: {  	[bflag:$0x0] =	sbarrier.arrive $0xFFFF  }
0x1a: {  	[tilespmem:s11], [sflag:$0x2] =	stream.linear.gather [hbm4b:s1+s3], $0x4000, $0x38;
	[tilespmem:$0x1CB00] =	vst v63  }
0x1b: {  	_ =	swait.ge [sflag:s10], $0x4000  }
0x1c: {  	[sflag:s10] =	ssyncset.done $0x0  }
0x1d: {  	s7 =	sadd.s32 $0x0, s8;
	[sflag:s10] =	ssyncadd.s32 $0xFFFFC000  }
0x1e: {  	[tilespmem:s12], [sflag:$0x2] =	stream.linear.gather [hbm4b:s7+s3], $0x400, $0x38;
	[tilespmem:$0x1CB00] =	vst v63  }
0x1f: {  	_ =	swait.ge [sflag:s10], $0x400  }
0x20: {  	[sflag:s10] =	ssyncset.done $0x0  }
0x21: {  	[sflag:s10] =	ssyncadd.s32 $0xFFFFFC00  }
0x22: {  	[spmem:s2] =	stream.indirect.scatter.add.f32 [tilespmem:s11], [sflag:$0x1], $0x10, s12, s13, $0xb8;
	[tilespmem:$0x1CB00] =	vst v63  }
0x23: {  	_ = 	snop  }
0x24: {  	[spmem:s2] =	stream.indirect.scatter.add.f32 [tilespmem:s15], [sflag:$0x1], $0x10, s14, s13, $0xb8;
	[tilespmem:$0x1CB00] =	vst v63  }
0x25: {  	_ = 	snop  }
0x26: {  	[spmem:s2] =	stream.indirect.scatter.add.f32 [tilespmem:s17], [sflag:$0x1], $0x10, s16, s13, $0xb8;
	[tilespmem:$0x1CB00] =	vst v63  }
0x27: {  	_ = 	snop  }
0x28: {  	[spmem:s2] =	stream.indirect.scatter.add.f32 [tilespmem:s19], [sflag:$0x1], $0x10, s18, s13, $0xb8;
	[tilespmem:$0x1CB00] =	vst v63  }
0x29: {  	_ = 	snop  }
0x2a: {  	[spmem:s2] =	stream.indirect.scatter.add.f32 [tilespmem:s21], [sflag:$0x1], $0x10, s20, s13, $0xb8;
	[tilespmem:$0x1CB00] =	vst v63  }
0x2b: {  	_ = 	snop  }
0x2c: {  	[spmem:s2] =	stream.indirect.scatter.add.f32 [tilespmem:s23], [sflag:$0x1], $0x10, s22, s13, $0xb8;
	[tilespmem:$0x1CB00] =	vst v63  }
0x2d: {  	_ = 	snop  }
0x2e: {  	[spmem:s2] =	stream.indirect.scatter.add.f32 [tilespmem:s26], [sflag:$0x1], $0x10, s25, s13, $0xb8;
	[tilespmem:$0x1CB00] =	vst v63  }
0x2f: {  	_ = 	snop  }
0x30: {  	[spmem:s2] =	stream.indirect.scatter.add.f32 [tilespmem:s29], [sflag:$0x1], $0x10, s28, s13, $0xb8;
	[tilespmem:$0x1CB00] =	vst v63  }
0x31: {  	_ =	swait.ge [sflag:s30], $0x800  }
0x32: {  	[sflag:s30] =	ssyncset.done $0x0  }
0x33: {  	[sflag:s30] =	ssyncadd.s32 $0xFFFFF800  }
0x34: {  	_ =	swait.ge [sflag:s30], $0x800  }
0x35: {  	[sflag:s30] =	ssyncset.done $0x0  }
0x36: {  	[sflag:s30] =	ssyncadd.s32 $0xFFFFF800  }
0x37: {  	_ =	swait.ge [sflag:s30], $0x800  }
0x38: {  	[sflag:s30] =	ssyncset.done $0x0  }
0x39: {  	[sflag:s30] =	ssyncadd.s32 $0xFFFFF800  }
0x3a: {  	_ =	swait.ge [sflag:s30], $0x800  }
0x3b: {  	[sflag:s30] =	ssyncset.done $0x0  }
0x3c: {  	[sflag:s30] =	ssyncadd.s32 $0xFFFFF800  }
0x3d: {  	_ =	swait.ge [sflag:s30], $0x800  }
0x3e: {  	[sflag:s30] =	ssyncset.done $0x0  }
0x3f: {  	[sflag:s30] =	ssyncadd.s32 $0xFFFFF800  }
0x40: {  	_ =	swait.ge [sflag:s30], $0x800  }
0x41: {  	[sflag:s30] =	ssyncset.done $0x0  }
0x42: {  	[sflag:s30] =	ssyncadd.s32 $0xFFFFF800  }
0x43: {  	_ =	swait.ge [sflag:s30], $0x800  }
0x44: {  	[sflag:s30] =	ssyncset.done $0x0  }
0x45: {  	[sflag:s30] =	ssyncadd.s32 $0xFFFFF800  }
0x46: {  	_ =	swait.ge [sflag:s30], $0x800  }
0x47: {  	s0 =	simm.s32 $0x80;
	s7 =	smov.u32 s1;
	[sflag:s30] =	ssyncset.done $0x0  }
.LBB2_2:
0x48: {  	p0 =	sne.s32 s0, $0x3180;
	[sflag:s30] =	ssyncadd.s32 $0xFFFFF800;
	s7 =	sadd.s32 $0x800, s7  }
0x49: {  	[tilespmem:s11], [sflag:$0x2] =	stream.linear.gather [hbm4b:s7+s3], $0x4000, $0x38;
	[tilespmem:$0x1CB00] =	vst v63  }
0x4a: {  	s4 =	smov.u32 s0;
	s0 =	sadd.s32 $0x80, s0;
	_ =	swait.ge [sflag:s10], $0x4000  }
0x4b: {  	[sflag:s10] =	ssyncset.done $0x0  }
0x4c: {  	s4 =	sadd.s32 s4, s8;
	[sflag:s10] =	ssyncadd.s32 $0xFFFFC000  }
0x4d: {  	[tilespmem:s12], [sflag:$0x2] =	stream.linear.gather [hbm4b:s4+s3], $0x400, $0x38;
	[tilespmem:$0x1CB00] =	vst v63  }
0x4e: {  	_ =	swait.ge [sflag:s10], $0x400  }
0x4f: {  	[sflag:s10] =	ssyncset.done $0x0  }
0x50: {  	[sflag:s10] =	ssyncadd.s32 $0xFFFFFC00  }
0x51: {  	[spmem:s2] =	stream.indirect.scatter.add.f32 [tilespmem:s11], [sflag:$0x1], $0x10, s12, s13, $0xb8;
	[tilespmem:$0x1CB00] =	vst v63  }
0x52: {  	_ = 	snop  }
0x53: {  	[spmem:s2] =	stream.indirect.scatter.add.f32 [tilespmem:s15], [sflag:$0x1], $0x10, s14, s13, $0xb8;
	[tilespmem:$0x1CB00] =	vst v63  }
0x54: {  	_ = 	snop  }
0x55: {  	[spmem:s2] =	stream.indirect.scatter.add.f32 [tilespmem:s17], [sflag:$0x1], $0x10, s16, s13, $0xb8;
	[tilespmem:$0x1CB00] =	vst v63  }
0x56: {  	_ = 	snop  }
0x57: {  	[spmem:s2] =	stream.indirect.scatter.add.f32 [tilespmem:s19], [sflag:$0x1], $0x10, s18, s13, $0xb8;
	[tilespmem:$0x1CB00] =	vst v63  }
0x58: {  	_ = 	snop  }
0x59: {  	[spmem:s2] =	stream.indirect.scatter.add.f32 [tilespmem:s21], [sflag:$0x1], $0x10, s20, s13, $0xb8;
	[tilespmem:$0x1CB00] =	vst v63  }
0x5a: {  	_ = 	snop  }
0x5b: {  	[spmem:s2] =	stream.indirect.scatter.add.f32 [tilespmem:s23], [sflag:$0x1], $0x10, s22, s13, $0xb8;
	[tilespmem:$0x1CB00] =	vst v63  }
0x5c: {  	_ = 	snop  }
0x5d: {  	[spmem:s2] =	stream.indirect.scatter.add.f32 [tilespmem:s26], [sflag:$0x1], $0x10, s25, s13, $0xb8;
	[tilespmem:$0x1CB00] =	vst v63  }
0x5e: {  	_ = 	snop  }
0x5f: {  	[spmem:s2] =	stream.indirect.scatter.add.f32 [tilespmem:s29], [sflag:$0x1], $0x10, s28, s13, $0xb8;
	[tilespmem:$0x1CB00] =	vst v63  }
0x60: {  	_ =	swait.ge [sflag:s30], $0x800  }
0x61: {  	[sflag:s30] =	ssyncset.done $0x0  }
0x62: {  	[sflag:s30] =	ssyncadd.s32 $0xFFFFF800  }
0x63: {  	_ =	swait.ge [sflag:s30], $0x800  }
0x64: {  	[sflag:s30] =	ssyncset.done $0x0  }
0x65: {  	[sflag:s30] =	ssyncadd.s32 $0xFFFFF800  }
0x66: {  	_ =	swait.ge [sflag:s30], $0x800  }
0x67: {  	[sflag:s30] =	ssyncset.done $0x0  }
0x68: {  	[sflag:s30] =	ssyncadd.s32 $0xFFFFF800  }
0x69: {  	_ =	swait.ge [sflag:s30], $0x800  }
0x6a: {  	[sflag:s30] =	ssyncset.done $0x0  }
0x6b: {  	[sflag:s30] =	ssyncadd.s32 $0xFFFFF800  }
0x6c: {  	_ =	swait.ge [sflag:s30], $0x800  }
0x6d: {  	[sflag:s30] =	ssyncset.done $0x0  }
0x6e: {  	[sflag:s30] =	ssyncadd.s32 $0xFFFFF800  }
0x6f: {  	_ =	swait.ge [sflag:s30], $0x800  }
0x70: {  	[sflag:s30] =	ssyncset.done $0x0  }
0x71: {  	[sflag:s30] =	ssyncadd.s32 $0xFFFFF800  }
.Ltmp0:
0x72: {  	_ =	swait.ge [sflag:s30], $0x800;
	(pc) =	sbr.rel @p0 .LBB2_2-.Ltmp0, $4  }
0x73: {  	[sflag:s30] =	ssyncset.done $0x0  }
0x74: {  	[sflag:s30] =	ssyncadd.s32 $0xFFFFF800  }
0x75: {  	_ =	swait.ge [sflag:s30], $0x800  }
0x76: {  	[sflag:s30] =	ssyncset.done $0x0  }
0x77: {  	s31 =	sadd.s32 $0x1, s31  }
0x78: {  	[sflag:s30] =	ssyncadd.s32 $0xFFFFF800;
	p0 =	sne.s32 s31, s6  }
.Ltmp1:
0x79: {  	[bflag:$0x0] =	sbarrier.arrive $0xFFFF;
	(pc) =	sbr.rel @p0 .LBB2_1-.Ltmp1, $4  }
0x7a: {  	[hbm:s24], [sflag:s5] =	dma.local [spmem:s9], $0x30E0  }
0x7b: {  	_ =	swait.ge [sflag:s10], $0x30E0  }
0x7c: {  	[sflag:s10] =	ssyncset.done $0x0  }
0x7d: {  	[sflag:s10] =	ssyncadd.s32 $0xFFFFCF20  }
0x7e: {  	_ =	sfence.sel $0x180000  }
0x7f: {  	[bflag:$0x0] =	sbarrier.arrive $0xFFFF  }
0x80: {  	_ =	strace $0x90000050  }
0x81: {  	s0 =	stileid.u32;
	[bflag:$0x2] =	sbarrier.arrive $0xFFFF  }
0x82: {  	p0 =	sne.s32 s0, $0x0;
	s0 =	rddreg [dreg:$0x2]  }
0x83: {  	s0 =	sadd.s32 @!p0 $0x100000, s0  }
0x84: {  	[sflag:s0] =	ssyncadd.tile.s32 @!p0 $0x1;
	_ =	shalt  }
.Lfunc_end2:
_tile_overlayer_lowered:
.L_overlay_start_2:
0x85: {  	(tag) =	ssettag $0x2  }
0x86: {  	s0 =	rddreg [dreg:$0x0];
	s2 =	stileid.u32  }
0x87: {  	s1 =	rddreg [dreg:$0x1];
	p0 =	sne.s32 s2, $0x0  }
0x88: {  	s3 =	rddreg [dreg:$0x2];
	[bflag:$0x3] =	sbarrier.arrive $0xFFFF;
	s2 =	simm.s32 @!p0 $0x1C02  }
0x89: {  	[timem:s3], [sflag:s2] =	dma.local @!p0 [hbm:s0], s1  }
0x8a: {  	s0 =	simm.s32 @!p0 $0x2  }
0x8b: {  	_ =	swait.ge @!p0 [sflag:s0], s1  }
0x8c: {  	s1 =	ssub.s32 @!p0 $0x0, s1;
	[sflag:s0] =	ssyncset.done @!p0 $0x0  }
0x8d: {  	[sflag:s0] =	ssyncadd.s32 @!p0 s1  }
0x8e: {  	[bflag:$0x3] =	sbarrier.arrive $0xFFFF  }
0x8f: {  	_ =	shalt  }

</sc_bundles>
